<compile_context>
chip_gen: v7x
topology: tpu7x:2x2x1
jax: 0.10.2.dev20260603
libtpu: 0.0.44.dev20260713+nightly
codegen_flags: <defaults>
</compile_context>

<pallas_src>
import functools

import jax
import jax.numpy as jnp
from jax import lax
from jax.experimental import pallas as pl
from jax.experimental.pallas import tpu as pltpu
from jax.experimental.pallas import tpu_sc as plsc

SENT = 4096
N_ANN = 64
WORD_DIM = 300
JEMB_DIM = 512
BI = 512
BO = 512

_dot = functools.partial(jnp.dot, precision=lax.Precision.HIGHEST,
                         preferred_element_type=jnp.float32)


def _rank_body(e_full_ref, e_blk_ref, r_ref):
    pid = pl.program_id(0)
    ef = e_full_ref[...][None, :]
    eb = e_blk_ref[...][:, None]
    j = lax.broadcasted_iota(jnp.int32, (BI, SENT), 1)
    i = pid * BI + lax.broadcasted_iota(jnp.int32, (BI, SENT), 0)
    before = jnp.logical_or(ef < eb, jnp.logical_and(ef == eb, j < i))
    r_ref[...] = jnp.sum(before.astype(jnp.int32), axis=1)




def _uv_body(fc7_ref, p5_ref, fl_ref, wf_ref, wp_ref, bv_ref, wl_ref,
             u_ref, v_ref):
    proj = jnp.maximum(
        _dot(fc7_ref[...], wf_ref[...]) + _dot(p5_ref[...], wp_ref[...])
        + bv_ref[...][None, :], 0.0)
    wl = wl_ref[...]
    fl = fl_ref[...]
    u_ref[...] = proj + _dot(fl, wl[0:5] + wl[10:15])
    v_ref[...] = proj + _dot(fl, wl[5:10] - wl[10:15])


def _out_body(i_ref, u_ref, v_ref, bl_ref, fc7_ref, pair_ref, e1_ref, e0_ref):
    idx = i_ref[...][:, 0]
    a = idx // N_ANN
    b = idx - a * N_ANN
    ja = lax.broadcasted_iota(jnp.int32, (BO, N_ANN), 1)
    oa = (a[:, None] == ja).astype(jnp.float32)
    ob = (b[:, None] == ja).astype(jnp.float32)
    pair_ref[...] = jnp.maximum(
        _dot(oa, u_ref[...]) + _dot(ob, v_ref[...]) + bl_ref[...][None, :], 0.0)
    fc7 = fc7_ref[...]
    e1_ref[...] = jnp.dot(ob, fc7, preferred_element_type=jnp.float32)
    e0_ref[...] = jnp.dot(oa, fc7, preferred_element_type=jnp.float32)


WPAD = 384


def _unrank_scatter(rank):
    info = plsc.get_sparse_core_info()
    n_workers = info.num_cores * info.num_subcores
    rows_per_w = SENT // n_workers
    mesh = plsc.VectorSubcoreMesh(core_axis_name="c", subcore_axis_name="s")

    @functools.partial(
        pl.kernel,
        out_type=jax.ShapeDtypeStruct((SENT, 16), jnp.int32),
        mesh=mesh,
        scratch_types=[
            pltpu.VMEM((rows_per_w,), jnp.int32),
            pltpu.VMEM((rows_per_w, 16), jnp.int32),
            pltpu.SemaphoreType.DMA,
        ],
        compiler_params=pltpu.CompilerParams(use_tc_tiling_on_sc=False),
    )
    def scatter(rank_hbm, oi, rank_v, ival_v, sem):
        wid = lax.axis_index("s") * info.num_cores + lax.axis_index("c")
        base = wid * rows_per_w
        pltpu.sync_copy(rank_hbm.at[pl.ds(base, rows_per_w)], rank_v)
        for r in range(rows_per_w):
            ival_v[r, :] = jnp.broadcast_to(base + r, (16,))
        pltpu.async_copy(ival_v, oi.at[rank_v], sem).wait()

    return scatter(rank)


def _wordemb_scatter(t0, t1, t2, t3, rank):
    info = plsc.get_sparse_core_info()
    n_workers = info.num_cores * info.num_subcores
    rows_per_w = SENT // n_workers
    chunk = 64
    n_chunks = rows_per_w // chunk
    mesh = plsc.VectorSubcoreMesh(core_axis_name="c", subcore_axis_name="s")

    @functools.partial(
        pl.kernel,
        out_type=[jax.ShapeDtypeStruct((SENT, WPAD), jnp.float32)] * 4,
        mesh=mesh,
        scratch_types=[
            pltpu.VMEM((chunk,), jnp.int32),
            [pltpu.VMEM((chunk, WPAD), jnp.float32)] * 4,
            pltpu.SemaphoreType.DMA,
            pltpu.SemaphoreType.DMA,
        ],
        compiler_params=pltpu.CompilerParams(use_tc_tiling_on_sc=True),
    )
    def scatter(b0, b1, b2, b3, rank_hbm, o0, o1, o2, o3,
                rank_v, rows_v, sem_in, sem_out):
        wid = lax.axis_index("s") * info.num_cores + lax.axis_index("c")
        tables = (b0, b1, b2, b3)
        outs = (o0, o1, o2, o3)
        for ch in range(n_chunks):
            base = wid * rows_per_w + ch * chunk
            pltpu.sync_copy(rank_hbm.at[pl.ds(base, chunk)], rank_v)
            reads = [pltpu.async_copy(tables[t].at[pl.ds(base, chunk)],
                                      rows_v[t], sem_in) for t in range(4)]
            writes = []
            for t in range(4):
                reads[t].wait()
                writes.append(
                    pltpu.async_copy(rows_v[t], outs[t].at[rank_v], sem_out))
            for w in writes:
                w.wait()

    return scatter(t0, t1, t2, t3, rank)


def kernel(pool5, sub_wordembs, sub_classembs, obj_wordembs, rel_wordembs,
           ann_pool5, ann_fc7, ann_fleats, scores,
           W_fc7, W_pool5, b_vis, W_loc, b_loc):
    fc7_dim = ann_fc7.shape[1]
    pool5_dim = ann_pool5.shape[1]

    probs = jax.nn.softmax(scores, axis=-1)
    e = -jnp.sum(probs * jnp.log(probs), axis=1)

    rank = pl.pallas_call(
        _rank_body,
        grid=(SENT // BI,),
        in_specs=[pl.BlockSpec((SENT,), lambda i: (0,)),
                  pl.BlockSpec((BI,), lambda i: (i,))],
        out_specs=pl.BlockSpec((BI,), lambda i: (i,)),
        out_shape=jax.ShapeDtypeStruct((SENT,), jnp.int32),
    )(e, e)

    idx2d = _unrank_scatter(rank)

    padded = [jnp.pad(t, ((0, 0), (0, WPAD - WORD_DIM)))
              for t in (sub_wordembs, sub_classembs, obj_wordembs, rel_wordembs)]
    perms = _wordemb_scatter(*padded, rank)
    o0, o1, o2, o3 = (p[:, :WORD_DIM] for p in perms)

    u, v = pl.pallas_call(
        _uv_body,
        in_specs=[pl.BlockSpec((N_ANN, fc7_dim), lambda: (0, 0)),
                  pl.BlockSpec((N_ANN, pool5_dim), lambda: (0, 0)),
                  pl.BlockSpec((N_ANN, 5), lambda: (0, 0)),
                  pl.BlockSpec((fc7_dim, JEMB_DIM), lambda: (0, 0)),
                  pl.BlockSpec((pool5_dim, JEMB_DIM), lambda: (0, 0)),
                  pl.BlockSpec((JEMB_DIM,), lambda: (0,)),
                  pl.BlockSpec((15, JEMB_DIM), lambda: (0, 0))],
        out_specs=[pl.BlockSpec((N_ANN, JEMB_DIM), lambda: (0, 0))] * 2,
        out_shape=[jax.ShapeDtypeStruct((N_ANN, JEMB_DIM), jnp.float32)] * 2,
    )(ann_fc7, ann_pool5, ann_fleats, W_fc7, W_pool5, b_vis, W_loc)

    pair, e1, e0 = pl.pallas_call(
        _out_body,
        grid=(SENT // BO,),
        in_specs=[pl.BlockSpec((BO, 16), lambda i: (i, 0)),
                  pl.BlockSpec((N_ANN, JEMB_DIM), lambda i: (0, 0)),
                  pl.BlockSpec((N_ANN, JEMB_DIM), lambda i: (0, 0)),
                  pl.BlockSpec((JEMB_DIM,), lambda i: (0,)),
                  pl.BlockSpec((N_ANN, fc7_dim), lambda i: (0, 0))],
        out_specs=[pl.BlockSpec((BO, JEMB_DIM), lambda i: (i, 0)),
                   pl.BlockSpec((BO, fc7_dim), lambda i: (i, 0)),
                   pl.BlockSpec((BO, fc7_dim), lambda i: (i, 0))],
        out_shape=[jax.ShapeDtypeStruct((SENT, JEMB_DIM), jnp.float32),
                   jax.ShapeDtypeStruct((SENT, fc7_dim), jnp.float32),
                   jax.ShapeDtypeStruct((SENT, fc7_dim), jnp.float32)],
    )(idx2d, u, v, b_loc, ann_fc7)

    return (o0, o1, o2, o3, pair, e1, e0)

# --- scband reference (transcript-rebuilt; emitter-appended) ---
"""Pipeline reference for scband-data-augmentation-uncertainty-new-53996328845418 (READ-ONLY COPY).

The authoritative reference and input builder live on the scoring server;
editing this copy changes nothing except your own understanding.
"""

import jax, jax.numpy as jnp
import numpy as np

FC7_DIM = 2048
POOL5_DIM = 1024
JEMB_DIM = 512
WORD_DIM = 300
N_ANN = 64
SENT_NUM = 4096
N_CLASSES = 1000


def setup_inputs(seed: int = 0) -> dict:
    key = jax.random.key(seed)
    ks = jax.random.split(key, 16)
    inp = {}
    inp['pool5'] = jax.random.normal(ks[0], (SENT_NUM, POOL5_DIM), dtype=jnp.float32)
    inp['sub_wordembs'] = jax.random.normal(ks[1], (SENT_NUM, WORD_DIM), dtype=jnp.float32)
    inp['sub_classembs'] = jax.random.normal(ks[2], (SENT_NUM, WORD_DIM), dtype=jnp.float32)
    inp['obj_wordembs'] = jax.random.normal(ks[3], (SENT_NUM, WORD_DIM), dtype=jnp.float32)
    inp['rel_wordembs'] = jax.random.normal(ks[4], (SENT_NUM, WORD_DIM), dtype=jnp.float32)
    inp['ann_pool5'] = jax.random.normal(ks[5], (N_ANN, POOL5_DIM), dtype=jnp.float32)
    inp['ann_fc7'] = jax.random.normal(ks[6], (N_ANN, FC7_DIM), dtype=jnp.float32)
    inp['ann_fleats'] = jax.random.uniform(ks[7], (N_ANN, 5), dtype=jnp.float32)
    inp['scores'] = jax.random.normal(ks[8], (SENT_NUM, N_CLASSES), dtype=jnp.float32)
    # PairEncoder learned parameters
    inp['W_fc7'] = jax.random.normal(ks[9], (FC7_DIM, JEMB_DIM), dtype=jnp.float32) * 0.02
    inp['W_pool5'] = jax.random.normal(ks[10], (POOL5_DIM, JEMB_DIM), dtype=jnp.float32) * 0.02
    inp['b_vis'] = jnp.zeros((JEMB_DIM,), dtype=jnp.float32)
    inp['W_loc'] = jax.random.normal(ks[11], (15, JEMB_DIM), dtype=jnp.float32) * 0.02
    inp['b_loc'] = jnp.zeros((JEMB_DIM,), dtype=jnp.float32)
    return inp


def _pair_encoder(pool5, ann_pool5, ann_fc7, ann_fleats, sent_num, W_fc7, W_pool5, b_vis, W_loc, b_loc):
    n_ann = ann_fc7.shape[0]
    # raw pairwise fc7 expansions (n_ann*n_ann, fc7_dim)
    expand_0_fc7 = jnp.repeat(ann_fc7, n_ann, axis=0)
    expand_1_fc7 = jnp.tile(ann_fc7, (n_ann, 1))
    # projected visual feature per ann
    proj = jnp.maximum(ann_fc7 @ W_fc7 + ann_pool5 @ W_pool5 + b_vis, 0.0)
    p0 = jnp.repeat(proj, n_ann, axis=0)
    p1 = jnp.tile(proj, (n_ann, 1))
    # pairwise location features
    f0 = jnp.repeat(ann_fleats, n_ann, axis=0)
    f1 = jnp.tile(ann_fleats, (n_ann, 1))
    loc = jnp.concatenate([f0, f1, f0 - f1], axis=1)  # (n_ann*n_ann, 15)
    loc_proj = loc @ W_loc + b_loc
    pair_feats = jnp.maximum(p0 + p1 + loc_proj, 0.0)
    # align first dim with sent_num (n_ann*n_ann == sent_num by construction)
    return pair_feats[:sent_num], expand_1_fc7[:sent_num], expand_0_fc7[:sent_num]


def reference(pool5, sub_wordembs, sub_classembs, obj_wordembs, rel_wordembs,
              ann_pool5, ann_fc7, ann_fleats, scores,
              W_fc7, W_pool5, b_vis, W_loc, b_loc):
    sent_num = max(scores.shape[0], sub_wordembs.shape[0])
    pair_feats, expand_1_fc7, expand_0_fc7 = _pair_encoder(
        pool5, ann_pool5, ann_fc7, ann_fleats, sent_num,
        W_fc7, W_pool5, b_vis, W_loc, b_loc)
    probs = jax.nn.softmax(scores, axis=-1)
    entropy = -jnp.sum(probs * jnp.log(probs), axis=1)
    indices = jnp.argsort(entropy)  # ascending == descending=False
    # scores.shape[0] == sub_wordembs.shape[0] branch
    sub_wordembs_pro = sub_wordembs[indices]
    sub_classembs_pro = sub_classembs[indices]
    obj_wordembs_pro = obj_wordembs[indices]
    rel_wordembs_pro = rel_wordembs[indices]
    return (sub_wordembs_pro, sub_classembs_pro, obj_wordembs_pro, rel_wordembs_pro,
            pair_feats[indices], expand_1_fc7[indices], expand_0_fc7[indices])

if __name__ == "__main__":
    import jax
    _d = setup_inputs()
    print(jax.jit(kernel)(*tuple(_d.values())))

</pallas_src>

<mosaic_0001>
#map = affine_map<(d0, d1) -> (0)>
#map1 = affine_map<(d0, d1) -> (0, 0)>
module attributes {stable_mosaic.version = 14 : i64} {
  func.func @scatter(%arg0: i32, %arg1: i32, %arg2: memref<4096xi32, #tpu.memory_space<hbm>>, %arg3: memref<4096x16xi32, #tpu.memory_space<hbm>>, %arg4: memref<128xi32, #tpu.memory_space<vmem>>, %arg5: memref<128x16xi32, #tpu.memory_space<vmem>>, %arg6: memref<!tpu.dma_semaphore, #tpu.memory_space<semaphore_mem>>) attributes {dimension_semantics = [#tpu.dimension_semantics<core_parallel>, #tpu.dimension_semantics<subcore_parallel>], iteration_bounds = array<i64: 2, 16>, scalar_prefetch = 0 : i64, scratch_operands = 3 : i64, tpu.core_type = #tpu.core_type<sc_vector_subcore>, window_params = [{transform_indices = #map}, {transform_indices = #map1}]} {
    %mul3A = arith.constant 2 : i32
    %mul3A_0 = arith.muli %arg1, %mul3A : i32
    %add3A = arith.addi %mul3A_0, %arg0 : i32
    %mul3A_1 = arith.constant 128 : i32
    %mul3A_2 = arith.muli %add3A, %mul3A_1 : i32
    "tpu.region"() ({
      %run_scoped3A = tpu.sem_alloc : memref<!tpu.dma_semaphore, #tpu.memory_space<semaphore_mem>>
      %dma_start3A_1157 = tpu.memref_slice %arg2[%mul3A_2] : memref<4096xi32, #tpu.memory_space<hbm>> -> memref<128xi32, #tpu.memory_space<hbm>>
      %dma_start3A_1158 = tpu.memref_slice %arg2[%mul3A_2] : memref<4096xi32, #tpu.memory_space<hbm>> -> memref<128xi32, #tpu.memory_space<hbm>>
      tpu.enqueue_dma source(%dma_start3A_1158 : memref<128xi32, #tpu.memory_space<hbm>>) target(%arg4 : memref<128xi32, #tpu.memory_space<vmem>>) target_semaphore(%run_scoped3A : memref<!tpu.dma_semaphore, #tpu.memory_space<semaphore_mem>>)
      %dma_wait3A_1159 = tpu.memref_slice %arg2[%mul3A_2] : memref<4096xi32, #tpu.memory_space<hbm>> -> memref<128xi32, #tpu.memory_space<hbm>>
      %dma_wait3A_1160 = tpu.memref_slice %arg2[%mul3A_2] : memref<4096xi32, #tpu.memory_space<hbm>> -> memref<128xi32, #tpu.memory_space<hbm>>
      tpu.wait_dma2 semaphore(%run_scoped3A : memref<!tpu.dma_semaphore, #tpu.memory_space<semaphore_mem>>) src(%dma_wait3A_1160 : memref<128xi32, #tpu.memory_space<hbm>>) dst(%arg4 : memref<128xi32, #tpu.memory_space<vmem>>)
      tpu.yield
    }) : () -> ()
    %add3A_3 = arith.constant 0 : i32
    %add3A_4 = arith.addi %mul3A_2, %add3A_3 : i32
    %broadcast_in_dim3A = vector.broadcast %add3A_4 : i32 to vector<16xi32>
    %swap3A = arith.constant 0 : i32
    %swap3A_5 = arith.index_cast %swap3A : i32 to index
    %swap3A_6 = arith.constant 0 : index
    %swap3A_7 = tpu.vector_load %arg5[%swap3A_5, %swap3A_6] {strides = array<i32>} : memref<128x16xi32, #tpu.memory_space<vmem>>, vector<1x16xi32>,
    %swap3A_8 = vector.shape_cast %swap3A_7 : vector<1x16xi32> to vector<16xi32>
    %swap3A_9 = vector.shape_cast %broadcast_in_dim3A : vector<16xi32> to vector<1x16xi32>
    tpu.vector_store %arg5[%swap3A_5, %swap3A_6], %swap3A_9 {strides = array<i32>} : memref<128x16xi32, #tpu.memory_space<vmem>>, vector<1x16xi32>,
    %add3A_10 = arith.constant 1 : i32
    %add3A_11 = arith.addi %mul3A_2, %add3A_10 : i32
    %broadcast_in_dim3A_12 = vector.broadcast %add3A_11 : i32 to vector<16xi32>
    %swap3A_13 = arith.constant 1 : i32
    %swap3A_14 = arith.index_cast %swap3A_13 : i32 to index
    %swap3A_15 = arith.constant 0 : index
    %swap3A_16 = tpu.vector_load %arg5[%swap3A_14, %swap3A_15] {strides = array<i32>} : memref<128x16xi32, #tpu.memory_space<vmem>>, vector<1x16xi32>,
    %swap3A_17 = vector.shape_cast %swap3A_16 : vector<1x16xi32> to vector<16xi32>
    %swap3A_18 = vector.shape_cast %broadcast_in_dim3A_12 : vector<16xi32> to vector<1x16xi32>
    tpu.vector_store %arg5[%swap3A_14, %swap3A_15], %swap3A_18 {strides = array<i32>} : memref<128x16xi32, #tpu.memory_space<vmem>>, vector<1x16xi32>,
    %add3A_19 = arith.constant 2 : i32
    %add3A_20 = arith.addi %mul3A_2, %add3A_19 : i32
    %broadcast_in_dim3A_21 = vector.broadcast %add3A_20 : i32 to vector<16xi32>
    %swap3A_22 = arith.constant 2 : i32
    %swap3A_23 = arith.index_cast %swap3A_22 : i32 to index
    %swap3A_24 = arith.constant 0 : index
    %swap3A_25 = tpu.vector_load %arg5[%swap3A_23, %swap3A_24] {strides = array<i32>} : memref<128x16xi32, #tpu.memory_space<vmem>>, vector<1x16xi32>,
    %swap3A_26 = vector.shape_cast %swap3A_25 : vector<1x16xi32> to vector<16xi32>
    %swap3A_27 = vector.shape_cast %broadcast_in_dim3A_21 : vector<16xi32> to vector<1x16xi32>
    tpu.vector_store %arg5[%swap3A_23, %swap3A_24], %swap3A_27 {strides = array<i32>} : memref<128x16xi32, #tpu.memory_space<vmem>>, vector<1x16xi32>,
    %add3A_28 = arith.constant 3 : i32
    %add3A_29 = arith.addi %mul3A_2, %add3A_28 : i32
    %broadcast_in_dim3A_30 = vector.broadcast %add3A_29 : i32 to vector<16xi32>
    %swap3A_31 = arith.constant 3 : i32
    %swap3A_32 = arith.index_cast %swap3A_31 : i32 to index
    %swap3A_33 = arith.constant 0 : index
    %swap3A_34 = tpu.vector_load %arg5[%swap3A_32, %swap3A_33] {strides = array<i32>} : memref<128x16xi32, #tpu.memory_space<vmem>>, vector<1x16xi32>,
    %swap3A_35 = vector.shape_cast %swap3A_34 : vector<1x16xi32> to vector<16xi32>
    %swap3A_36 = vector.shape_cast %broadcast_in_dim3A_30 : vector<16xi32> to vector<1x16xi32>
    tpu.vector_store %arg5[%swap3A_32, %swap3A_33], %swap3A_36 {strides = array<i32>} : memref<128x16xi32, #tpu.memory_space<vmem>>, vector<1x16xi32>,
    %add3A_37 = arith.constant 4 : i32
    %add3A_38 = arith.addi %mul3A_2, %add3A_37 : i32
    %broadcast_in_dim3A_39 = vector.broadcast %add3A_38 : i32 to vector<16xi32>
    %swap3A_40 = arith.constant 4 : i32
    %swap3A_41 = arith.index_cast %swap3A_40 : i32 to index
    %swap3A_42 = arith.constant 0 : index
    %swap3A_43 = tpu.vector_load %arg5[%swap3A_41, %swap3A_42] {strides = array<i32>} : memref<128x16xi32, #tpu.memory_space<vmem>>, vector<1x16xi32>,
    %swap3A_44 = vector.shape_cast %swap3A_43 : vector<1x16xi32> to vector<16xi32>
    %swap3A_45 = vector.shape_cast %broadcast_in_dim3A_39 : vector<16xi32> to vector<1x16xi32>
    tpu.vector_store %arg5[%swap3A_41, %swap3A_42], %swap3A_45 {strides = array<i32>} : memref<128x16xi32, #tpu.memory_space<vmem>>, vector<1x16xi32>,
    %add3A_46 = arith.constant 5 : i32
    %add3A_47 = arith.addi %mul3A_2, %add3A_46 : i32
    %broadcast_in_dim3A_48 = vector.broadcast %add3A_47 : i32 to vector<16xi32>
    %swap3A_49 = arith.constant 5 : i32
    %swap3A_50 = arith.index_cast %swap3A_49 : i32 to index
    %swap3A_51 = arith.constant 0 : index
    %swap3A_52 = tpu.vector_load %arg5[%swap3A_50, %swap3A_51] {strides = array<i32>} : memref<128x16xi32, #tpu.memory_space<vmem>>, vector<1x16xi32>,
    %swap3A_53 = vector.shape_cast %swap3A_52 : vector<1x16xi32> to vector<16xi32>
    %swap3A_54 = vector.shape_cast %broadcast_in_dim3A_48 : vector<16xi32> to vector<1x16xi32>
    tpu.vector_store %arg5[%swap3A_50, %swap3A_51], %swap3A_54 {strides = array<i32>} : memref<128x16xi32, #tpu.memory_space<vmem>>, vector<1x16xi32>,
    %add3A_55 = arith.constant 6 : i32
    %add3A_56 = arith.addi %mul3A_2, %add3A_55 : i32
    %broadcast_in_dim3A_57 = vector.broadcast %add3A_56 : i32 to vector<16xi32>
    %swap3A_58 = arith.constant 6 : i32
    %swap3A_59 = arith.index_cast %swap3A_58 : i32 to index
    %swap3A_60 = arith.constant 0 : index
    %swap3A_61 = tpu.vector_load %arg5[%swap3A_59, %swap3A_60] {strides = array<i32>} : memref<128x16xi32, #tpu.memory_space<vmem>>, vector<1x16xi32>,
    %swap3A_62 = vector.shape_cast %swap3A_61 : vector<1x16xi32> to vector<16xi32>
    %swap3A_63 = vector.shape_cast %broadcast_in_dim3A_57 : vector<16xi32> to vector<1x16xi32>
    tpu.vector_store %arg5[%swap3A_59, %swap3A_60], %swap3A_63 {strides = array<i32>} : memref<128x16xi32, #tpu.memory_space<vmem>>, vector<1x16xi32>,
    %add3A_64 = arith.constant 7 : i32
    %add3A_65 = arith.addi %mul3A_2, %add3A_64 : i32
    %broadcast_in_dim3A_66 = vector.broadcast %add3A_65 : i32 to vector<16xi32>
    %swap3A_67 = arith.constant 7 : i32
    %swap3A_68 = arith.index_cast %swap3A_67 : i32 to index
    %swap3A_69 = arith.constant 0 : index
    %swap3A_70 = tpu.vector_load %arg5[%swap3A_68, %swap3A_69] {strides = array<i32>} : memref<128x16xi32, #tpu.memory_space<vmem>>, vector<1x16xi32>,
    %swap3A_71 = vector.shape_cast %swap3A_70 : vector<1x16xi32> to vector<16xi32>
    %swap3A_72 = vector.shape_cast %broadcast_in_dim3A_66 : vector<16xi32> to vector<1x16xi32>
    tpu.vector_store %arg5[%swap3A_68, %swap3A_69], %swap3A_72 {strides = array<i32>} : memref<128x16xi32, #tpu.memory_space<vmem>>, vector<1x16xi32>,
    %add3A_73 = arith.constant 8 : i32
    %add3A_74 = arith.addi %mul3A_2, %add3A_73 : i32
    %broadcast_in_dim3A_75 = vector.broadcast %add3A_74 : i32 to vector<16xi32>
    %swap3A_76 = arith.constant 8 : i32
    %swap3A_77 = arith.index_cast %swap3A_76 : i32 to index
    %swap3A_78 = arith.constant 0 : index
    %swap3A_79 = tpu.vector_load %arg5[%swap3A_77, %swap3A_78] {strides = array<i32>} : memref<128x16xi32, #tpu.memory_space<vmem>>, vector<1x16xi32>,
    %swap3A_80 = vector.shape_cast %swap3A_79 : vector<1x16xi32> to vector<16xi32>
    %swap3A_81 = vector.shape_cast %broadcast_in_dim3A_75 : vector<16xi32> to vector<1x16xi32>
    tpu.vector_store %arg5[%swap3A_77, %swap3A_78], %swap3A_81 {strides = array<i32>} : memref<128x16xi32, #tpu.memory_space<vmem>>, vector<1x16xi32>,
    %add3A_82 = arith.constant 9 : i32
    %add3A_83 = arith.addi %mul3A_2, %add3A_82 : i32
    %broadcast_in_dim3A_84 = vector.broadcast %add3A_83 : i32 to vector<16xi32>
    %swap3A_85 = arith.constant 9 : i32
    %swap3A_86 = arith.index_cast %swap3A_85 : i32 to index
    %swap3A_87 = arith.constant 0 : index
    %swap3A_88 = tpu.vector_load %arg5[%swap3A_86, %swap3A_87] {strides = array<i32>} : memref<128x16xi32, #tpu.memory_space<vmem>>, vector<1x16xi32>,
    %swap3A_89 = vector.shape_cast %swap3A_88 : vector<1x16xi32> to vector<16xi32>
    %swap3A_90 = vector.shape_cast %broadcast_in_dim3A_84 : vector<16xi32> to vector<1x16xi32>
    tpu.vector_store %arg5[%swap3A_86, %swap3A_87], %swap3A_90 {strides = array<i32>} : memref<128x16xi32, #tpu.memory_space<vmem>>, vector<1x16xi32>,
    %add3A_91 = arith.constant 10 : i32
    %add3A_92 = arith.addi %mul3A_2, %add3A_91 : i32
    %broadcast_in_dim3A_93 = vector.broadcast %add3A_92 : i32 to vector<16xi32>
    %swap3A_94 = arith.constant 10 : i32
    %swap3A_95 = arith.index_cast %swap3A_94 : i32 to index
    %swap3A_96 = arith.constant 0 : index
    %swap3A_97 = tpu.vector_load %arg5[%swap3A_95, %swap3A_96] {strides = array<i32>} : memref<128x16xi32, #tpu.memory_space<vmem>>, vector<1x16xi32>,
    %swap3A_98 = vector.shape_cast %swap3A_97 : vector<1x16xi32> to vector<16xi32>
    %swap3A_99 = vector.shape_cast %broadcast_in_dim3A_93 : vector<16xi32> to vector<1x16xi32>
    tpu.vector_store %arg5[%swap3A_95, %swap3A_96], %swap3A_99 {strides = array<i32>} : memref<128x16xi32, #tpu.memory_space<vmem>>, vector<1x16xi32>,
    %add3A_100 = arith.constant 11 : i32
    %add3A_101 = arith.addi %mul3A_2, %add3A_100 : i32
    %broadcast_in_dim3A_102 = vector.broadcast %add3A_101 : i32 to vector<16xi32>
    %swap3A_103 = arith.constant 11 : i32
    %swap3A_104 = arith.index_cast %swap3A_103 : i32 to index
    %swap3A_105 = arith.constant 0 : index
    %swap3A_106 = tpu.vector_load %arg5[%swap3A_104, %swap3A_105] {strides = array<i32>} : memref<128x16xi32, #tpu.memory_space<vmem>>, vector<1x16xi32>,
    %swap3A_107 = vector.shape_cast %swap3A_106 : vector<1x16xi32> to vector<16xi32>
    %swap3A_108 = vector.shape_cast %broadcast_in_dim3A_102 : vector<16xi32> to vector<1x16xi32>
    tpu.vector_store %arg5[%swap3A_104, %swap3A_105], %swap3A_108 {strides = array<i32>} : memref<128x16xi32, #tpu.memory_space<vmem>>, vector<1x16xi32>,
    %add3A_109 = arith.constant 12 : i32
    %add3A_110 = arith.addi %mul3A_2, %add3A_109 : i32
    %broadcast_in_dim3A_111 = vector.broadcast %add3A_110 : i32 to vector<16xi32>
    %swap3A_112 = arith.constant 12 : i32
    %swap3A_113 = arith.index_cast %swap3A_112 : i32 to index
    %swap3A_114 = arith.constant 0 : index
    %swap3A_115 = tpu.vector_load %arg5[%swap3A_113, %swap3A_114] {strides = array<i32>} : memref<128x16xi32, #tpu.memory_space<vmem>>, vector<1x16xi32>,
    %swap3A_116 = vector.shape_cast %swap3A_115 : vector<1x16xi32> to vector<16xi32>
    %swap3A_117 = vector.shape_cast %broadcast_in_dim3A_111 : vector<16xi32> to vector<1x16xi32>
    tpu.vector_store %arg5[%swap3A_113, %swap3A_114], %swap3A_117 {strides = array<i32>} : memref<128x16xi32, #tpu.memory_space<vmem>>, vector<1x16xi32>,
    %add3A_118 = arith.constant 13 : i32
    %add3A_119 = arith.addi %mul3A_2, %add3A_118 : i32
    %broadcast_in_dim3A_120 = vector.broadcast %add3A_119 : i32 to vector<16xi32>
    %swap3A_121 = arith.constant 13 : i32
    %swap3A_122 = arith.index_cast %swap3A_121 : i32 to index
    %swap3A_123 = arith.constant 0 : index
    %swap3A_124 = tpu.vector_load %arg5[%swap3A_122, %swap3A_123] {strides = array<i32>} : memref<128x16xi32, #tpu.memory_space<vmem>>, vector<1x16xi32>,
    %swap3A_125 = vector.shape_cast %swap3A_124 : vector<1x16xi32> to vector<16xi32>
    %swap3A_126 = vector.shape_cast %broadcast_in_dim3A_120 : vector<16xi32> to vector<1x16xi32>
    tpu.vector_store %arg5[%swap3A_122, %swap3A_123], %swap3A_126 {strides = array<i32>} : memref<128x16xi32, #tpu.memory_space<vmem>>, vector<1x16xi32>,
    %add3A_127 = arith.constant 14 : i32
    %add3A_128 = arith.addi %mul3A_2, %add3A_127 : i32
    %broadcast_in_dim3A_129 = vector.broadcast %add3A_128 : i32 to vector<16xi32>
    %swap3A_130 = arith.constant 14 : i32
    %swap3A_131 = arith.index_cast %swap3A_130 : i32 to index
    %swap3A_132 = arith.constant 0 : index
    %swap3A_133 = tpu.vector_load %arg5[%swap3A_131, %swap3A_132] {strides = array<i32>} : memref<128x16xi32, #tpu.memory_space<vmem>>, vector<1x16xi32>,
    %swap3A_134 = vector.shape_cast %swap3A_133 : vector<1x16xi32> to vector<16xi32>
    %swap3A_135 = vector.shape_cast %broadcast_in_dim3A_129 : vector<16xi32> to vector<1x16xi32>
    tpu.vector_store %arg5[%swap3A_131, %swap3A_132], %swap3A_135 {strides = array<i32>} : memref<128x16xi32, #tpu.memory_space<vmem>>, vector<1x16xi32>,
    %add3A_136 = arith.constant 15 : i32
    %add3A_137 = arith.addi %mul3A_2, %add3A_136 : i32
    %broadcast_in_dim3A_138 = vector.broadcast %add3A_137 : i32 to vector<16xi32>
    %swap3A_139 = arith.constant 15 : i32
    %swap3A_140 = arith.index_cast %swap3A_139 : i32 to index
    %swap3A_141 = arith.constant 0 : index
    %swap3A_142 = tpu.vector_load %arg5[%swap3A_140, %swap3A_141] {strides = array<i32>} : memref<128x16xi32, #tpu.memory_space<vmem>>, vector<1x16xi32>,
    %swap3A_143 = vector.shape_cast %swap3A_142 : vector<1x16xi32> to vector<16xi32>
    %swap3A_144 = vector.shape_cast %broadcast_in_dim3A_138 : vector<16xi32> to vector<1x16xi32>
    tpu.vector_store %arg5[%swap3A_140, %swap3A_141], %swap3A_144 {strides = array<i32>} : memref<128x16xi32, #tpu.memory_space<vmem>>, vector<1x16xi32>,
    %add3A_145 = arith.constant 16 : i32
    %add3A_146 = arith.addi %mul3A_2, %add3A_145 : i32
    %broadcast_in_dim3A_147 = vector.broadcast %add3A_146 : i32 to vector<16xi32>
    %swap3A_148 = arith.constant 16 : i32
    %swap3A_149 = arith.index_cast %swap3A_148 : i32 to index
    %swap3A_150 = arith.constant 0 : index
    %swap3A_151 = tpu.vector_load %arg5[%swap3A_149, %swap3A_150] {strides = array<i32>} : memref<128x16xi32, #tpu.memory_space<vmem>>, vector<1x16xi32>,
    %swap3A_152 = vector.shape_cast %swap3A_151 : vector<1x16xi32> to vector<16xi32>
    %swap3A_153 = vector.shape_cast %broadcast_in_dim3A_147 : vector<16xi32> to vector<1x16xi32>
    tpu.vector_store %arg5[%swap3A_149, %swap3A_150], %swap3A_153 {strides = array<i32>} : memref<128x16xi32, #tpu.memory_space<vmem>>, vector<1x16xi32>,
    %add3A_154 = arith.constant 17 : i32
    %add3A_155 = arith.addi %mul3A_2, %add3A_154 : i32
    %broadcast_in_dim3A_156 = vector.broadcast %add3A_155 : i32 to vector<16xi32>
    %swap3A_157 = arith.constant 17 : i32
    %swap3A_158 = arith.index_cast %swap3A_157 : i32 to index
    %swap3A_159 = arith.constant 0 : index
    %swap3A_160 = tpu.vector_load %arg5[%swap3A_158, %swap3A_159] {strides = array<i32>} : memref<128x16xi32, #tpu.memory_space<vmem>>, vector<1x16xi32>,
    %swap3A_161 = vector.shape_cast %swap3A_160 : vector<1x16xi32> to vector<16xi32>
    %swap3A_162 = vector.shape_cast %broadcast_in_dim3A_156 : vector<16xi32> to vector<1x16xi32>
    tpu.vector_store %arg5[%swap3A_158, %swap3A_159], %swap3A_162 {strides = array<i32>} : memref<128x16xi32, #tpu.memory_space<vmem>>, vector<1x16xi32>,
    %add3A_163 = arith.constant 18 : i32
    %add3A_164 = arith.addi %mul3A_2, %add3A_163 : i32
    %broadcast_in_dim3A_165 = vector.broadcast %add3A_164 : i32 to vector<16xi32>
    %swap3A_166 = arith.constant 18 : i32
    %swap3A_167 = arith.index_cast %swap3A_166 : i32 to index
    %swap3A_168 = arith.constant 0 : index
    %swap3A_169 = tpu.vector_load %arg5[%swap3A_167, %swap3A_168] {strides = array<i32>} : memref<128x16xi32, #tpu.memory_space<vmem>>, vector<1x16xi32>,
    %swap3A_170 = vector.shape_cast %swap3A_169 : vector<1x16xi32> to vector<16xi32>
    %swap3A_171 = vector.shape_cast %broadcast_in_dim3A_165 : vector<16xi32> to vector<1x16xi32>
    tpu.vector_store %arg5[%swap3A_167, %swap3A_168], %swap3A_171 {strides = array<i32>} : memref<128x16xi32, #tpu.memory_space<vmem>>, vector<1x16xi32>,
    %add3A_172 = arith.constant 19 : i32
    %add3A_173 = arith.addi %mul3A_2, %add3A_172 : i32
    %broadcast_in_dim3A_174 = vector.broadcast %add3A_173 : i32 to vector<16xi32>
    %swap3A_175 = arith.constant 19 : i32
    %swap3A_176 = arith.index_cast %swap3A_175 : i32 to index
    %swap3A_177 = arith.constant 0 : index
    %swap3A_178 = tpu.vector_load %arg5[%swap3A_176, %swap3A_177] {strides = array<i32>} : memref<128x16xi32, #tpu.memory_space<vmem>>, vector<1x16xi32>,
    %swap3A_179 = vector.shape_cast %swap3A_178 : vector<1x16xi32> to vector<16xi32>
    %swap3A_180 = vector.shape_cast %broadcast_in_dim3A_174 : vector<16xi32> to vector<1x16xi32>
    tpu.vector_store %arg5[%swap3A_176, %swap3A_177], %swap3A_180 {strides = array<i32>} : memref<128x16xi32, #tpu.memory_space<vmem>>, vector<1x16xi32>,
    %add3A_181 = arith.constant 20 : i32
    %add3A_182 = arith.addi %mul3A_2, %add3A_181 : i32
    %broadcast_in_dim3A_183 = vector.broadcast %add3A_182 : i32 to vector<16xi32>
    %swap3A_184 = arith.constant 20 : i32
    %swap3A_185 = arith.index_cast %swap3A_184 : i32 to index
    %swap3A_186 = arith.constant 0 : index
    %swap3A_187 = tpu.vector_load %arg5[%swap3A_185, %swap3A_186] {strides = array<i32>} : memref<128x16xi32, #tpu.memory_space<vmem>>, vector<1x16xi32>,
    %swap3A_188 = vector.shape_cast %swap3A_187 : vector<1x16xi32> to vector<16xi32>
    %swap3A_189 = vector.shape_cast %broadcast_in_dim3A_183 : vector<16xi32> to vector<1x16xi32>
    tpu.vector_store %arg5[%swap3A_185, %swap3A_186], %swap3A_189 {strides = array<i32>} : memref<128x16xi32, #tpu.memory_space<vmem>>, vector<1x16xi32>,
    %add3A_190 = arith.constant 21 : i32
    %add3A_191 = arith.addi %mul3A_2, %add3A_190 : i32
    %broadcast_in_dim3A_192 = vector.broadcast %add3A_191 : i32 to vector<16xi32>
    %swap3A_193 = arith.constant 21 : i32
    %swap3A_194 = arith.index_cast %swap3A_193 : i32 to index
    %swap3A_195 = arith.constant 0 : index
    %swap3A_196 = tpu.vector_load %arg5[%swap3A_194, %swap3A_195] {strides = array<i32>} : memref<128x16xi32, #tpu.memory_space<vmem>>, vector<1x16xi32>,
    %swap3A_197 = vector.shape_cast %swap3A_196 : vector<1x16xi32> to vector<16xi32>
    %swap3A_198 = vector.shape_cast %broadcast_in_dim3A_192 : vector<16xi32> to vector<1x16xi32>
    tpu.vector_store %arg5[%swap3A_194, %swap3A_195], %swap3A_198 {strides = array<i32>} : memref<128x16xi32, #tpu.memory_space<vmem>>, vector<1x16xi32>,
    %add3A_199 = arith.constant 22 : i32
    %add3A_200 = arith.addi %mul3A_2, %add3A_199 : i32
    %broadcast_in_dim3A_201 = vector.broadcast %add3A_200 : i32 to vector<16xi32>
    %swap3A_202 = arith.constant 22 : i32
    %swap3A_203 = arith.index_cast %swap3A_202 : i32 to index
    %swap3A_204 = arith.constant 0 : index
    %swap3A_205 = tpu.vector_load %arg5[%swap3A_203, %swap3A_204] {strides = array<i32>} : memref<128x16xi32, #tpu.memory_space<vmem>>, vector<1x16xi32>,
    %swap3A_206 = vector.shape_cast %swap3A_205 : vector<1x16xi32> to vector<16xi32>
    %swap3A_207 = vector.shape_cast %broadcast_in_dim3A_201 : vector<16xi32> to vector<1x16xi32>
    tpu.vector_store %arg5[%swap3A_203, %swap3A_204], %swap3A_207 {strides = array<i32>} : memref<128x16xi32, #tpu.memory_space<vmem>>, vector<1x16xi32>,
    %add3A_208 = arith.constant 23 : i32
    %add3A_209 = arith.addi %mul3A_2, %add3A_208 : i32
    %broadcast_in_dim3A_210 = vector.broadcast %add3A_209 : i32 to vector<16xi32>
    %swap3A_211 = arith.constant 23 : i32
    %swap3A_212 = arith.index_cast %swap3A_211 : i32 to index
    %swap3A_213 = arith.constant 0 : index
    %swap3A_214 = tpu.vector_load %arg5[%swap3A_212, %swap3A_213] {strides = array<i32>} : memref<128x16xi32, #tpu.memory_space<vmem>>, vector<1x16xi32>,
    %swap3A_215 = vector.shape_cast %swap3A_214 : vector<1x16xi32> to vector<16xi32>
    %swap3A_216 = vector.shape_cast %broadcast_in_dim3A_210 : vector<16xi32> to vector<1x16xi32>
    tpu.vector_store %arg5[%swap3A_212, %swap3A_213], %swap3A_216 {strides = array<i32>} : memref<128x16xi32, #tpu.memory_space<vmem>>, vector<1x16xi32>,
    %add3A_217 = arith.constant 24 : i32
    %add3A_218 = arith.addi %mul3A_2, %add3A_217 : i32
    %broadcast_in_dim3A_219 = vector.broadcast %add3A_218 : i32 to vector<16xi32>
    %swap3A_220 = arith.constant 24 : i32
    %swap3A_221 = arith.index_cast %swap3A_220 : i32 to index
    %swap3A_222 = arith.constant 0 : index
    %swap3A_223 = tpu.vector_load %arg5[%swap3A_221, %swap3A_222] {strides = array<i32>} : memref<128x16xi32, #tpu.memory_space<vmem>>, vector<1x16xi32>,
    %swap3A_224 = vector.shape_cast %swap3A_223 : vector<1x16xi32> to vector<16xi32>
    %swap3A_225 = vector.shape_cast %broadcast_in_dim3A_219 : vector<16xi32> to vector<1x16xi32>
    tpu.vector_store %arg5[%swap3A_221, %swap3A_222], %swap3A_225 {strides = array<i32>} : memref<128x16xi32, #tpu.memory_space<vmem>>, vector<1x16xi32>,
    %add3A_226 = arith.constant 25 : i32
    %add3A_227 = arith.addi %mul3A_2, %add3A_226 : i32
    %broadcast_in_dim3A_228 = vector.broadcast %add3A_227 : i32 to vector<16xi32>
    %swap3A_229 = arith.constant 25 : i32
    %swap3A_230 = arith.index_cast %swap3A_229 : i32 to index
    %swap3A_231 = arith.constant 0 : index
    %swap3A_232 = tpu.vector_load %arg5[%swap3A_230, %swap3A_231] {strides = array<i32>} : memref<128x16xi32, #tpu.memory_space<vmem>>, vector<1x16xi32>,
    %swap3A_233 = vector.shape_cast %swap3A_232 : vector<1x16xi32> to vector<16xi32>
    %swap3A_234 = vector.shape_cast %broadcast_in_dim3A_228 : vector<16xi32> to vector<1x16xi32>
    tpu.vector_store %arg5[%swap3A_230, %swap3A_231], %swap3A_234 {strides = array<i32>} : memref<128x16xi32, #tpu.memory_space<vmem>>, vector<1x16xi32>,
    %add3A_235 = arith.constant 26 : i32
    %add3A_236 = arith.addi %mul3A_2, %add3A_235 : i32
    %broadcast_in_dim3A_237 = vector.broadcast %add3A_236 : i32 to vector<16xi32>
    %swap3A_238 = arith.constant 26 : i32
    %swap3A_239 = arith.index_cast %swap3A_238 : i32 to index
    %swap3A_240 = arith.constant 0 : index
    %swap3A_241 = tpu.vector_load %arg5[%swap3A_239, %swap3A_240] {strides = array<i32>} : memref<128x16xi32, #tpu.memory_space<vmem>>, vector<1x16xi32>,
    %swap3A_242 = vector.shape_cast %swap3A_241 : vector<1x16xi32> to vector<16xi32>
    %swap3A_243 = vector.shape_cast %broadcast_in_dim3A_237 : vector<16xi32> to vector<1x16xi32>
    tpu.vector_store %arg5[%swap3A_239, %swap3A_240], %swap3A_243 {strides = array<i32>} : memref<128x16xi32, #tpu.memory_space<vmem>>, vector<1x16xi32>,
    %add3A_244 = arith.constant 27 : i32
    %add3A_245 = arith.addi %mul3A_2, %add3A_244 : i32
    %broadcast_in_dim3A_246 = vector.broadcast %add3A_245 : i32 to vector<16xi32>
    %swap3A_247 = arith.constant 27 : i32
    %swap3A_248 = arith.index_cast %swap3A_247 : i32 to index
    %swap3A_249 = arith.constant 0 : index
    %swap3A_250 = tpu.vector_load %arg5[%swap3A_248, %swap3A_249] {strides = array<i32>} : memref<128x16xi32, #tpu.memory_space<vmem>>, vector<1x16xi32>,
    %swap3A_251 = vector.shape_cast %swap3A_250 : vector<1x16xi32> to vector<16xi32>
    %swap3A_252 = vector.shape_cast %broadcast_in_dim3A_246 : vector<16xi32> to vector<1x16xi32>
    tpu.vector_store %arg5[%swap3A_248, %swap3A_249], %swap3A_252 {strides = array<i32>} : memref<128x16xi32, #tpu.memory_space<vmem>>, vector<1x16xi32>,
    %add3A_253 = arith.constant 28 : i32
    %add3A_254 = arith.addi %mul3A_2, %add3A_253 : i32
    %broadcast_in_dim3A_255 = vector.broadcast %add3A_254 : i32 to vector<16xi32>
    %swap3A_256 = arith.constant 28 : i32
    %swap3A_257 = arith.index_cast %swap3A_256 : i32 to index
    %swap3A_258 = arith.constant 0 : index
    %swap3A_259 = tpu.vector_load %arg5[%swap3A_257, %swap3A_258] {strides = array<i32>} : memref<128x16xi32, #tpu.memory_space<vmem>>, vector<1x16xi32>,
    %swap3A_260 = vector.shape_cast %swap3A_259 : vector<1x16xi32> to vector<16xi32>
    %swap3A_261 = vector.shape_cast %broadcast_in_dim3A_255 : vector<16xi32> to vector<1x16xi32>
    tpu.vector_store %arg5[%swap3A_257, %swap3A_258], %swap3A_261 {strides = array<i32>} : memref<128x16xi32, #tpu.memory_space<vmem>>, vector<1x16xi32>,
    %add3A_262 = arith.constant 29 : i32
    %add3A_263 = arith.addi %mul3A_2, %add3A_262 : i32
    %broadcast_in_dim3A_264 = vector.broadcast %add3A_263 : i32 to vector<16xi32>
    %swap3A_265 = arith.constant 29 : i32
    %swap3A_266 = arith.index_cast %swap3A_265 : i32 to index
    %swap3A_267 = arith.constant 0 : index
    %swap3A_268 = tpu.vector_load %arg5[%swap3A_266, %swap3A_267] {strides = array<i32>} : memref<128x16xi32, #tpu.memory_space<vmem>>, vector<1x16xi32>,
    %swap3A_269 = vector.shape_cast %swap3A_268 : vector<1x16xi32> to vector<16xi32>
    %swap3A_270 = vector.shape_cast %broadcast_in_dim3A_264 : vector<16xi32> to vector<1x16xi32>
    tpu.vector_store %arg5[%swap3A_266, %swap3A_267], %swap3A_270 {strides = array<i32>} : memref<128x16xi32, #tpu.memory_space<vmem>>, vector<1x16xi32>,
    %add3A_271 = arith.constant 30 : i32
    %add3A_272 = arith.addi %mul3A_2, %add3A_271 : i32
    %broadcast_in_dim3A_273 = vector.broadcast %add3A_272 : i32 to vector<16xi32>
    %swap3A_274 = arith.constant 30 : i32
    %swap3A_275 = arith.index_cast %swap3A_274 : i32 to index
    %swap3A_276 = arith.constant 0 : index
    %swap3A_277 = tpu.vector_load %arg5[%swap3A_275, %swap3A_276] {strides = array<i32>} : memref<128x16xi32, #tpu.memory_space<vmem>>, vector<1x16xi32>,
    %swap3A_278 = vector.shape_cast %swap3A_277 : vector<1x16xi32> to vector<16xi32>
    %swap3A_279 = vector.shape_cast %broadcast_in_dim3A_273 : vector<16xi32> to vector<1x16xi32>
    tpu.vector_store %arg5[%swap3A_275, %swap3A_276], %swap3A_279 {strides = array<i32>} : memref<128x16xi32, #tpu.memory_space<vmem>>, vector<1x16xi32>,
    %add3A_280 = arith.constant 31 : i32
    %add3A_281 = arith.addi %mul3A_2, %add3A_280 : i32
    %broadcast_in_dim3A_282 = vector.broadcast %add3A_281 : i32 to vector<16xi32>
    %swap3A_283 = arith.constant 31 : i32
    %swap3A_284 = arith.index_cast %swap3A_283 : i32 to index
    %swap3A_285 = arith.constant 0 : index
    %swap3A_286 = tpu.vector_load %arg5[%swap3A_284, %swap3A_285] {strides = array<i32>} : memref<128x16xi32, #tpu.memory_space<vmem>>, vector<1x16xi32>,
    %swap3A_287 = vector.shape_cast %swap3A_286 : vector<1x16xi32> to vector<16xi32>
    %swap3A_288 = vector.shape_cast %broadcast_in_dim3A_282 : vector<16xi32> to vector<1x16xi32>
    tpu.vector_store %arg5[%swap3A_284, %swap3A_285], %swap3A_288 {strides = array<i32>} : memref<128x16xi32, #tpu.memory_space<vmem>>, vector<1x16xi32>,
    %add3A_289 = arith.constant 32 : i32
    %add3A_290 = arith.addi %mul3A_2, %add3A_289 : i32
    %broadcast_in_dim3A_291 = vector.broadcast %add3A_290 : i32 to vector<16xi32>
    %swap3A_292 = arith.constant 32 : i32
    %swap3A_293 = arith.index_cast %swap3A_292 : i32 to index
    %swap3A_294 = arith.constant 0 : index
    %swap3A_295 = tpu.vector_load %arg5[%swap3A_293, %swap3A_294] {strides = array<i32>} : memref<128x16xi32, #tpu.memory_space<vmem>>, vector<1x16xi32>,
    %swap3A_296 = vector.shape_cast %swap3A_295 : vector<1x16xi32> to vector<16xi32>
    %swap3A_297 = vector.shape_cast %broadcast_in_dim3A_291 : vector<16xi32> to vector<1x16xi32>
    tpu.vector_store %arg5[%swap3A_293, %swap3A_294], %swap3A_297 {strides = array<i32>} : memref<128x16xi32, #tpu.memory_space<vmem>>, vector<1x16xi32>,
    %add3A_298 = arith.constant 33 : i32
    %add3A_299 = arith.addi %mul3A_2, %add3A_298 : i32
    %broadcast_in_dim3A_300 = vector.broadcast %add3A_299 : i32 to vector<16xi32>
    %swap3A_301 = arith.constant 33 : i32
    %swap3A_302 = arith.index_cast %swap3A_301 : i32 to index
    %swap3A_303 = arith.constant 0 : index
    %swap3A_304 = tpu.vector_load %arg5[%swap3A_302, %swap3A_303] {strides = array<i32>} : memref<128x16xi32, #tpu.memory_space<vmem>>, vector<1x16xi32>,
    %swap3A_305 = vector.shape_cast %swap3A_304 : vector<1x16xi32> to vector<16xi32>
    %swap3A_306 = vector.shape_cast %broadcast_in_dim3A_300 : vector<16xi32> to vector<1x16xi32>
    tpu.vector_store %arg5[%swap3A_302, %swap3A_303], %swap3A_306 {strides = array<i32>} : memref<128x16xi32, #tpu.memory_space<vmem>>, vector<1x16xi32>,
    %add3A_307 = arith.constant 34 : i32
    %add3A_308 = arith.addi %mul3A_2, %add3A_307 : i32
    %broadcast_in_dim3A_309 = vector.broadcast %add3A_308 : i32 to vector<16xi32>
    %swap3A_310 = arith.constant 34 : i32
    %swap3A_311 = arith.index_cast %swap3A_310 : i32 to index
    %swap3A_312 = arith.constant 0 : index
    %swap3A_313 = tpu.vector_load %arg5[%swap3A_311, %swap3A_312] {strides = array<i32>} : memref<128x16xi32, #tpu.memory_space<vmem>>, vector<1x16xi32>,
    %swap3A_314 = vector.shape_cast %swap3A_313 : vector<1x16xi32> to vector<16xi32>
    %swap3A_315 = vector.shape_cast %broadcast_in_dim3A_309 : vector<16xi32> to vector<1x16xi32>
    tpu.vector_store %arg5[%swap3A_311, %swap3A_312], %swap3A_315 {strides = array<i32>} : memref<128x16xi32, #tpu.memory_space<vmem>>, vector<1x16xi32>,
    %add3A_316 = arith.constant 35 : i32
    %add3A_317 = arith.addi %mul3A_2, %add3A_316 : i32
    %broadcast_in_dim3A_318 = vector.broadcast %add3A_317 : i32 to vector<16xi32>
    %swap3A_319 = arith.constant 35 : i32
    %swap3A_320 = arith.index_cast %swap3A_319 : i32 to index
    %swap3A_321 = arith.constant 0 : index
    %swap3A_322 = tpu.vector_load %arg5[%swap3A_320, %swap3A_321] {strides = array<i32>} : memref<128x16xi32, #tpu.memory_space<vmem>>, vector<1x16xi32>,
    %swap3A_323 = vector.shape_cast %swap3A_322 : vector<1x16xi32> to vector<16xi32>
    %swap3A_324 = vector.shape_cast %broadcast_in_dim3A_318 : vector<16xi32> to vector<1x16xi32>
    tpu.vector_store %arg5[%swap3A_320, %swap3A_321], %swap3A_324 {strides = array<i32>} : memref<128x16xi32, #tpu.memory_space<vmem>>, vector<1x16xi32>,
    %add3A_325 = arith.constant 36 : i32
    %add3A_326 = arith.addi %mul3A_2, %add3A_325 : i32
    %broadcast_in_dim3A_327 = vector.broadcast %add3A_326 : i32 to vector<16xi32>
    %swap3A_328 = arith.constant 36 : i32
    %swap3A_329 = arith.index_cast %swap3A_328 : i32 to index
    %swap3A_330 = arith.constant 0 : index
    %swap3A_331 = tpu.vector_load %arg5[%swap3A_329, %swap3A_330] {strides = array<i32>} : memref<128x16xi32, #tpu.memory_space<vmem>>, vector<1x16xi32>,
    %swap3A_332 = vector.shape_cast %swap3A_331 : vector<1x16xi32> to vector<16xi32>
    %swap3A_333 = vector.shape_cast %broadcast_in_dim3A_327 : vector<16xi32> to vector<1x16xi32>
    tpu.vector_store %arg5[%swap3A_329, %swap3A_330], %swap3A_333 {strides = array<i32>} : memref<128x16xi32, #tpu.memory_space<vmem>>, vector<1x16xi32>,
    %add3A_334 = arith.constant 37 : i32
    %add3A_335 = arith.addi %mul3A_2, %add3A_334 : i32
    %broadcast_in_dim3A_336 = vector.broadcast %add3A_335 : i32 to vector<16xi32>
    %swap3A_337 = arith.constant 37 : i32
    %swap3A_338 = arith.index_cast %swap3A_337 : i32 to index
    %swap3A_339 = arith.constant 0 : index
    %swap3A_340 = tpu.vector_load %arg5[%swap3A_338, %swap3A_339] {strides = array<i32>} : memref<128x16xi32, #tpu.memory_space<vmem>>, vector<1x16xi32>,
    %swap3A_341 = vector.shape_cast %swap3A_340 : vector<1x16xi32> to vector<16xi32>
    %swap3A_342 = vector.shape_cast %broadcast_in_dim3A_336 : vector<16xi32> to vector<1x16xi32>
    tpu.vector_store %arg5[%swap3A_338, %swap3A_339], %swap3A_342 {strides = array<i32>} : memref<128x16xi32, #tpu.memory_space<vmem>>, vector<1x16xi32>,
    %add3A_343 = arith.constant 38 : i32
    %add3A_344 = arith.addi %mul3A_2, %add3A_343 : i32
    %broadcast_in_dim3A_345 = vector.broadcast %add3A_344 : i32 to vector<16xi32>
    %swap3A_346 = arith.constant 38 : i32
    %swap3A_347 = arith.index_cast %swap3A_346 : i32 to index
    %swap3A_348 = arith.constant 0 : index
    %swap3A_349 = tpu.vector_load %arg5[%swap3A_347, %swap3A_348] {strides = array<i32>} : memref<128x16xi32, #tpu.memory_space<vmem>>, vector<1x16xi32>,
    %swap3A_350 = vector.shape_cast %swap3A_349 : vector<1x16xi32> to vector<16xi32>
    %swap3A_351 = vector.shape_cast %broadcast_in_dim3A_345 : vector<16xi32> to vector<1x16xi32>
    tpu.vector_store %arg5[%swap3A_347, %swap3A_348], %swap3A_351 {strides = array<i32>} : memref<128x16xi32, #tpu.memory_space<vmem>>, vector<1x16xi32>,
    %add3A_352 = arith.constant 39 : i32
    %add3A_353 = arith.addi %mul3A_2, %add3A_352 : i32
    %broadcast_in_dim3A_354 = vector.broadcast %add3A_353 : i32 to vector<16xi32>
    %swap3A_355 = arith.constant 39 : i32
    %swap3A_356 = arith.index_cast %swap3A_355 : i32 to index
    %swap3A_357 = arith.constant 0 : index
    %swap3A_358 = tpu.vector_load %arg5[%swap3A_356, %swap3A_357] {strides = array<i32>} : memref<128x16xi32, #tpu.memory_space<vmem>>, vector<1x16xi32>,
    %swap3A_359 = vector.shape_cast %swap3A_358 : vector<1x16xi32> to vector<16xi32>
    %swap3A_360 = vector.shape_cast %broadcast_in_dim3A_354 : vector<16xi32> to vector<1x16xi32>
    tpu.vector_store %arg5[%swap3A_356, %swap3A_357], %swap3A_360 {strides = array<i32>} : memref<128x16xi32, #tpu.memory_space<vmem>>, vector<1x16xi32>,
    %add3A_361 = arith.constant 40 : i32
    %add3A_362 = arith.addi %mul3A_2, %add3A_361 : i32
    %broadcast_in_dim3A_363 = vector.broadcast %add3A_362 : i32 to vector<16xi32>
    %swap3A_364 = arith.constant 40 : i32
    %swap3A_365 = arith.index_cast %swap3A_364 : i32 to index
    %swap3A_366 = arith.constant 0 : index
    %swap3A_367 = tpu.vector_load %arg5[%swap3A_365, %swap3A_366] {strides = array<i32>} : memref<128x16xi32, #tpu.memory_space<vmem>>, vector<1x16xi32>,
    %swap3A_368 = vector.shape_cast %swap3A_367 : vector<1x16xi32> to vector<16xi32>
    %swap3A_369 = vector.shape_cast %broadcast_in_dim3A_363 : vector<16xi32> to vector<1x16xi32>
    tpu.vector_store %arg5[%swap3A_365, %swap3A_366], %swap3A_369 {strides = array<i32>} : memref<128x16xi32, #tpu.memory_space<vmem>>, vector<1x16xi32>,
    %add3A_370 = arith.constant 41 : i32
    %add3A_371 = arith.addi %mul3A_2, %add3A_370 : i32
    %broadcast_in_dim3A_372 = vector.broadcast %add3A_371 : i32 to vector<16xi32>
    %swap3A_373 = arith.constant 41 : i32
    %swap3A_374 = arith.index_cast %swap3A_373 : i32 to index
    %swap3A_375 = arith.constant 0 : index
    %swap3A_376 = tpu.vector_load %arg5[%swap3A_374, %swap3A_375] {strides = array<i32>} : memref<128x16xi32, #tpu.memory_space<vmem>>, vector<1x16xi32>,
    %swap3A_377 = vector.shape_cast %swap3A_376 : vector<1x16xi32> to vector<16xi32>
    %swap3A_378 = vector.shape_cast %broadcast_in_dim3A_372 : vector<16xi32> to vector<1x16xi32>
    tpu.vector_store %arg5[%swap3A_374, %swap3A_375], %swap3A_378 {strides = array<i32>} : memref<128x16xi32, #tpu.memory_space<vmem>>, vector<1x16xi32>,
    %add3A_379 = arith.constant 42 : i32
    %add3A_380 = arith.addi %mul3A_2, %add3A_379 : i32
    %broadcast_in_dim3A_381 = vector.broadcast %add3A_380 : i32 to vector<16xi32>
    %swap3A_382 = arith.constant 42 : i32
    %swap3A_383 = arith.index_cast %swap3A_382 : i32 to index
    %swap3A_384 = arith.constant 0 : index
    %swap3A_385 = tpu.vector_load %arg5[%swap3A_383, %swap3A_384] {strides = array<i32>} : memref<128x16xi32, #tpu.memory_space<vmem>>, vector<1x16xi32>,
    %swap3A_386 = vector.shape_cast %swap3A_385 : vector<1x16xi32> to vector<16xi32>
    %swap3A_387 = vector.shape_cast %broadcast_in_dim3A_381 : vector<16xi32> to vector<1x16xi32>
    tpu.vector_store %arg5[%swap3A_383, %swap3A_384], %swap3A_387 {strides = array<i32>} : memref<128x16xi32, #tpu.memory_space<vmem>>, vector<1x16xi32>,
    %add3A_388 = arith.constant 43 : i32
    %add3A_389 = arith.addi %mul3A_2, %add3A_388 : i32
    %broadcast_in_dim3A_390 = vector.broadcast %add3A_389 : i32 to vector<16xi32>
    %swap3A_391 = arith.constant 43 : i32
    %swap3A_392 = arith.index_cast %swap3A_391 : i32 to index
    %swap3A_393 = arith.constant 0 : index
    %swap3A_394 = tpu.vector_load %arg5[%swap3A_392, %swap3A_393] {strides = array<i32>} : memref<128x16xi32, #tpu.memory_space<vmem>>, vector<1x16xi32>,
    %swap3A_395 = vector.shape_cast %swap3A_394 : vector<1x16xi32> to vector<16xi32>
    %swap3A_396 = vector.shape_cast %broadcast_in_dim3A_390 : vector<16xi32> to vector<1x16xi32>
    tpu.vector_store %arg5[%swap3A_392, %swap3A_393], %swap3A_396 {strides = array<i32>} : memref<128x16xi32, #tpu.memory_space<vmem>>, vector<1x16xi32>,
    %add3A_397 = arith.constant 44 : i32
    %add3A_398 = arith.addi %mul3A_2, %add3A_397 : i32
    %broadcast_in_dim3A_399 = vector.broadcast %add3A_398 : i32 to vector<16xi32>
    %swap3A_400 = arith.constant 44 : i32
    %swap3A_401 = arith.index_cast %swap3A_400 : i32 to index
    %swap3A_402 = arith.constant 0 : index
    %swap3A_403 = tpu.vector_load %arg5[%swap3A_401, %swap3A_402] {strides = array<i32>} : memref<128x16xi32, #tpu.memory_space<vmem>>, vector<1x16xi32>,
    %swap3A_404 = vector.shape_cast %swap3A_403 : vector<1x16xi32> to vector<16xi32>
    %swap3A_405 = vector.shape_cast %broadcast_in_dim3A_399 : vector<16xi32> to vector<1x16xi32>
    tpu.vector_store %arg5[%swap3A_401, %swap3A_402], %swap3A_405 {strides = array<i32>} : memref<128x16xi32, #tpu.memory_space<vmem>>, vector<1x16xi32>,
    %add3A_406 = arith.constant 45 : i32
    %add3A_407 = arith.addi %mul3A_2, %add3A_406 : i32
    %broadcast_in_dim3A_408 = vector.broadcast %add3A_407 : i32 to vector<16xi32>
    %swap3A_409 = arith.constant 45 : i32
    %swap3A_410 = arith.index_cast %swap3A_409 : i32 to index
    %swap3A_411 = arith.constant 0 : index
    %swap3A_412 = tpu.vector_load %arg5[%swap3A_410, %swap3A_411] {strides = array<i32>} : memref<128x16xi32, #tpu.memory_space<vmem>>, vector<1x16xi32>,
    %swap3A_413 = vector.shape_cast %swap3A_412 : vector<1x16xi32> to vector<16xi32>
    %swap3A_414 = vector.shape_cast %broadcast_in_dim3A_408 : vector<16xi32> to vector<1x16xi32>
    tpu.vector_store %arg5[%swap3A_410, %swap3A_411], %swap3A_414 {strides = array<i32>} : memref<128x16xi32, #tpu.memory_space<vmem>>, vector<1x16xi32>,
    %add3A_415 = arith.constant 46 : i32
    %add3A_416 = arith.addi %mul3A_2, %add3A_415 : i32
    %broadcast_in_dim3A_417 = vector.broadcast %add3A_416 : i32 to vector<16xi32>
    %swap3A_418 = arith.constant 46 : i32
    %swap3A_419 = arith.index_cast %swap3A_418 : i32 to index
    %swap3A_420 = arith.constant 0 : index
    %swap3A_421 = tpu.vector_load %arg5[%swap3A_419, %swap3A_420] {strides = array<i32>} : memref<128x16xi32, #tpu.memory_space<vmem>>, vector<1x16xi32>,
    %swap3A_422 = vector.shape_cast %swap3A_421 : vector<1x16xi32> to vector<16xi32>
    %swap3A_423 = vector.shape_cast %broadcast_in_dim3A_417 : vector<16xi32> to vector<1x16xi32>
    tpu.vector_store %arg5[%swap3A_419, %swap3A_420], %swap3A_423 {strides = array<i32>} : memref<128x16xi32, #tpu.memory_space<vmem>>, vector<1x16xi32>,
    %add3A_424 = arith.constant 47 : i32
    %add3A_425 = arith.addi %mul3A_2, %add3A_424 : i32
    %broadcast_in_dim3A_426 = vector.broadcast %add3A_425 : i32 to vector<16xi32>
    %swap3A_427 = arith.constant 47 : i32
    %swap3A_428 = arith.index_cast %swap3A_427 : i32 to index
    %swap3A_429 = arith.constant 0 : index
    %swap3A_430 = tpu.vector_load %arg5[%swap3A_428, %swap3A_429] {strides = array<i32>} : memref<128x16xi32, #tpu.memory_space<vmem>>, vector<1x16xi32>,
    %swap3A_431 = vector.shape_cast %swap3A_430 : vector<1x16xi32> to vector<16xi32>
    %swap3A_432 = vector.shape_cast %broadcast_in_dim3A_426 : vector<16xi32> to vector<1x16xi32>
    tpu.vector_store %arg5[%swap3A_428, %swap3A_429], %swap3A_432 {strides = array<i32>} : memref<128x16xi32, #tpu.memory_space<vmem>>, vector<1x16xi32>,
    %add3A_433 = arith.constant 48 : i32
    %add3A_434 = arith.addi %mul3A_2, %add3A_433 : i32
    %broadcast_in_dim3A_435 = vector.broadcast %add3A_434 : i32 to vector<16xi32>
    %swap3A_436 = arith.constant 48 : i32
    %swap3A_437 = arith.index_cast %swap3A_436 : i32 to index
    %swap3A_438 = arith.constant 0 : index
    %swap3A_439 = tpu.vector_load %arg5[%swap3A_437, %swap3A_438] {strides = array<i32>} : memref<128x16xi32, #tpu.memory_space<vmem>>, vector<1x16xi32>,
    %swap3A_440 = vector.shape_cast %swap3A_439 : vector<1x16xi32> to vector<16xi32>
    %swap3A_441 = vector.shape_cast %broadcast_in_dim3A_435 : vector<16xi32> to vector<1x16xi32>
    tpu.vector_store %arg5[%swap3A_437, %swap3A_438], %swap3A_441 {strides = array<i32>} : memref<128x16xi32, #tpu.memory_space<vmem>>, vector<1x16xi32>,
    %add3A_442 = arith.constant 49 : i32
    %add3A_443 = arith.addi %mul3A_2, %add3A_442 : i32
    %broadcast_in_dim3A_444 = vector.broadcast %add3A_443 : i32 to vector<16xi32>
    %swap3A_445 = arith.constant 49 : i32
    %swap3A_446 = arith.index_cast %swap3A_445 : i32 to index
    %swap3A_447 = arith.constant 0 : index
    %swap3A_448 = tpu.vector_load %arg5[%swap3A_446, %swap3A_447] {strides = array<i32>} : memref<128x16xi32, #tpu.memory_space<vmem>>, vector<1x16xi32>,
    %swap3A_449 = vector.shape_cast %swap3A_448 : vector<1x16xi32> to vector<16xi32>
    %swap3A_450 = vector.shape_cast %broadcast_in_dim3A_444 : vector<16xi32> to vector<1x16xi32>
    tpu.vector_store %arg5[%swap3A_446, %swap3A_447], %swap3A_450 {strides = array<i32>} : memref<128x16xi32, #tpu.memory_space<vmem>>, vector<1x16xi32>,
    %add3A_451 = arith.constant 50 : i32
    %add3A_452 = arith.addi %mul3A_2, %add3A_451 : i32
    %broadcast_in_dim3A_453 = vector.broadcast %add3A_452 : i32 to vector<16xi32>
    %swap3A_454 = arith.constant 50 : i32
    %swap3A_455 = arith.index_cast %swap3A_454 : i32 to index
    %swap3A_456 = arith.constant 0 : index
    %swap3A_457 = tpu.vector_load %arg5[%swap3A_455, %swap3A_456] {strides = array<i32>} : memref<128x16xi32, #tpu.memory_space<vmem>>, vector<1x16xi32>,
    %swap3A_458 = vector.shape_cast %swap3A_457 : vector<1x16xi32> to vector<16xi32>
    %swap3A_459 = vector.shape_cast %broadcast_in_dim3A_453 : vector<16xi32> to vector<1x16xi32>
    tpu.vector_store %arg5[%swap3A_455, %swap3A_456], %swap3A_459 {strides = array<i32>} : memref<128x16xi32, #tpu.memory_space<vmem>>, vector<1x16xi32>,
    %add3A_460 = arith.constant 51 : i32
    %add3A_461 = arith.addi %mul3A_2, %add3A_460 : i32
    %broadcast_in_dim3A_462 = vector.broadcast %add3A_461 : i32 to vector<16xi32>
    %swap3A_463 = arith.constant 51 : i32
    %swap3A_464 = arith.index_cast %swap3A_463 : i32 to index
    %swap3A_465 = arith.constant 0 : index
    %swap3A_466 = tpu.vector_load %arg5[%swap3A_464, %swap3A_465] {strides = array<i32>} : memref<128x16xi32, #tpu.memory_space<vmem>>, vector<1x16xi32>,
    %swap3A_467 = vector.shape_cast %swap3A_466 : vector<1x16xi32> to vector<16xi32>
    %swap3A_468 = vector.shape_cast %broadcast_in_dim3A_462 : vector<16xi32> to vector<1x16xi32>
    tpu.vector_store %arg5[%swap3A_464, %swap3A_465], %swap3A_468 {strides = array<i32>} : memref<128x16xi32, #tpu.memory_space<vmem>>, vector<1x16xi32>,
    %add3A_469 = arith.constant 52 : i32
    %add3A_470 = arith.addi %mul3A_2, %add3A_469 : i32
    %broadcast_in_dim3A_471 = vector.broadcast %add3A_470 : i32 to vector<16xi32>
    %swap3A_472 = arith.constant 52 : i32
    %swap3A_473 = arith.index_cast %swap3A_472 : i32 to index
    %swap3A_474 = arith.constant 0 : index
    %swap3A_475 = tpu.vector_load %arg5[%swap3A_473, %swap3A_474] {strides = array<i32>} : memref<128x16xi32, #tpu.memory_space<vmem>>, vector<1x16xi32>,
    %swap3A_476 = vector.shape_cast %swap3A_475 : vector<1x16xi32> to vector<16xi32>
    %swap3A_477 = vector.shape_cast %broadcast_in_dim3A_471 : vector<16xi32> to vector<1x16xi32>
    tpu.vector_store %arg5[%swap3A_473, %swap3A_474], %swap3A_477 {strides = array<i32>} : memref<128x16xi32, #tpu.memory_space<vmem>>, vector<1x16xi32>,
    %add3A_478 = arith.constant 53 : i32
    %add3A_479 = arith.addi %mul3A_2, %add3A_478 : i32
    %broadcast_in_dim3A_480 = vector.broadcast %add3A_479 : i32 to vector<16xi32>
    %swap3A_481 = arith.constant 53 : i32
    %swap3A_482 = arith.index_cast %swap3A_481 : i32 to index
    %swap3A_483 = arith.constant 0 : index
    %swap3A_484 = tpu.vector_load %arg5[%swap3A_482, %swap3A_483] {strides = array<i32>} : memref<128x16xi32, #tpu.memory_space<vmem>>, vector<1x16xi32>,
    %swap3A_485 = vector.shape_cast %swap3A_484 : vector<1x16xi32> to vector<16xi32>
    %swap3A_486 = vector.shape_cast %broadcast_in_dim3A_480 : vector<16xi32> to vector<1x16xi32>
    tpu.vector_store %arg5[%swap3A_482, %swap3A_483], %swap3A_486 {strides = array<i32>} : memref<128x16xi32, #tpu.memory_space<vmem>>, vector<1x16xi32>,
    %add3A_487 = arith.constant 54 : i32
    %add3A_488 = arith.addi %mul3A_2, %add3A_487 : i32
    %broadcast_in_dim3A_489 = vector.broadcast %add3A_488 : i32 to vector<16xi32>
    %swap3A_490 = arith.constant 54 : i32
    %swap3A_491 = arith.index_cast %swap3A_490 : i32 to index
    %swap3A_492 = arith.constant 0 : index
    %swap3A_493 = tpu.vector_load %arg5[%swap3A_491, %swap3A_492] {strides = array<i32>} : memref<128x16xi32, #tpu.memory_space<vmem>>, vector<1x16xi32>,
    %swap3A_494 = vector.shape_cast %swap3A_493 : vector<1x16xi32> to vector<16xi32>
    %swap3A_495 = vector.shape_cast %broadcast_in_dim3A_489 : vector<16xi32> to vector<1x16xi32>
    tpu.vector_store %arg5[%swap3A_491, %swap3A_492], %swap3A_495 {strides = array<i32>} : memref<128x16xi32, #tpu.memory_space<vmem>>, vector<1x16xi32>,
    %add3A_496 = arith.constant 55 : i32
    %add3A_497 = arith.addi %mul3A_2, %add3A_496 : i32
    %broadcast_in_dim3A_498 = vector.broadcast %add3A_497 : i32 to vector<16xi32>
    %swap3A_499 = arith.constant 55 : i32
    %swap3A_500 = arith.index_cast %swap3A_499 : i32 to index
    %swap3A_501 = arith.constant 0 : index
    %swap3A_502 = tpu.vector_load %arg5[%swap3A_500, %swap3A_501] {strides = array<i32>} : memref<128x16xi32, #tpu.memory_space<vmem>>, vector<1x16xi32>,
    %swap3A_503 = vector.shape_cast %swap3A_502 : vector<1x16xi32> to vector<16xi32>
    %swap3A_504 = vector.shape_cast %broadcast_in_dim3A_498 : vector<16xi32> to vector<1x16xi32>
    tpu.vector_store %arg5[%swap3A_500, %swap3A_501], %swap3A_504 {strides = array<i32>} : memref<128x16xi32, #tpu.memory_space<vmem>>, vector<1x16xi32>,
    %add3A_505 = arith.constant 56 : i32
    %add3A_506 = arith.addi %mul3A_2, %add3A_505 : i32
    %broadcast_in_dim3A_507 = vector.broadcast %add3A_506 : i32 to vector<16xi32>
    %swap3A_508 = arith.constant 56 : i32
    %swap3A_509 = arith.index_cast %swap3A_508 : i32 to index
    %swap3A_510 = arith.constant 0 : index
    %swap3A_511 = tpu.vector_load %arg5[%swap3A_509, %swap3A_510] {strides = array<i32>} : memref<128x16xi32, #tpu.memory_space<vmem>>, vector<1x16xi32>,
    %swap3A_512 = vector.shape_cast %swap3A_511 : vector<1x16xi32> to vector<16xi32>
    %swap3A_513 = vector.shape_cast %broadcast_in_dim3A_507 : vector<16xi32> to vector<1x16xi32>
    tpu.vector_store %arg5[%swap3A_509, %swap3A_510], %swap3A_513 {strides = array<i32>} : memref<128x16xi32, #tpu.memory_space<vmem>>, vector<1x16xi32>,
    %add3A_514 = arith.constant 57 : i32
    %add3A_515 = arith.addi %mul3A_2, %add3A_514 : i32
    %broadcast_in_dim3A_516 = vector.broadcast %add3A_515 : i32 to vector<16xi32>
    %swap3A_517 = arith.constant 57 : i32
    %swap3A_518 = arith.index_cast %swap3A_517 : i32 to index
    %swap3A_519 = arith.constant 0 : index
    %swap3A_520 = tpu.vector_load %arg5[%swap3A_518, %swap3A_519] {strides = array<i32>} : memref<128x16xi32, #tpu.memory_space<vmem>>, vector<1x16xi32>,
    %swap3A_521 = vector.shape_cast %swap3A_520 : vector<1x16xi32> to vector<16xi32>
    %swap3A_522 = vector.shape_cast %broadcast_in_dim3A_516 : vector<16xi32> to vector<1x16xi32>
    tpu.vector_store %arg5[%swap3A_518, %swap3A_519], %swap3A_522 {strides = array<i32>} : memref<128x16xi32, #tpu.memory_space<vmem>>, vector<1x16xi32>,
    %add3A_523 = arith.constant 58 : i32
    %add3A_524 = arith.addi %mul3A_2, %add3A_523 : i32
    %broadcast_in_dim3A_525 = vector.broadcast %add3A_524 : i32 to vector<16xi32>
    %swap3A_526 = arith.constant 58 : i32
    %swap3A_527 = arith.index_cast %swap3A_526 : i32 to index
    %swap3A_528 = arith.constant 0 : index
    %swap3A_529 = tpu.vector_load %arg5[%swap3A_527, %swap3A_528] {strides = array<i32>} : memref<128x16xi32, #tpu.memory_space<vmem>>, vector<1x16xi32>,
    %swap3A_530 = vector.shape_cast %swap3A_529 : vector<1x16xi32> to vector<16xi32>
    %swap3A_531 = vector.shape_cast %broadcast_in_dim3A_525 : vector<16xi32> to vector<1x16xi32>
    tpu.vector_store %arg5[%swap3A_527, %swap3A_528], %swap3A_531 {strides = array<i32>} : memref<128x16xi32, #tpu.memory_space<vmem>>, vector<1x16xi32>,
    %add3A_532 = arith.constant 59 : i32
    %add3A_533 = arith.addi %mul3A_2, %add3A_532 : i32
    %broadcast_in_dim3A_534 = vector.broadcast %add3A_533 : i32 to vector<16xi32>
    %swap3A_535 = arith.constant 59 : i32
    %swap3A_536 = arith.index_cast %swap3A_535 : i32 to index
    %swap3A_537 = arith.constant 0 : index
    %swap3A_538 = tpu.vector_load %arg5[%swap3A_536, %swap3A_537] {strides = array<i32>} : memref<128x16xi32, #tpu.memory_space<vmem>>, vector<1x16xi32>,
    %swap3A_539 = vector.shape_cast %swap3A_538 : vector<1x16xi32> to vector<16xi32>
    %swap3A_540 = vector.shape_cast %broadcast_in_dim3A_534 : vector<16xi32> to vector<1x16xi32>
    tpu.vector_store %arg5[%swap3A_536, %swap3A_537], %swap3A_540 {strides = array<i32>} : memref<128x16xi32, #tpu.memory_space<vmem>>, vector<1x16xi32>,
    %add3A_541 = arith.constant 60 : i32
    %add3A_542 = arith.addi %mul3A_2, %add3A_541 : i32
    %broadcast_in_dim3A_543 = vector.broadcast %add3A_542 : i32 to vector<16xi32>
    %swap3A_544 = arith.constant 60 : i32
    %swap3A_545 = arith.index_cast %swap3A_544 : i32 to index
    %swap3A_546 = arith.constant 0 : index
    %swap3A_547 = tpu.vector_load %arg5[%swap3A_545, %swap3A_546] {strides = array<i32>} : memref<128x16xi32, #tpu.memory_space<vmem>>, vector<1x16xi32>,
    %swap3A_548 = vector.shape_cast %swap3A_547 : vector<1x16xi32> to vector<16xi32>
    %swap3A_549 = vector.shape_cast %broadcast_in_dim3A_543 : vector<16xi32> to vector<1x16xi32>
    tpu.vector_store %arg5[%swap3A_545, %swap3A_546], %swap3A_549 {strides = array<i32>} : memref<128x16xi32, #tpu.memory_space<vmem>>, vector<1x16xi32>,
    %add3A_550 = arith.constant 61 : i32
    %add3A_551 = arith.addi %mul3A_2, %add3A_550 : i32
    %broadcast_in_dim3A_552 = vector.broadcast %add3A_551 : i32 to vector<16xi32>
    %swap3A_553 = arith.constant 61 : i32
    %swap3A_554 = arith.index_cast %swap3A_553 : i32 to index
    %swap3A_555 = arith.constant 0 : index
    %swap3A_556 = tpu.vector_load %arg5[%swap3A_554, %swap3A_555] {strides = array<i32>} : memref<128x16xi32, #tpu.memory_space<vmem>>, vector<1x16xi32>,
    %swap3A_557 = vector.shape_cast %swap3A_556 : vector<1x16xi32> to vector<16xi32>
    %swap3A_558 = vector.shape_cast %broadcast_in_dim3A_552 : vector<16xi32> to vector<1x16xi32>
    tpu.vector_store %arg5[%swap3A_554, %swap3A_555], %swap3A_558 {strides = array<i32>} : memref<128x16xi32, #tpu.memory_space<vmem>>, vector<1x16xi32>,
    %add3A_559 = arith.constant 62 : i32
    %add3A_560 = arith.addi %mul3A_2, %add3A_559 : i32
    %broadcast_in_dim3A_561 = vector.broadcast %add3A_560 : i32 to vector<16xi32>
    %swap3A_562 = arith.constant 62 : i32
    %swap3A_563 = arith.index_cast %swap3A_562 : i32 to index
    %swap3A_564 = arith.constant 0 : index
    %swap3A_565 = tpu.vector_load %arg5[%swap3A_563, %swap3A_564] {strides = array<i32>} : memref<128x16xi32, #tpu.memory_space<vmem>>, vector<1x16xi32>,
    %swap3A_566 = vector.shape_cast %swap3A_565 : vector<1x16xi32> to vector<16xi32>
    %swap3A_567 = vector.shape_cast %broadcast_in_dim3A_561 : vector<16xi32> to vector<1x16xi32>
    tpu.vector_store %arg5[%swap3A_563, %swap3A_564], %swap3A_567 {strides = array<i32>} : memref<128x16xi32, #tpu.memory_space<vmem>>, vector<1x16xi32>,
    %add3A_568 = arith.constant 63 : i32
    %add3A_569 = arith.addi %mul3A_2, %add3A_568 : i32
    %broadcast_in_dim3A_570 = vector.broadcast %add3A_569 : i32 to vector<16xi32>
    %swap3A_571 = arith.constant 63 : i32
    %swap3A_572 = arith.index_cast %swap3A_571 : i32 to index
    %swap3A_573 = arith.constant 0 : index
    %swap3A_574 = tpu.vector_load %arg5[%swap3A_572, %swap3A_573] {strides = array<i32>} : memref<128x16xi32, #tpu.memory_space<vmem>>, vector<1x16xi32>,
    %swap3A_575 = vector.shape_cast %swap3A_574 : vector<1x16xi32> to vector<16xi32>
    %swap3A_576 = vector.shape_cast %broadcast_in_dim3A_570 : vector<16xi32> to vector<1x16xi32>
    tpu.vector_store %arg5[%swap3A_572, %swap3A_573], %swap3A_576 {strides = array<i32>} : memref<128x16xi32, #tpu.memory_space<vmem>>, vector<1x16xi32>,
    %add3A_577 = arith.constant 64 : i32
    %add3A_578 = arith.addi %mul3A_2, %add3A_577 : i32
    %broadcast_in_dim3A_579 = vector.broadcast %add3A_578 : i32 to vector<16xi32>
    %swap3A_580 = arith.constant 64 : i32
    %swap3A_581 = arith.index_cast %swap3A_580 : i32 to index
    %swap3A_582 = arith.constant 0 : index
    %swap3A_583 = tpu.vector_load %arg5[%swap3A_581, %swap3A_582] {strides = array<i32>} : memref<128x16xi32, #tpu.memory_space<vmem>>, vector<1x16xi32>,
    %swap3A_584 = vector.shape_cast %swap3A_583 : vector<1x16xi32> to vector<16xi32>
    %swap3A_585 = vector.shape_cast %broadcast_in_dim3A_579 : vector<16xi32> to vector<1x16xi32>
    tpu.vector_store %arg5[%swap3A_581, %swap3A_582], %swap3A_585 {strides = array<i32>} : memref<128x16xi32, #tpu.memory_space<vmem>>, vector<1x16xi32>,
    %add3A_586 = arith.constant 65 : i32
    %add3A_587 = arith.addi %mul3A_2, %add3A_586 : i32
    %broadcast_in_dim3A_588 = vector.broadcast %add3A_587 : i32 to vector<16xi32>
    %swap3A_589 = arith.constant 65 : i32
    %swap3A_590 = arith.index_cast %swap3A_589 : i32 to index
    %swap3A_591 = arith.constant 0 : index
    %swap3A_592 = tpu.vector_load %arg5[%swap3A_590, %swap3A_591] {strides = array<i32>} : memref<128x16xi32, #tpu.memory_space<vmem>>, vector<1x16xi32>,
    %swap3A_593 = vector.shape_cast %swap3A_592 : vector<1x16xi32> to vector<16xi32>
    %swap3A_594 = vector.shape_cast %broadcast_in_dim3A_588 : vector<16xi32> to vector<1x16xi32>
    tpu.vector_store %arg5[%swap3A_590, %swap3A_591], %swap3A_594 {strides = array<i32>} : memref<128x16xi32, #tpu.memory_space<vmem>>, vector<1x16xi32>,
    %add3A_595 = arith.constant 66 : i32
    %add3A_596 = arith.addi %mul3A_2, %add3A_595 : i32
    %broadcast_in_dim3A_597 = vector.broadcast %add3A_596 : i32 to vector<16xi32>
    %swap3A_598 = arith.constant 66 : i32
    %swap3A_599 = arith.index_cast %swap3A_598 : i32 to index
    %swap3A_600 = arith.constant 0 : index
    %swap3A_601 = tpu.vector_load %arg5[%swap3A_599, %swap3A_600] {strides = array<i32>} : memref<128x16xi32, #tpu.memory_space<vmem>>, vector<1x16xi32>,
    %swap3A_602 = vector.shape_cast %swap3A_601 : vector<1x16xi32> to vector<16xi32>
    %swap3A_603 = vector.shape_cast %broadcast_in_dim3A_597 : vector<16xi32> to vector<1x16xi32>
    tpu.vector_store %arg5[%swap3A_599, %swap3A_600], %swap3A_603 {strides = array<i32>} : memref<128x16xi32, #tpu.memory_space<vmem>>, vector<1x16xi32>,
    %add3A_604 = arith.constant 67 : i32
    %add3A_605 = arith.addi %mul3A_2, %add3A_604 : i32
    %broadcast_in_dim3A_606 = vector.broadcast %add3A_605 : i32 to vector<16xi32>
    %swap3A_607 = arith.constant 67 : i32
    %swap3A_608 = arith.index_cast %swap3A_607 : i32 to index
    %swap3A_609 = arith.constant 0 : index
    %swap3A_610 = tpu.vector_load %arg5[%swap3A_608, %swap3A_609] {strides = array<i32>} : memref<128x16xi32, #tpu.memory_space<vmem>>, vector<1x16xi32>,
    %swap3A_611 = vector.shape_cast %swap3A_610 : vector<1x16xi32> to vector<16xi32>
    %swap3A_612 = vector.shape_cast %broadcast_in_dim3A_606 : vector<16xi32> to vector<1x16xi32>
    tpu.vector_store %arg5[%swap3A_608, %swap3A_609], %swap3A_612 {strides = array<i32>} : memref<128x16xi32, #tpu.memory_space<vmem>>, vector<1x16xi32>,
    %add3A_613 = arith.constant 68 : i32
    %add3A_614 = arith.addi %mul3A_2, %add3A_613 : i32
    %broadcast_in_dim3A_615 = vector.broadcast %add3A_614 : i32 to vector<16xi32>
    %swap3A_616 = arith.constant 68 : i32
    %swap3A_617 = arith.index_cast %swap3A_616 : i32 to index
    %swap3A_618 = arith.constant 0 : index
    %swap3A_619 = tpu.vector_load %arg5[%swap3A_617, %swap3A_618] {strides = array<i32>} : memref<128x16xi32, #tpu.memory_space<vmem>>, vector<1x16xi32>,
    %swap3A_620 = vector.shape_cast %swap3A_619 : vector<1x16xi32> to vector<16xi32>
    %swap3A_621 = vector.shape_cast %broadcast_in_dim3A_615 : vector<16xi32> to vector<1x16xi32>
    tpu.vector_store %arg5[%swap3A_617, %swap3A_618], %swap3A_621 {strides = array<i32>} : memref<128x16xi32, #tpu.memory_space<vmem>>, vector<1x16xi32>,
    %add3A_622 = arith.constant 69 : i32
    %add3A_623 = arith.addi %mul3A_2, %add3A_622 : i32
    %broadcast_in_dim3A_624 = vector.broadcast %add3A_623 : i32 to vector<16xi32>
    %swap3A_625 = arith.constant 69 : i32
    %swap3A_626 = arith.index_cast %swap3A_625 : i32 to index
    %swap3A_627 = arith.constant 0 : index
    %swap3A_628 = tpu.vector_load %arg5[%swap3A_626, %swap3A_627] {strides = array<i32>} : memref<128x16xi32, #tpu.memory_space<vmem>>, vector<1x16xi32>,
    %swap3A_629 = vector.shape_cast %swap3A_628 : vector<1x16xi32> to vector<16xi32>
    %swap3A_630 = vector.shape_cast %broadcast_in_dim3A_624 : vector<16xi32> to vector<1x16xi32>
    tpu.vector_store %arg5[%swap3A_626, %swap3A_627], %swap3A_630 {strides = array<i32>} : memref<128x16xi32, #tpu.memory_space<vmem>>, vector<1x16xi32>,
    %add3A_631 = arith.constant 70 : i32
    %add3A_632 = arith.addi %mul3A_2, %add3A_631 : i32
    %broadcast_in_dim3A_633 = vector.broadcast %add3A_632 : i32 to vector<16xi32>
    %swap3A_634 = arith.constant 70 : i32
    %swap3A_635 = arith.index_cast %swap3A_634 : i32 to index
    %swap3A_636 = arith.constant 0 : index
    %swap3A_637 = tpu.vector_load %arg5[%swap3A_635, %swap3A_636] {strides = array<i32>} : memref<128x16xi32, #tpu.memory_space<vmem>>, vector<1x16xi32>,
    %swap3A_638 = vector.shape_cast %swap3A_637 : vector<1x16xi32> to vector<16xi32>
    %swap3A_639 = vector.shape_cast %broadcast_in_dim3A_633 : vector<16xi32> to vector<1x16xi32>
    tpu.vector_store %arg5[%swap3A_635, %swap3A_636], %swap3A_639 {strides = array<i32>} : memref<128x16xi32, #tpu.memory_space<vmem>>, vector<1x16xi32>,
    %add3A_640 = arith.constant 71 : i32
    %add3A_641 = arith.addi %mul3A_2, %add3A_640 : i32
    %broadcast_in_dim3A_642 = vector.broadcast %add3A_641 : i32 to vector<16xi32>
    %swap3A_643 = arith.constant 71 : i32
    %swap3A_644 = arith.index_cast %swap3A_643 : i32 to index
    %swap3A_645 = arith.constant 0 : index
    %swap3A_646 = tpu.vector_load %arg5[%swap3A_644, %swap3A_645] {strides = array<i32>} : memref<128x16xi32, #tpu.memory_space<vmem>>, vector<1x16xi32>,
    %swap3A_647 = vector.shape_cast %swap3A_646 : vector<1x16xi32> to vector<16xi32>
    %swap3A_648 = vector.shape_cast %broadcast_in_dim3A_642 : vector<16xi32> to vector<1x16xi32>
    tpu.vector_store %arg5[%swap3A_644, %swap3A_645], %swap3A_648 {strides = array<i32>} : memref<128x16xi32, #tpu.memory_space<vmem>>, vector<1x16xi32>,
    %add3A_649 = arith.constant 72 : i32
    %add3A_650 = arith.addi %mul3A_2, %add3A_649 : i32
    %broadcast_in_dim3A_651 = vector.broadcast %add3A_650 : i32 to vector<16xi32>
    %swap3A_652 = arith.constant 72 : i32
    %swap3A_653 = arith.index_cast %swap3A_652 : i32 to index
    %swap3A_654 = arith.constant 0 : index
    %swap3A_655 = tpu.vector_load %arg5[%swap3A_653, %swap3A_654] {strides = array<i32>} : memref<128x16xi32, #tpu.memory_space<vmem>>, vector<1x16xi32>,
    %swap3A_656 = vector.shape_cast %swap3A_655 : vector<1x16xi32> to vector<16xi32>
    %swap3A_657 = vector.shape_cast %broadcast_in_dim3A_651 : vector<16xi32> to vector<1x16xi32>
    tpu.vector_store %arg5[%swap3A_653, %swap3A_654], %swap3A_657 {strides = array<i32>} : memref<128x16xi32, #tpu.memory_space<vmem>>, vector<1x16xi32>,
    %add3A_658 = arith.constant 73 : i32
    %add3A_659 = arith.addi %mul3A_2, %add3A_658 : i32
    %broadcast_in_dim3A_660 = vector.broadcast %add3A_659 : i32 to vector<16xi32>
    %swap3A_661 = arith.constant 73 : i32
    %swap3A_662 = arith.index_cast %swap3A_661 : i32 to index
    %swap3A_663 = arith.constant 0 : index
    %swap3A_664 = tpu.vector_load %arg5[%swap3A_662, %swap3A_663] {strides = array<i32>} : memref<128x16xi32, #tpu.memory_space<vmem>>, vector<1x16xi32>,
    %swap3A_665 = vector.shape_cast %swap3A_664 : vector<1x16xi32> to vector<16xi32>
    %swap3A_666 = vector.shape_cast %broadcast_in_dim3A_660 : vector<16xi32> to vector<1x16xi32>
    tpu.vector_store %arg5[%swap3A_662, %swap3A_663], %swap3A_666 {strides = array<i32>} : memref<128x16xi32, #tpu.memory_space<vmem>>, vector<1x16xi32>,
    %add3A_667 = arith.constant 74 : i32
    %add3A_668 = arith.addi %mul3A_2, %add3A_667 : i32
    %broadcast_in_dim3A_669 = vector.broadcast %add3A_668 : i32 to vector<16xi32>
    %swap3A_670 = arith.constant 74 : i32
    %swap3A_671 = arith.index_cast %swap3A_670 : i32 to index
    %swap3A_672 = arith.constant 0 : index
    %swap3A_673 = tpu.vector_load %arg5[%swap3A_671, %swap3A_672] {strides = array<i32>} : memref<128x16xi32, #tpu.memory_space<vmem>>, vector<1x16xi32>,
    %swap3A_674 = vector.shape_cast %swap3A_673 : vector<1x16xi32> to vector<16xi32>
    %swap3A_675 = vector.shape_cast %broadcast_in_dim3A_669 : vector<16xi32> to vector<1x16xi32>
    tpu.vector_store %arg5[%swap3A_671, %swap3A_672], %swap3A_675 {strides = array<i32>} : memref<128x16xi32, #tpu.memory_space<vmem>>, vector<1x16xi32>,
    %add3A_676 = arith.constant 75 : i32
    %add3A_677 = arith.addi %mul3A_2, %add3A_676 : i32
    %broadcast_in_dim3A_678 = vector.broadcast %add3A_677 : i32 to vector<16xi32>
    %swap3A_679 = arith.constant 75 : i32
    %swap3A_680 = arith.index_cast %swap3A_679 : i32 to index
    %swap3A_681 = arith.constant 0 : index
    %swap3A_682 = tpu.vector_load %arg5[%swap3A_680, %swap3A_681] {strides = array<i32>} : memref<128x16xi32, #tpu.memory_space<vmem>>, vector<1x16xi32>,
    %swap3A_683 = vector.shape_cast %swap3A_682 : vector<1x16xi32> to vector<16xi32>
    %swap3A_684 = vector.shape_cast %broadcast_in_dim3A_678 : vector<16xi32> to vector<1x16xi32>
    tpu.vector_store %arg5[%swap3A_680, %swap3A_681], %swap3A_684 {strides = array<i32>} : memref<128x16xi32, #tpu.memory_space<vmem>>, vector<1x16xi32>,
    %add3A_685 = arith.constant 76 : i32
    %add3A_686 = arith.addi %mul3A_2, %add3A_685 : i32
    %broadcast_in_dim3A_687 = vector.broadcast %add3A_686 : i32 to vector<16xi32>
    %swap3A_688 = arith.constant 76 : i32
    %swap3A_689 = arith.index_cast %swap3A_688 : i32 to index
    %swap3A_690 = arith.constant 0 : index
    %swap3A_691 = tpu.vector_load %arg5[%swap3A_689, %swap3A_690] {strides = array<i32>} : memref<128x16xi32, #tpu.memory_space<vmem>>, vector<1x16xi32>,
    %swap3A_692 = vector.shape_cast %swap3A_691 : vector<1x16xi32> to vector<16xi32>
    %swap3A_693 = vector.shape_cast %broadcast_in_dim3A_687 : vector<16xi32> to vector<1x16xi32>
    tpu.vector_store %arg5[%swap3A_689, %swap3A_690], %swap3A_693 {strides = array<i32>} : memref<128x16xi32, #tpu.memory_space<vmem>>, vector<1x16xi32>,
    %add3A_694 = arith.constant 77 : i32
    %add3A_695 = arith.addi %mul3A_2, %add3A_694 : i32
    %broadcast_in_dim3A_696 = vector.broadcast %add3A_695 : i32 to vector<16xi32>
    %swap3A_697 = arith.constant 77 : i32
    %swap3A_698 = arith.index_cast %swap3A_697 : i32 to index
    %swap3A_699 = arith.constant 0 : index
    %swap3A_700 = tpu.vector_load %arg5[%swap3A_698, %swap3A_699] {strides = array<i32>} : memref<128x16xi32, #tpu.memory_space<vmem>>, vector<1x16xi32>,
    %swap3A_701 = vector.shape_cast %swap3A_700 : vector<1x16xi32> to vector<16xi32>
    %swap3A_702 = vector.shape_cast %broadcast_in_dim3A_696 : vector<16xi32> to vector<1x16xi32>
    tpu.vector_store %arg5[%swap3A_698, %swap3A_699], %swap3A_702 {strides = array<i32>} : memref<128x16xi32, #tpu.memory_space<vmem>>, vector<1x16xi32>,
    %add3A_703 = arith.constant 78 : i32
    %add3A_704 = arith.addi %mul3A_2, %add3A_703 : i32
    %broadcast_in_dim3A_705 = vector.broadcast %add3A_704 : i32 to vector<16xi32>
    %swap3A_706 = arith.constant 78 : i32
    %swap3A_707 = arith.index_cast %swap3A_706 : i32 to index
    %swap3A_708 = arith.constant 0 : index
    %swap3A_709 = tpu.vector_load %arg5[%swap3A_707, %swap3A_708] {strides = array<i32>} : memref<128x16xi32, #tpu.memory_space<vmem>>, vector<1x16xi32>,
    %swap3A_710 = vector.shape_cast %swap3A_709 : vector<1x16xi32> to vector<16xi32>
    %swap3A_711 = vector.shape_cast %broadcast_in_dim3A_705 : vector<16xi32> to vector<1x16xi32>
    tpu.vector_store %arg5[%swap3A_707, %swap3A_708], %swap3A_711 {strides = array<i32>} : memref<128x16xi32, #tpu.memory_space<vmem>>, vector<1x16xi32>,
    %add3A_712 = arith.constant 79 : i32
    %add3A_713 = arith.addi %mul3A_2, %add3A_712 : i32
    %broadcast_in_dim3A_714 = vector.broadcast %add3A_713 : i32 to vector<16xi32>
    %swap3A_715 = arith.constant 79 : i32
    %swap3A_716 = arith.index_cast %swap3A_715 : i32 to index
    %swap3A_717 = arith.constant 0 : index
    %swap3A_718 = tpu.vector_load %arg5[%swap3A_716, %swap3A_717] {strides = array<i32>} : memref<128x16xi32, #tpu.memory_space<vmem>>, vector<1x16xi32>,
    %swap3A_719 = vector.shape_cast %swap3A_718 : vector<1x16xi32> to vector<16xi32>
    %swap3A_720 = vector.shape_cast %broadcast_in_dim3A_714 : vector<16xi32> to vector<1x16xi32>
    tpu.vector_store %arg5[%swap3A_716, %swap3A_717], %swap3A_720 {strides = array<i32>} : memref<128x16xi32, #tpu.memory_space<vmem>>, vector<1x16xi32>,
    %add3A_721 = arith.constant 80 : i32
    %add3A_722 = arith.addi %mul3A_2, %add3A_721 : i32
    %broadcast_in_dim3A_723 = vector.broadcast %add3A_722 : i32 to vector<16xi32>
    %swap3A_724 = arith.constant 80 : i32
    %swap3A_725 = arith.index_cast %swap3A_724 : i32 to index
    %swap3A_726 = arith.constant 0 : index
    %swap3A_727 = tpu.vector_load %arg5[%swap3A_725, %swap3A_726] {strides = array<i32>} : memref<128x16xi32, #tpu.memory_space<vmem>>, vector<1x16xi32>,
    %swap3A_728 = vector.shape_cast %swap3A_727 : vector<1x16xi32> to vector<16xi32>
    %swap3A_729 = vector.shape_cast %broadcast_in_dim3A_723 : vector<16xi32> to vector<1x16xi32>
    tpu.vector_store %arg5[%swap3A_725, %swap3A_726], %swap3A_729 {strides = array<i32>} : memref<128x16xi32, #tpu.memory_space<vmem>>, vector<1x16xi32>,
    %add3A_730 = arith.constant 81 : i32
    %add3A_731 = arith.addi %mul3A_2, %add3A_730 : i32
    %broadcast_in_dim3A_732 = vector.broadcast %add3A_731 : i32 to vector<16xi32>
    %swap3A_733 = arith.constant 81 : i32
    %swap3A_734 = arith.index_cast %swap3A_733 : i32 to index
    %swap3A_735 = arith.constant 0 : index
    %swap3A_736 = tpu.vector_load %arg5[%swap3A_734, %swap3A_735] {strides = array<i32>} : memref<128x16xi32, #tpu.memory_space<vmem>>, vector<1x16xi32>,
    %swap3A_737 = vector.shape_cast %swap3A_736 : vector<1x16xi32> to vector<16xi32>
    %swap3A_738 = vector.shape_cast %broadcast_in_dim3A_732 : vector<16xi32> to vector<1x16xi32>
    tpu.vector_store %arg5[%swap3A_734, %swap3A_735], %swap3A_738 {strides = array<i32>} : memref<128x16xi32, #tpu.memory_space<vmem>>, vector<1x16xi32>,
    %add3A_739 = arith.constant 82 : i32
    %add3A_740 = arith.addi %mul3A_2, %add3A_739 : i32
    %broadcast_in_dim3A_741 = vector.broadcast %add3A_740 : i32 to vector<16xi32>
    %swap3A_742 = arith.constant 82 : i32
    %swap3A_743 = arith.index_cast %swap3A_742 : i32 to index
    %swap3A_744 = arith.constant 0 : index
    %swap3A_745 = tpu.vector_load %arg5[%swap3A_743, %swap3A_744] {strides = array<i32>} : memref<128x16xi32, #tpu.memory_space<vmem>>, vector<1x16xi32>,
    %swap3A_746 = vector.shape_cast %swap3A_745 : vector<1x16xi32> to vector<16xi32>
    %swap3A_747 = vector.shape_cast %broadcast_in_dim3A_741 : vector<16xi32> to vector<1x16xi32>
    tpu.vector_store %arg5[%swap3A_743, %swap3A_744], %swap3A_747 {strides = array<i32>} : memref<128x16xi32, #tpu.memory_space<vmem>>, vector<1x16xi32>,
    %add3A_748 = arith.constant 83 : i32
    %add3A_749 = arith.addi %mul3A_2, %add3A_748 : i32
    %broadcast_in_dim3A_750 = vector.broadcast %add3A_749 : i32 to vector<16xi32>
    %swap3A_751 = arith.constant 83 : i32
    %swap3A_752 = arith.index_cast %swap3A_751 : i32 to index
    %swap3A_753 = arith.constant 0 : index
    %swap3A_754 = tpu.vector_load %arg5[%swap3A_752, %swap3A_753] {strides = array<i32>} : memref<128x16xi32, #tpu.memory_space<vmem>>, vector<1x16xi32>,
    %swap3A_755 = vector.shape_cast %swap3A_754 : vector<1x16xi32> to vector<16xi32>
    %swap3A_756 = vector.shape_cast %broadcast_in_dim3A_750 : vector<16xi32> to vector<1x16xi32>
    tpu.vector_store %arg5[%swap3A_752, %swap3A_753], %swap3A_756 {strides = array<i32>} : memref<128x16xi32, #tpu.memory_space<vmem>>, vector<1x16xi32>,
    %add3A_757 = arith.constant 84 : i32
    %add3A_758 = arith.addi %mul3A_2, %add3A_757 : i32
    %broadcast_in_dim3A_759 = vector.broadcast %add3A_758 : i32 to vector<16xi32>
    %swap3A_760 = arith.constant 84 : i32
    %swap3A_761 = arith.index_cast %swap3A_760 : i32 to index
    %swap3A_762 = arith.constant 0 : index
    %swap3A_763 = tpu.vector_load %arg5[%swap3A_761, %swap3A_762] {strides = array<i32>} : memref<128x16xi32, #tpu.memory_space<vmem>>, vector<1x16xi32>,
    %swap3A_764 = vector.shape_cast %swap3A_763 : vector<1x16xi32> to vector<16xi32>
    %swap3A_765 = vector.shape_cast %broadcast_in_dim3A_759 : vector<16xi32> to vector<1x16xi32>
    tpu.vector_store %arg5[%swap3A_761, %swap3A_762], %swap3A_765 {strides = array<i32>} : memref<128x16xi32, #tpu.memory_space<vmem>>, vector<1x16xi32>,
    %add3A_766 = arith.constant 85 : i32
    %add3A_767 = arith.addi %mul3A_2, %add3A_766 : i32
    %broadcast_in_dim3A_768 = vector.broadcast %add3A_767 : i32 to vector<16xi32>
    %swap3A_769 = arith.constant 85 : i32
    %swap3A_770 = arith.index_cast %swap3A_769 : i32 to index
    %swap3A_771 = arith.constant 0 : index
    %swap3A_772 = tpu.vector_load %arg5[%swap3A_770, %swap3A_771] {strides = array<i32>} : memref<128x16xi32, #tpu.memory_space<vmem>>, vector<1x16xi32>,
    %swap3A_773 = vector.shape_cast %swap3A_772 : vector<1x16xi32> to vector<16xi32>
    %swap3A_774 = vector.shape_cast %broadcast_in_dim3A_768 : vector<16xi32> to vector<1x16xi32>
    tpu.vector_store %arg5[%swap3A_770, %swap3A_771], %swap3A_774 {strides = array<i32>} : memref<128x16xi32, #tpu.memory_space<vmem>>, vector<1x16xi32>,
    %add3A_775 = arith.constant 86 : i32
    %add3A_776 = arith.addi %mul3A_2, %add3A_775 : i32
    %broadcast_in_dim3A_777 = vector.broadcast %add3A_776 : i32 to vector<16xi32>
    %swap3A_778 = arith.constant 86 : i32
    %swap3A_779 = arith.index_cast %swap3A_778 : i32 to index
    %swap3A_780 = arith.constant 0 : index
    %swap3A_781 = tpu.vector_load %arg5[%swap3A_779, %swap3A_780] {strides = array<i32>} : memref<128x16xi32, #tpu.memory_space<vmem>>, vector<1x16xi32>,
    %swap3A_782 = vector.shape_cast %swap3A_781 : vector<1x16xi32> to vector<16xi32>
    %swap3A_783 = vector.shape_cast %broadcast_in_dim3A_777 : vector<16xi32> to vector<1x16xi32>
    tpu.vector_store %arg5[%swap3A_779, %swap3A_780], %swap3A_783 {strides = array<i32>} : memref<128x16xi32, #tpu.memory_space<vmem>>, vector<1x16xi32>,
    %add3A_784 = arith.constant 87 : i32
    %add3A_785 = arith.addi %mul3A_2, %add3A_784 : i32
    %broadcast_in_dim3A_786 = vector.broadcast %add3A_785 : i32 to vector<16xi32>
    %swap3A_787 = arith.constant 87 : i32
    %swap3A_788 = arith.index_cast %swap3A_787 : i32 to index
    %swap3A_789 = arith.constant 0 : index
    %swap3A_790 = tpu.vector_load %arg5[%swap3A_788, %swap3A_789] {strides = array<i32>} : memref<128x16xi32, #tpu.memory_space<vmem>>, vector<1x16xi32>,
    %swap3A_791 = vector.shape_cast %swap3A_790 : vector<1x16xi32> to vector<16xi32>
    %swap3A_792 = vector.shape_cast %broadcast_in_dim3A_786 : vector<16xi32> to vector<1x16xi32>
    tpu.vector_store %arg5[%swap3A_788, %swap3A_789], %swap3A_792 {strides = array<i32>} : memref<128x16xi32, #tpu.memory_space<vmem>>, vector<1x16xi32>,
    %add3A_793 = arith.constant 88 : i32
    %add3A_794 = arith.addi %mul3A_2, %add3A_793 : i32
    %broadcast_in_dim3A_795 = vector.broadcast %add3A_794 : i32 to vector<16xi32>
    %swap3A_796 = arith.constant 88 : i32
    %swap3A_797 = arith.index_cast %swap3A_796 : i32 to index
    %swap3A_798 = arith.constant 0 : index
    %swap3A_799 = tpu.vector_load %arg5[%swap3A_797, %swap3A_798] {strides = array<i32>} : memref<128x16xi32, #tpu.memory_space<vmem>>, vector<1x16xi32>,
    %swap3A_800 = vector.shape_cast %swap3A_799 : vector<1x16xi32> to vector<16xi32>
    %swap3A_801 = vector.shape_cast %broadcast_in_dim3A_795 : vector<16xi32> to vector<1x16xi32>
    tpu.vector_store %arg5[%swap3A_797, %swap3A_798], %swap3A_801 {strides = array<i32>} : memref<128x16xi32, #tpu.memory_space<vmem>>, vector<1x16xi32>,
    %add3A_802 = arith.constant 89 : i32
    %add3A_803 = arith.addi %mul3A_2, %add3A_802 : i32
    %broadcast_in_dim3A_804 = vector.broadcast %add3A_803 : i32 to vector<16xi32>
    %swap3A_805 = arith.constant 89 : i32
    %swap3A_806 = arith.index_cast %swap3A_805 : i32 to index
    %swap3A_807 = arith.constant 0 : index
    %swap3A_808 = tpu.vector_load %arg5[%swap3A_806, %swap3A_807] {strides = array<i32>} : memref<128x16xi32, #tpu.memory_space<vmem>>, vector<1x16xi32>,
    %swap3A_809 = vector.shape_cast %swap3A_808 : vector<1x16xi32> to vector<16xi32>
    %swap3A_810 = vector.shape_cast %broadcast_in_dim3A_804 : vector<16xi32> to vector<1x16xi32>
    tpu.vector_store %arg5[%swap3A_806, %swap3A_807], %swap3A_810 {strides = array<i32>} : memref<128x16xi32, #tpu.memory_space<vmem>>, vector<1x16xi32>,
    %add3A_811 = arith.constant 90 : i32
    %add3A_812 = arith.addi %mul3A_2, %add3A_811 : i32
    %broadcast_in_dim3A_813 = vector.broadcast %add3A_812 : i32 to vector<16xi32>
    %swap3A_814 = arith.constant 90 : i32
    %swap3A_815 = arith.index_cast %swap3A_814 : i32 to index
    %swap3A_816 = arith.constant 0 : index
    %swap3A_817 = tpu.vector_load %arg5[%swap3A_815, %swap3A_816] {strides = array<i32>} : memref<128x16xi32, #tpu.memory_space<vmem>>, vector<1x16xi32>,
    %swap3A_818 = vector.shape_cast %swap3A_817 : vector<1x16xi32> to vector<16xi32>
    %swap3A_819 = vector.shape_cast %broadcast_in_dim3A_813 : vector<16xi32> to vector<1x16xi32>
    tpu.vector_store %arg5[%swap3A_815, %swap3A_816], %swap3A_819 {strides = array<i32>} : memref<128x16xi32, #tpu.memory_space<vmem>>, vector<1x16xi32>,
    %add3A_820 = arith.constant 91 : i32
    %add3A_821 = arith.addi %mul3A_2, %add3A_820 : i32
    %broadcast_in_dim3A_822 = vector.broadcast %add3A_821 : i32 to vector<16xi32>
    %swap3A_823 = arith.constant 91 : i32
    %swap3A_824 = arith.index_cast %swap3A_823 : i32 to index
    %swap3A_825 = arith.constant 0 : index
    %swap3A_826 = tpu.vector_load %arg5[%swap3A_824, %swap3A_825] {strides = array<i32>} : memref<128x16xi32, #tpu.memory_space<vmem>>, vector<1x16xi32>,
    %swap3A_827 = vector.shape_cast %swap3A_826 : vector<1x16xi32> to vector<16xi32>
    %swap3A_828 = vector.shape_cast %broadcast_in_dim3A_822 : vector<16xi32> to vector<1x16xi32>
    tpu.vector_store %arg5[%swap3A_824, %swap3A_825], %swap3A_828 {strides = array<i32>} : memref<128x16xi32, #tpu.memory_space<vmem>>, vector<1x16xi32>,
    %add3A_829 = arith.constant 92 : i32
    %add3A_830 = arith.addi %mul3A_2, %add3A_829 : i32
    %broadcast_in_dim3A_831 = vector.broadcast %add3A_830 : i32 to vector<16xi32>
    %swap3A_832 = arith.constant 92 : i32
    %swap3A_833 = arith.index_cast %swap3A_832 : i32 to index
    %swap3A_834 = arith.constant 0 : index
    %swap3A_835 = tpu.vector_load %arg5[%swap3A_833, %swap3A_834] {strides = array<i32>} : memref<128x16xi32, #tpu.memory_space<vmem>>, vector<1x16xi32>,
    %swap3A_836 = vector.shape_cast %swap3A_835 : vector<1x16xi32> to vector<16xi32>
    %swap3A_837 = vector.shape_cast %broadcast_in_dim3A_831 : vector<16xi32> to vector<1x16xi32>
    tpu.vector_store %arg5[%swap3A_833, %swap3A_834], %swap3A_837 {strides = array<i32>} : memref<128x16xi32, #tpu.memory_space<vmem>>, vector<1x16xi32>,
    %add3A_838 = arith.constant 93 : i32
    %add3A_839 = arith.addi %mul3A_2, %add3A_838 : i32
    %broadcast_in_dim3A_840 = vector.broadcast %add3A_839 : i32 to vector<16xi32>
    %swap3A_841 = arith.constant 93 : i32
    %swap3A_842 = arith.index_cast %swap3A_841 : i32 to index
    %swap3A_843 = arith.constant 0 : index
    %swap3A_844 = tpu.vector_load %arg5[%swap3A_842, %swap3A_843] {strides = array<i32>} : memref<128x16xi32, #tpu.memory_space<vmem>>, vector<1x16xi32>,
    %swap3A_845 = vector.shape_cast %swap3A_844 : vector<1x16xi32> to vector<16xi32>
    %swap3A_846 = vector.shape_cast %broadcast_in_dim3A_840 : vector<16xi32> to vector<1x16xi32>
    tpu.vector_store %arg5[%swap3A_842, %swap3A_843], %swap3A_846 {strides = array<i32>} : memref<128x16xi32, #tpu.memory_space<vmem>>, vector<1x16xi32>,
    %add3A_847 = arith.constant 94 : i32
    %add3A_848 = arith.addi %mul3A_2, %add3A_847 : i32
    %broadcast_in_dim3A_849 = vector.broadcast %add3A_848 : i32 to vector<16xi32>
    %swap3A_850 = arith.constant 94 : i32
    %swap3A_851 = arith.index_cast %swap3A_850 : i32 to index
    %swap3A_852 = arith.constant 0 : index
    %swap3A_853 = tpu.vector_load %arg5[%swap3A_851, %swap3A_852] {strides = array<i32>} : memref<128x16xi32, #tpu.memory_space<vmem>>, vector<1x16xi32>,
    %swap3A_854 = vector.shape_cast %swap3A_853 : vector<1x16xi32> to vector<16xi32>
    %swap3A_855 = vector.shape_cast %broadcast_in_dim3A_849 : vector<16xi32> to vector<1x16xi32>
    tpu.vector_store %arg5[%swap3A_851, %swap3A_852], %swap3A_855 {strides = array<i32>} : memref<128x16xi32, #tpu.memory_space<vmem>>, vector<1x16xi32>,
    %add3A_856 = arith.constant 95 : i32
    %add3A_857 = arith.addi %mul3A_2, %add3A_856 : i32
    %broadcast_in_dim3A_858 = vector.broadcast %add3A_857 : i32 to vector<16xi32>
    %swap3A_859 = arith.constant 95 : i32
    %swap3A_860 = arith.index_cast %swap3A_859 : i32 to index
    %swap3A_861 = arith.constant 0 : index
    %swap3A_862 = tpu.vector_load %arg5[%swap3A_860, %swap3A_861] {strides = array<i32>} : memref<128x16xi32, #tpu.memory_space<vmem>>, vector<1x16xi32>,
    %swap3A_863 = vector.shape_cast %swap3A_862 : vector<1x16xi32> to vector<16xi32>
    %swap3A_864 = vector.shape_cast %broadcast_in_dim3A_858 : vector<16xi32> to vector<1x16xi32>
    tpu.vector_store %arg5[%swap3A_860, %swap3A_861], %swap3A_864 {strides = array<i32>} : memref<128x16xi32, #tpu.memory_space<vmem>>, vector<1x16xi32>,
    %add3A_865 = arith.constant 96 : i32
    %add3A_866 = arith.addi %mul3A_2, %add3A_865 : i32
    %broadcast_in_dim3A_867 = vector.broadcast %add3A_866 : i32 to vector<16xi32>
    %swap3A_868 = arith.constant 96 : i32
    %swap3A_869 = arith.index_cast %swap3A_868 : i32 to index
    %swap3A_870 = arith.constant 0 : index
    %swap3A_871 = tpu.vector_load %arg5[%swap3A_869, %swap3A_870] {strides = array<i32>} : memref<128x16xi32, #tpu.memory_space<vmem>>, vector<1x16xi32>,
    %swap3A_872 = vector.shape_cast %swap3A_871 : vector<1x16xi32> to vector<16xi32>
    %swap3A_873 = vector.shape_cast %broadcast_in_dim3A_867 : vector<16xi32> to vector<1x16xi32>
    tpu.vector_store %arg5[%swap3A_869, %swap3A_870], %swap3A_873 {strides = array<i32>} : memref<128x16xi32, #tpu.memory_space<vmem>>, vector<1x16xi32>,
    %add3A_874 = arith.constant 97 : i32
    %add3A_875 = arith.addi %mul3A_2, %add3A_874 : i32
    %broadcast_in_dim3A_876 = vector.broadcast %add3A_875 : i32 to vector<16xi32>
    %swap3A_877 = arith.constant 97 : i32
    %swap3A_878 = arith.index_cast %swap3A_877 : i32 to index
    %swap3A_879 = arith.constant 0 : index
    %swap3A_880 = tpu.vector_load %arg5[%swap3A_878, %swap3A_879] {strides = array<i32>} : memref<128x16xi32, #tpu.memory_space<vmem>>, vector<1x16xi32>,
    %swap3A_881 = vector.shape_cast %swap3A_880 : vector<1x16xi32> to vector<16xi32>
    %swap3A_882 = vector.shape_cast %broadcast_in_dim3A_876 : vector<16xi32> to vector<1x16xi32>
    tpu.vector_store %arg5[%swap3A_878, %swap3A_879], %swap3A_882 {strides = array<i32>} : memref<128x16xi32, #tpu.memory_space<vmem>>, vector<1x16xi32>,
    %add3A_883 = arith.constant 98 : i32
    %add3A_884 = arith.addi %mul3A_2, %add3A_883 : i32
    %broadcast_in_dim3A_885 = vector.broadcast %add3A_884 : i32 to vector<16xi32>
    %swap3A_886 = arith.constant 98 : i32
    %swap3A_887 = arith.index_cast %swap3A_886 : i32 to index
    %swap3A_888 = arith.constant 0 : index
    %swap3A_889 = tpu.vector_load %arg5[%swap3A_887, %swap3A_888] {strides = array<i32>} : memref<128x16xi32, #tpu.memory_space<vmem>>, vector<1x16xi32>,
    %swap3A_890 = vector.shape_cast %swap3A_889 : vector<1x16xi32> to vector<16xi32>
    %swap3A_891 = vector.shape_cast %broadcast_in_dim3A_885 : vector<16xi32> to vector<1x16xi32>
    tpu.vector_store %arg5[%swap3A_887, %swap3A_888], %swap3A_891 {strides = array<i32>} : memref<128x16xi32, #tpu.memory_space<vmem>>, vector<1x16xi32>,
    %add3A_892 = arith.constant 99 : i32
    %add3A_893 = arith.addi %mul3A_2, %add3A_892 : i32
    %broadcast_in_dim3A_894 = vector.broadcast %add3A_893 : i32 to vector<16xi32>
    %swap3A_895 = arith.constant 99 : i32
    %swap3A_896 = arith.index_cast %swap3A_895 : i32 to index
    %swap3A_897 = arith.constant 0 : index
    %swap3A_898 = tpu.vector_load %arg5[%swap3A_896, %swap3A_897] {strides = array<i32>} : memref<128x16xi32, #tpu.memory_space<vmem>>, vector<1x16xi32>,
    %swap3A_899 = vector.shape_cast %swap3A_898 : vector<1x16xi32> to vector<16xi32>
    %swap3A_900 = vector.shape_cast %broadcast_in_dim3A_894 : vector<16xi32> to vector<1x16xi32>
    tpu.vector_store %arg5[%swap3A_896, %swap3A_897], %swap3A_900 {strides = array<i32>} : memref<128x16xi32, #tpu.memory_space<vmem>>, vector<1x16xi32>,
    %add3A_901 = arith.constant 100 : i32
    %add3A_902 = arith.addi %mul3A_2, %add3A_901 : i32
    %broadcast_in_dim3A_903 = vector.broadcast %add3A_902 : i32 to vector<16xi32>
    %swap3A_904 = arith.constant 100 : i32
    %swap3A_905 = arith.index_cast %swap3A_904 : i32 to index
    %swap3A_906 = arith.constant 0 : index
    %swap3A_907 = tpu.vector_load %arg5[%swap3A_905, %swap3A_906] {strides = array<i32>} : memref<128x16xi32, #tpu.memory_space<vmem>>, vector<1x16xi32>,
    %swap3A_908 = vector.shape_cast %swap3A_907 : vector<1x16xi32> to vector<16xi32>
    %swap3A_909 = vector.shape_cast %broadcast_in_dim3A_903 : vector<16xi32> to vector<1x16xi32>
    tpu.vector_store %arg5[%swap3A_905, %swap3A_906], %swap3A_909 {strides = array<i32>} : memref<128x16xi32, #tpu.memory_space<vmem>>, vector<1x16xi32>,
    %add3A_910 = arith.constant 101 : i32
    %add3A_911 = arith.addi %mul3A_2, %add3A_910 : i32
    %broadcast_in_dim3A_912 = vector.broadcast %add3A_911 : i32 to vector<16xi32>
    %swap3A_913 = arith.constant 101 : i32
    %swap3A_914 = arith.index_cast %swap3A_913 : i32 to index
    %swap3A_915 = arith.constant 0 : index
    %swap3A_916 = tpu.vector_load %arg5[%swap3A_914, %swap3A_915] {strides = array<i32>} : memref<128x16xi32, #tpu.memory_space<vmem>>, vector<1x16xi32>,
    %swap3A_917 = vector.shape_cast %swap3A_916 : vector<1x16xi32> to vector<16xi32>
    %swap3A_918 = vector.shape_cast %broadcast_in_dim3A_912 : vector<16xi32> to vector<1x16xi32>
    tpu.vector_store %arg5[%swap3A_914, %swap3A_915], %swap3A_918 {strides = array<i32>} : memref<128x16xi32, #tpu.memory_space<vmem>>, vector<1x16xi32>,
    %add3A_919 = arith.constant 102 : i32
    %add3A_920 = arith.addi %mul3A_2, %add3A_919 : i32
    %broadcast_in_dim3A_921 = vector.broadcast %add3A_920 : i32 to vector<16xi32>
    %swap3A_922 = arith.constant 102 : i32
    %swap3A_923 = arith.index_cast %swap3A_922 : i32 to index
    %swap3A_924 = arith.constant 0 : index
    %swap3A_925 = tpu.vector_load %arg5[%swap3A_923, %swap3A_924] {strides = array<i32>} : memref<128x16xi32, #tpu.memory_space<vmem>>, vector<1x16xi32>,
    %swap3A_926 = vector.shape_cast %swap3A_925 : vector<1x16xi32> to vector<16xi32>
    %swap3A_927 = vector.shape_cast %broadcast_in_dim3A_921 : vector<16xi32> to vector<1x16xi32>
    tpu.vector_store %arg5[%swap3A_923, %swap3A_924], %swap3A_927 {strides = array<i32>} : memref<128x16xi32, #tpu.memory_space<vmem>>, vector<1x16xi32>,
    %add3A_928 = arith.constant 103 : i32
    %add3A_929 = arith.addi %mul3A_2, %add3A_928 : i32
    %broadcast_in_dim3A_930 = vector.broadcast %add3A_929 : i32 to vector<16xi32>
    %swap3A_931 = arith.constant 103 : i32
    %swap3A_932 = arith.index_cast %swap3A_931 : i32 to index
    %swap3A_933 = arith.constant 0 : index
    %swap3A_934 = tpu.vector_load %arg5[%swap3A_932, %swap3A_933] {strides = array<i32>} : memref<128x16xi32, #tpu.memory_space<vmem>>, vector<1x16xi32>,
    %swap3A_935 = vector.shape_cast %swap3A_934 : vector<1x16xi32> to vector<16xi32>
    %swap3A_936 = vector.shape_cast %broadcast_in_dim3A_930 : vector<16xi32> to vector<1x16xi32>
    tpu.vector_store %arg5[%swap3A_932, %swap3A_933], %swap3A_936 {strides = array<i32>} : memref<128x16xi32, #tpu.memory_space<vmem>>, vector<1x16xi32>,
    %add3A_937 = arith.constant 104 : i32
    %add3A_938 = arith.addi %mul3A_2, %add3A_937 : i32
    %broadcast_in_dim3A_939 = vector.broadcast %add3A_938 : i32 to vector<16xi32>
    %swap3A_940 = arith.constant 104 : i32
    %swap3A_941 = arith.index_cast %swap3A_940 : i32 to index
    %swap3A_942 = arith.constant 0 : index
    %swap3A_943 = tpu.vector_load %arg5[%swap3A_941, %swap3A_942] {strides = array<i32>} : memref<128x16xi32, #tpu.memory_space<vmem>>, vector<1x16xi32>,
    %swap3A_944 = vector.shape_cast %swap3A_943 : vector<1x16xi32> to vector<16xi32>
    %swap3A_945 = vector.shape_cast %broadcast_in_dim3A_939 : vector<16xi32> to vector<1x16xi32>
    tpu.vector_store %arg5[%swap3A_941, %swap3A_942], %swap3A_945 {strides = array<i32>} : memref<128x16xi32, #tpu.memory_space<vmem>>, vector<1x16xi32>,
    %add3A_946 = arith.constant 105 : i32
    %add3A_947 = arith.addi %mul3A_2, %add3A_946 : i32
    %broadcast_in_dim3A_948 = vector.broadcast %add3A_947 : i32 to vector<16xi32>
    %swap3A_949 = arith.constant 105 : i32
    %swap3A_950 = arith.index_cast %swap3A_949 : i32 to index
    %swap3A_951 = arith.constant 0 : index
    %swap3A_952 = tpu.vector_load %arg5[%swap3A_950, %swap3A_951] {strides = array<i32>} : memref<128x16xi32, #tpu.memory_space<vmem>>, vector<1x16xi32>,
    %swap3A_953 = vector.shape_cast %swap3A_952 : vector<1x16xi32> to vector<16xi32>
    %swap3A_954 = vector.shape_cast %broadcast_in_dim3A_948 : vector<16xi32> to vector<1x16xi32>
    tpu.vector_store %arg5[%swap3A_950, %swap3A_951], %swap3A_954 {strides = array<i32>} : memref<128x16xi32, #tpu.memory_space<vmem>>, vector<1x16xi32>,
    %add3A_955 = arith.constant 106 : i32
    %add3A_956 = arith.addi %mul3A_2, %add3A_955 : i32
    %broadcast_in_dim3A_957 = vector.broadcast %add3A_956 : i32 to vector<16xi32>
    %swap3A_958 = arith.constant 106 : i32
    %swap3A_959 = arith.index_cast %swap3A_958 : i32 to index
    %swap3A_960 = arith.constant 0 : index
    %swap3A_961 = tpu.vector_load %arg5[%swap3A_959, %swap3A_960] {strides = array<i32>} : memref<128x16xi32, #tpu.memory_space<vmem>>, vector<1x16xi32>,
    %swap3A_962 = vector.shape_cast %swap3A_961 : vector<1x16xi32> to vector<16xi32>
    %swap3A_963 = vector.shape_cast %broadcast_in_dim3A_957 : vector<16xi32> to vector<1x16xi32>
    tpu.vector_store %arg5[%swap3A_959, %swap3A_960], %swap3A_963 {strides = array<i32>} : memref<128x16xi32, #tpu.memory_space<vmem>>, vector<1x16xi32>,
    %add3A_964 = arith.constant 107 : i32
    %add3A_965 = arith.addi %mul3A_2, %add3A_964 : i32
    %broadcast_in_dim3A_966 = vector.broadcast %add3A_965 : i32 to vector<16xi32>
    %swap3A_967 = arith.constant 107 : i32
    %swap3A_968 = arith.index_cast %swap3A_967 : i32 to index
    %swap3A_969 = arith.constant 0 : index
    %swap3A_970 = tpu.vector_load %arg5[%swap3A_968, %swap3A_969] {strides = array<i32>} : memref<128x16xi32, #tpu.memory_space<vmem>>, vector<1x16xi32>,
    %swap3A_971 = vector.shape_cast %swap3A_970 : vector<1x16xi32> to vector<16xi32>
    %swap3A_972 = vector.shape_cast %broadcast_in_dim3A_966 : vector<16xi32> to vector<1x16xi32>
    tpu.vector_store %arg5[%swap3A_968, %swap3A_969], %swap3A_972 {strides = array<i32>} : memref<128x16xi32, #tpu.memory_space<vmem>>, vector<1x16xi32>,
    %add3A_973 = arith.constant 108 : i32
    %add3A_974 = arith.addi %mul3A_2, %add3A_973 : i32
    %broadcast_in_dim3A_975 = vector.broadcast %add3A_974 : i32 to vector<16xi32>
    %swap3A_976 = arith.constant 108 : i32
    %swap3A_977 = arith.index_cast %swap3A_976 : i32 to index
    %swap3A_978 = arith.constant 0 : index
    %swap3A_979 = tpu.vector_load %arg5[%swap3A_977, %swap3A_978] {strides = array<i32>} : memref<128x16xi32, #tpu.memory_space<vmem>>, vector<1x16xi32>,
    %swap3A_980 = vector.shape_cast %swap3A_979 : vector<1x16xi32> to vector<16xi32>
    %swap3A_981 = vector.shape_cast %broadcast_in_dim3A_975 : vector<16xi32> to vector<1x16xi32>
    tpu.vector_store %arg5[%swap3A_977, %swap3A_978], %swap3A_981 {strides = array<i32>} : memref<128x16xi32, #tpu.memory_space<vmem>>, vector<1x16xi32>,
    %add3A_982 = arith.constant 109 : i32
    %add3A_983 = arith.addi %mul3A_2, %add3A_982 : i32
    %broadcast_in_dim3A_984 = vector.broadcast %add3A_983 : i32 to vector<16xi32>
    %swap3A_985 = arith.constant 109 : i32
    %swap3A_986 = arith.index_cast %swap3A_985 : i32 to index
    %swap3A_987 = arith.constant 0 : index
    %swap3A_988 = tpu.vector_load %arg5[%swap3A_986, %swap3A_987] {strides = array<i32>} : memref<128x16xi32, #tpu.memory_space<vmem>>, vector<1x16xi32>,
    %swap3A_989 = vector.shape_cast %swap3A_988 : vector<1x16xi32> to vector<16xi32>
    %swap3A_990 = vector.shape_cast %broadcast_in_dim3A_984 : vector<16xi32> to vector<1x16xi32>
    tpu.vector_store %arg5[%swap3A_986, %swap3A_987], %swap3A_990 {strides = array<i32>} : memref<128x16xi32, #tpu.memory_space<vmem>>, vector<1x16xi32>,
    %add3A_991 = arith.constant 110 : i32
    %add3A_992 = arith.addi %mul3A_2, %add3A_991 : i32
    %broadcast_in_dim3A_993 = vector.broadcast %add3A_992 : i32 to vector<16xi32>
    %swap3A_994 = arith.constant 110 : i32
    %swap3A_995 = arith.index_cast %swap3A_994 : i32 to index
    %swap3A_996 = arith.constant 0 : index
    %swap3A_997 = tpu.vector_load %arg5[%swap3A_995, %swap3A_996] {strides = array<i32>} : memref<128x16xi32, #tpu.memory_space<vmem>>, vector<1x16xi32>,
    %swap3A_998 = vector.shape_cast %swap3A_997 : vector<1x16xi32> to vector<16xi32>
    %swap3A_999 = vector.shape_cast %broadcast_in_dim3A_993 : vector<16xi32> to vector<1x16xi32>
    tpu.vector_store %arg5[%swap3A_995, %swap3A_996], %swap3A_999 {strides = array<i32>} : memref<128x16xi32, #tpu.memory_space<vmem>>, vector<1x16xi32>,
    %add3A_1000 = arith.constant 111 : i32
    %add3A_1001 = arith.addi %mul3A_2, %add3A_1000 : i32
    %broadcast_in_dim3A_1002 = vector.broadcast %add3A_1001 : i32 to vector<16xi32>
    %swap3A_1003 = arith.constant 111 : i32
    %swap3A_1004 = arith.index_cast %swap3A_1003 : i32 to index
    %swap3A_1005 = arith.constant 0 : index
    %swap3A_1006 = tpu.vector_load %arg5[%swap3A_1004, %swap3A_1005] {strides = array<i32>} : memref<128x16xi32, #tpu.memory_space<vmem>>, vector<1x16xi32>,
    %swap3A_1007 = vector.shape_cast %swap3A_1006 : vector<1x16xi32> to vector<16xi32>
    %swap3A_1008 = vector.shape_cast %broadcast_in_dim3A_1002 : vector<16xi32> to vector<1x16xi32>
    tpu.vector_store %arg5[%swap3A_1004, %swap3A_1005], %swap3A_1008 {strides = array<i32>} : memref<128x16xi32, #tpu.memory_space<vmem>>, vector<1x16xi32>,
    %add3A_1009 = arith.constant 112 : i32
    %add3A_1010 = arith.addi %mul3A_2, %add3A_1009 : i32
    %broadcast_in_dim3A_1011 = vector.broadcast %add3A_1010 : i32 to vector<16xi32>
    %swap3A_1012 = arith.constant 112 : i32
    %swap3A_1013 = arith.index_cast %swap3A_1012 : i32 to index
    %swap3A_1014 = arith.constant 0 : index
    %swap3A_1015 = tpu.vector_load %arg5[%swap3A_1013, %swap3A_1014] {strides = array<i32>} : memref<128x16xi32, #tpu.memory_space<vmem>>, vector<1x16xi32>,
    %swap3A_1016 = vector.shape_cast %swap3A_1015 : vector<1x16xi32> to vector<16xi32>
    %swap3A_1017 = vector.shape_cast %broadcast_in_dim3A_1011 : vector<16xi32> to vector<1x16xi32>
    tpu.vector_store %arg5[%swap3A_1013, %swap3A_1014], %swap3A_1017 {strides = array<i32>} : memref<128x16xi32, #tpu.memory_space<vmem>>, vector<1x16xi32>,
    %add3A_1018 = arith.constant 113 : i32
    %add3A_1019 = arith.addi %mul3A_2, %add3A_1018 : i32
    %broadcast_in_dim3A_1020 = vector.broadcast %add3A_1019 : i32 to vector<16xi32>
    %swap3A_1021 = arith.constant 113 : i32
    %swap3A_1022 = arith.index_cast %swap3A_1021 : i32 to index
    %swap3A_1023 = arith.constant 0 : index
    %swap3A_1024 = tpu.vector_load %arg5[%swap3A_1022, %swap3A_1023] {strides = array<i32>} : memref<128x16xi32, #tpu.memory_space<vmem>>, vector<1x16xi32>,
    %swap3A_1025 = vector.shape_cast %swap3A_1024 : vector<1x16xi32> to vector<16xi32>
    %swap3A_1026 = vector.shape_cast %broadcast_in_dim3A_1020 : vector<16xi32> to vector<1x16xi32>
    tpu.vector_store %arg5[%swap3A_1022, %swap3A_1023], %swap3A_1026 {strides = array<i32>} : memref<128x16xi32, #tpu.memory_space<vmem>>, vector<1x16xi32>,
    %add3A_1027 = arith.constant 114 : i32
    %add3A_1028 = arith.addi %mul3A_2, %add3A_1027 : i32
    %broadcast_in_dim3A_1029 = vector.broadcast %add3A_1028 : i32 to vector<16xi32>
    %swap3A_1030 = arith.constant 114 : i32
    %swap3A_1031 = arith.index_cast %swap3A_1030 : i32 to index
    %swap3A_1032 = arith.constant 0 : index
    %swap3A_1033 = tpu.vector_load %arg5[%swap3A_1031, %swap3A_1032] {strides = array<i32>} : memref<128x16xi32, #tpu.memory_space<vmem>>, vector<1x16xi32>,
    %swap3A_1034 = vector.shape_cast %swap3A_1033 : vector<1x16xi32> to vector<16xi32>
    %swap3A_1035 = vector.shape_cast %broadcast_in_dim3A_1029 : vector<16xi32> to vector<1x16xi32>
    tpu.vector_store %arg5[%swap3A_1031, %swap3A_1032], %swap3A_1035 {strides = array<i32>} : memref<128x16xi32, #tpu.memory_space<vmem>>, vector<1x16xi32>,
    %add3A_1036 = arith.constant 115 : i32
    %add3A_1037 = arith.addi %mul3A_2, %add3A_1036 : i32
    %broadcast_in_dim3A_1038 = vector.broadcast %add3A_1037 : i32 to vector<16xi32>
    %swap3A_1039 = arith.constant 115 : i32
    %swap3A_1040 = arith.index_cast %swap3A_1039 : i32 to index
    %swap3A_1041 = arith.constant 0 : index
    %swap3A_1042 = tpu.vector_load %arg5[%swap3A_1040, %swap3A_1041] {strides = array<i32>} : memref<128x16xi32, #tpu.memory_space<vmem>>, vector<1x16xi32>,
    %swap3A_1043 = vector.shape_cast %swap3A_1042 : vector<1x16xi32> to vector<16xi32>
    %swap3A_1044 = vector.shape_cast %broadcast_in_dim3A_1038 : vector<16xi32> to vector<1x16xi32>
    tpu.vector_store %arg5[%swap3A_1040, %swap3A_1041], %swap3A_1044 {strides = array<i32>} : memref<128x16xi32, #tpu.memory_space<vmem>>, vector<1x16xi32>,
    %add3A_1045 = arith.constant 116 : i32
    %add3A_1046 = arith.addi %mul3A_2, %add3A_1045 : i32
    %broadcast_in_dim3A_1047 = vector.broadcast %add3A_1046 : i32 to vector<16xi32>
    %swap3A_1048 = arith.constant 116 : i32
    %swap3A_1049 = arith.index_cast %swap3A_1048 : i32 to index
    %swap3A_1050 = arith.constant 0 : index
    %swap3A_1051 = tpu.vector_load %arg5[%swap3A_1049, %swap3A_1050] {strides = array<i32>} : memref<128x16xi32, #tpu.memory_space<vmem>>, vector<1x16xi32>,
    %swap3A_1052 = vector.shape_cast %swap3A_1051 : vector<1x16xi32> to vector<16xi32>
    %swap3A_1053 = vector.shape_cast %broadcast_in_dim3A_1047 : vector<16xi32> to vector<1x16xi32>
    tpu.vector_store %arg5[%swap3A_1049, %swap3A_1050], %swap3A_1053 {strides = array<i32>} : memref<128x16xi32, #tpu.memory_space<vmem>>, vector<1x16xi32>,
    %add3A_1054 = arith.constant 117 : i32
    %add3A_1055 = arith.addi %mul3A_2, %add3A_1054 : i32
    %broadcast_in_dim3A_1056 = vector.broadcast %add3A_1055 : i32 to vector<16xi32>
    %swap3A_1057 = arith.constant 117 : i32
    %swap3A_1058 = arith.index_cast %swap3A_1057 : i32 to index
    %swap3A_1059 = arith.constant 0 : index
    %swap3A_1060 = tpu.vector_load %arg5[%swap3A_1058, %swap3A_1059] {strides = array<i32>} : memref<128x16xi32, #tpu.memory_space<vmem>>, vector<1x16xi32>,
    %swap3A_1061 = vector.shape_cast %swap3A_1060 : vector<1x16xi32> to vector<16xi32>
    %swap3A_1062 = vector.shape_cast %broadcast_in_dim3A_1056 : vector<16xi32> to vector<1x16xi32>
    tpu.vector_store %arg5[%swap3A_1058, %swap3A_1059], %swap3A_1062 {strides = array<i32>} : memref<128x16xi32, #tpu.memory_space<vmem>>, vector<1x16xi32>,
    %add3A_1063 = arith.constant 118 : i32
    %add3A_1064 = arith.addi %mul3A_2, %add3A_1063 : i32
    %broadcast_in_dim3A_1065 = vector.broadcast %add3A_1064 : i32 to vector<16xi32>
    %swap3A_1066 = arith.constant 118 : i32
    %swap3A_1067 = arith.index_cast %swap3A_1066 : i32 to index
    %swap3A_1068 = arith.constant 0 : index
    %swap3A_1069 = tpu.vector_load %arg5[%swap3A_1067, %swap3A_1068] {strides = array<i32>} : memref<128x16xi32, #tpu.memory_space<vmem>>, vector<1x16xi32>,
    %swap3A_1070 = vector.shape_cast %swap3A_1069 : vector<1x16xi32> to vector<16xi32>
    %swap3A_1071 = vector.shape_cast %broadcast_in_dim3A_1065 : vector<16xi32> to vector<1x16xi32>
    tpu.vector_store %arg5[%swap3A_1067, %swap3A_1068], %swap3A_1071 {strides = array<i32>} : memref<128x16xi32, #tpu.memory_space<vmem>>, vector<1x16xi32>,
    %add3A_1072 = arith.constant 119 : i32
    %add3A_1073 = arith.addi %mul3A_2, %add3A_1072 : i32
    %broadcast_in_dim3A_1074 = vector.broadcast %add3A_1073 : i32 to vector<16xi32>
    %swap3A_1075 = arith.constant 119 : i32
    %swap3A_1076 = arith.index_cast %swap3A_1075 : i32 to index
    %swap3A_1077 = arith.constant 0 : index
    %swap3A_1078 = tpu.vector_load %arg5[%swap3A_1076, %swap3A_1077] {strides = array<i32>} : memref<128x16xi32, #tpu.memory_space<vmem>>, vector<1x16xi32>,
    %swap3A_1079 = vector.shape_cast %swap3A_1078 : vector<1x16xi32> to vector<16xi32>
    %swap3A_1080 = vector.shape_cast %broadcast_in_dim3A_1074 : vector<16xi32> to vector<1x16xi32>
    tpu.vector_store %arg5[%swap3A_1076, %swap3A_1077], %swap3A_1080 {strides = array<i32>} : memref<128x16xi32, #tpu.memory_space<vmem>>, vector<1x16xi32>,
    %add3A_1081 = arith.constant 120 : i32
    %add3A_1082 = arith.addi %mul3A_2, %add3A_1081 : i32
    %broadcast_in_dim3A_1083 = vector.broadcast %add3A_1082 : i32 to vector<16xi32>
    %swap3A_1084 = arith.constant 120 : i32
    %swap3A_1085 = arith.index_cast %swap3A_1084 : i32 to index
    %swap3A_1086 = arith.constant 0 : index
    %swap3A_1087 = tpu.vector_load %arg5[%swap3A_1085, %swap3A_1086] {strides = array<i32>} : memref<128x16xi32, #tpu.memory_space<vmem>>, vector<1x16xi32>,
    %swap3A_1088 = vector.shape_cast %swap3A_1087 : vector<1x16xi32> to vector<16xi32>
    %swap3A_1089 = vector.shape_cast %broadcast_in_dim3A_1083 : vector<16xi32> to vector<1x16xi32>
    tpu.vector_store %arg5[%swap3A_1085, %swap3A_1086], %swap3A_1089 {strides = array<i32>} : memref<128x16xi32, #tpu.memory_space<vmem>>, vector<1x16xi32>,
    %add3A_1090 = arith.constant 121 : i32
    %add3A_1091 = arith.addi %mul3A_2, %add3A_1090 : i32
    %broadcast_in_dim3A_1092 = vector.broadcast %add3A_1091 : i32 to vector<16xi32>
    %swap3A_1093 = arith.constant 121 : i32
    %swap3A_1094 = arith.index_cast %swap3A_1093 : i32 to index
    %swap3A_1095 = arith.constant 0 : index
    %swap3A_1096 = tpu.vector_load %arg5[%swap3A_1094, %swap3A_1095] {strides = array<i32>} : memref<128x16xi32, #tpu.memory_space<vmem>>, vector<1x16xi32>,
    %swap3A_1097 = vector.shape_cast %swap3A_1096 : vector<1x16xi32> to vector<16xi32>
    %swap3A_1098 = vector.shape_cast %broadcast_in_dim3A_1092 : vector<16xi32> to vector<1x16xi32>
    tpu.vector_store %arg5[%swap3A_1094, %swap3A_1095], %swap3A_1098 {strides = array<i32>} : memref<128x16xi32, #tpu.memory_space<vmem>>, vector<1x16xi32>,
    %add3A_1099 = arith.constant 122 : i32
    %add3A_1100 = arith.addi %mul3A_2, %add3A_1099 : i32
    %broadcast_in_dim3A_1101 = vector.broadcast %add3A_1100 : i32 to vector<16xi32>
    %swap3A_1102 = arith.constant 122 : i32
    %swap3A_1103 = arith.index_cast %swap3A_1102 : i32 to index
    %swap3A_1104 = arith.constant 0 : index
    %swap3A_1105 = tpu.vector_load %arg5[%swap3A_1103, %swap3A_1104] {strides = array<i32>} : memref<128x16xi32, #tpu.memory_space<vmem>>, vector<1x16xi32>,
    %swap3A_1106 = vector.shape_cast %swap3A_1105 : vector<1x16xi32> to vector<16xi32>
    %swap3A_1107 = vector.shape_cast %broadcast_in_dim3A_1101 : vector<16xi32> to vector<1x16xi32>
    tpu.vector_store %arg5[%swap3A_1103, %swap3A_1104], %swap3A_1107 {strides = array<i32>} : memref<128x16xi32, #tpu.memory_space<vmem>>, vector<1x16xi32>,
    %add3A_1108 = arith.constant 123 : i32
    %add3A_1109 = arith.addi %mul3A_2, %add3A_1108 : i32
    %broadcast_in_dim3A_1110 = vector.broadcast %add3A_1109 : i32 to vector<16xi32>
    %swap3A_1111 = arith.constant 123 : i32
    %swap3A_1112 = arith.index_cast %swap3A_1111 : i32 to index
    %swap3A_1113 = arith.constant 0 : index
    %swap3A_1114 = tpu.vector_load %arg5[%swap3A_1112, %swap3A_1113] {strides = array<i32>} : memref<128x16xi32, #tpu.memory_space<vmem>>, vector<1x16xi32>,
    %swap3A_1115 = vector.shape_cast %swap3A_1114 : vector<1x16xi32> to vector<16xi32>
    %swap3A_1116 = vector.shape_cast %broadcast_in_dim3A_1110 : vector<16xi32> to vector<1x16xi32>
    tpu.vector_store %arg5[%swap3A_1112, %swap3A_1113], %swap3A_1116 {strides = array<i32>} : memref<128x16xi32, #tpu.memory_space<vmem>>, vector<1x16xi32>,
    %add3A_1117 = arith.constant 124 : i32
    %add3A_1118 = arith.addi %mul3A_2, %add3A_1117 : i32
    %broadcast_in_dim3A_1119 = vector.broadcast %add3A_1118 : i32 to vector<16xi32>
    %swap3A_1120 = arith.constant 124 : i32
    %swap3A_1121 = arith.index_cast %swap3A_1120 : i32 to index
    %swap3A_1122 = arith.constant 0 : index
    %swap3A_1123 = tpu.vector_load %arg5[%swap3A_1121, %swap3A_1122] {strides = array<i32>} : memref<128x16xi32, #tpu.memory_space<vmem>>, vector<1x16xi32>,
    %swap3A_1124 = vector.shape_cast %swap3A_1123 : vector<1x16xi32> to vector<16xi32>
    %swap3A_1125 = vector.shape_cast %broadcast_in_dim3A_1119 : vector<16xi32> to vector<1x16xi32>
    tpu.vector_store %arg5[%swap3A_1121, %swap3A_1122], %swap3A_1125 {strides = array<i32>} : memref<128x16xi32, #tpu.memory_space<vmem>>, vector<1x16xi32>,
    %add3A_1126 = arith.constant 125 : i32
    %add3A_1127 = arith.addi %mul3A_2, %add3A_1126 : i32
    %broadcast_in_dim3A_1128 = vector.broadcast %add3A_1127 : i32 to vector<16xi32>
    %swap3A_1129 = arith.constant 125 : i32
    %swap3A_1130 = arith.index_cast %swap3A_1129 : i32 to index
    %swap3A_1131 = arith.constant 0 : index
    %swap3A_1132 = tpu.vector_load %arg5[%swap3A_1130, %swap3A_1131] {strides = array<i32>} : memref<128x16xi32, #tpu.memory_space<vmem>>, vector<1x16xi32>,
    %swap3A_1133 = vector.shape_cast %swap3A_1132 : vector<1x16xi32> to vector<16xi32>
    %swap3A_1134 = vector.shape_cast %broadcast_in_dim3A_1128 : vector<16xi32> to vector<1x16xi32>
    tpu.vector_store %arg5[%swap3A_1130, %swap3A_1131], %swap3A_1134 {strides = array<i32>} : memref<128x16xi32, #tpu.memory_space<vmem>>, vector<1x16xi32>,
    %add3A_1135 = arith.constant 126 : i32
    %add3A_1136 = arith.addi %mul3A_2, %add3A_1135 : i32
    %broadcast_in_dim3A_1137 = vector.broadcast %add3A_1136 : i32 to vector<16xi32>
    %swap3A_1138 = arith.constant 126 : i32
    %swap3A_1139 = arith.index_cast %swap3A_1138 : i32 to index
    %swap3A_1140 = arith.constant 0 : index
    %swap3A_1141 = tpu.vector_load %arg5[%swap3A_1139, %swap3A_1140] {strides = array<i32>} : memref<128x16xi32, #tpu.memory_space<vmem>>, vector<1x16xi32>,
    %swap3A_1142 = vector.shape_cast %swap3A_1141 : vector<1x16xi32> to vector<16xi32>
    %swap3A_1143 = vector.shape_cast %broadcast_in_dim3A_1137 : vector<16xi32> to vector<1x16xi32>
    tpu.vector_store %arg5[%swap3A_1139, %swap3A_1140], %swap3A_1143 {strides = array<i32>} : memref<128x16xi32, #tpu.memory_space<vmem>>, vector<1x16xi32>,
    %add3A_1144 = arith.constant 127 : i32
    %add3A_1145 = arith.addi %mul3A_2, %add3A_1144 : i32
    %broadcast_in_dim3A_1146 = vector.broadcast %add3A_1145 : i32 to vector<16xi32>
    %swap3A_1147 = arith.constant 127 : i32
    %swap3A_1148 = arith.index_cast %swap3A_1147 : i32 to index
    %swap3A_1149 = arith.constant 0 : index
    %swap3A_1150 = tpu.vector_load %arg5[%swap3A_1148, %swap3A_1149] {strides = array<i32>} : memref<128x16xi32, #tpu.memory_space<vmem>>, vector<1x16xi32>,
    %swap3A_1151 = vector.shape_cast %swap3A_1150 : vector<1x16xi32> to vector<16xi32>
    %swap3A_1152 = vector.shape_cast %broadcast_in_dim3A_1146 : vector<16xi32> to vector<1x16xi32>
    tpu.vector_store %arg5[%swap3A_1148, %swap3A_1149], %swap3A_1152 {strides = array<i32>} : memref<128x16xi32, #tpu.memory_space<vmem>>, vector<1x16xi32>,
    %dma_start3A = arith.constant 0 : i32
    %dma_start3A_1153 = arith.constant 0 : i32
    %dma_start3A_1154 = tpu.memref_slice %arg3[%dma_start3A, %dma_start3A_1153] : memref<4096x16xi32, #tpu.memory_space<hbm>> -> memref<4096x16xi32, #tpu.memory_space<hbm>>
    tpu.enqueue_indirect_dma source(%arg5 : memref<128x16xi32, #tpu.memory_space<vmem>>) target(%dma_start3A_1154 : memref<4096x16xi32, #tpu.memory_space<hbm>>) offsets(%arg4 : memref<128xi32, #tpu.memory_space<vmem>>) semaphore(%arg6 : memref<!tpu.dma_semaphore, #tpu.memory_space<semaphore_mem>>)
    %dma_wait3A = arith.constant 0 : i32
    %dma_wait3A_1155 = arith.constant 0 : i32
    %dma_wait3A_1156 = tpu.memref_slice %arg3[%dma_wait3A, %dma_wait3A_1155] : memref<4096x16xi32, #tpu.memory_space<hbm>> -> memref<4096x16xi32, #tpu.memory_space<hbm>>
    tpu.wait_indirect_dma semaphore(%arg6 : memref<!tpu.dma_semaphore, #tpu.memory_space<semaphore_mem>>) src(%arg5 : memref<128x16xi32, #tpu.memory_space<vmem>>) dst(%dma_wait3A_1156 : memref<4096x16xi32, #tpu.memory_space<hbm>>)
    return
  }
}

#map = affine_map<(d0, d1) -> (0, 0)>
#map1 = affine_map<(d0, d1) -> (0)>
module attributes {stable_mosaic.version = 14 : i64} {
  func.func @scatter(%arg0: i32, %arg1: i32, %arg2: memref<4096x384xf32, #tpu.memory_space<hbm>>, %arg3: memref<4096x384xf32, #tpu.memory_space<hbm>>, %arg4: memref<4096x384xf32, #tpu.memory_space<hbm>>, %arg5: memref<4096x384xf32, #tpu.memory_space<hbm>>, %arg6: memref<4096xi32, #tpu.memory_space<hbm>>, %arg7: memref<4096x384xf32, #tpu.memory_space<hbm>>, %arg8: memref<4096x384xf32, #tpu.memory_space<hbm>>, %arg9: memref<4096x384xf32, #tpu.memory_space<hbm>>, %arg10: memref<4096x384xf32, #tpu.memory_space<hbm>>, %arg11: memref<64xi32, #tpu.memory_space<vmem>>, %arg12: memref<64x384xf32, #tpu.memory_space<vmem>>, %arg13: memref<64x384xf32, #tpu.memory_space<vmem>>, %arg14: memref<64x384xf32, #tpu.memory_space<vmem>>, %arg15: memref<64x384xf32, #tpu.memory_space<vmem>>, %arg16: memref<!tpu.dma_semaphore, #tpu.memory_space<semaphore_mem>>, %arg17: memref<!tpu.dma_semaphore, #tpu.memory_space<semaphore_mem>>) attributes {dimension_semantics = [#tpu.dimension_semantics<core_parallel>, #tpu.dimension_semantics<subcore_parallel>], iteration_bounds = array<i64: 2, 16>, scalar_prefetch = 0 : i64, scratch_operands = 7 : i64, tpu.core_type = #tpu.core_type<sc_vector_subcore>, window_params = [{transform_indices = #map}, {transform_indices = #map}, {transform_indices = #map}, {transform_indices = #map}, {transform_indices = #map1}, {transform_indices = #map}, {transform_indices = #map}, {transform_indices = #map}, {transform_indices = #map}]} {
    %mul3A = arith.constant 2 : i32
    %mul3A_0 = arith.muli %arg1, %mul3A : i32
    %add3A = arith.addi %mul3A_0, %arg0 : i32
    %mul3A_1 = arith.constant 128 : i32
    %mul3A_2 = arith.muli %add3A, %mul3A_1 : i32
    %add3A_3 = arith.constant 0 : i32
    %add3A_4 = arith.addi %mul3A_2, %add3A_3 : i32
    "tpu.region"() ({
      %run_scoped3A = tpu.sem_alloc : memref<!tpu.dma_semaphore, #tpu.memory_space<semaphore_mem>>
      %dma_start3A_119 = tpu.memref_slice %arg6[%add3A_4] : memref<4096xi32, #tpu.memory_space<hbm>> -> memref<64xi32, #tpu.memory_space<hbm>>
      %dma_start3A_120 = tpu.memref_slice %arg6[%add3A_4] : memref<4096xi32, #tpu.memory_space<hbm>> -> memref<64xi32, #tpu.memory_space<hbm>>
      tpu.enqueue_dma source(%dma_start3A_120 : memref<64xi32, #tpu.memory_space<hbm>>) target(%arg11 : memref<64xi32, #tpu.memory_space<vmem>>) target_semaphore(%run_scoped3A : memref<!tpu.dma_semaphore, #tpu.memory_space<semaphore_mem>>)
      %dma_wait3A_121 = tpu.memref_slice %arg6[%add3A_4] : memref<4096xi32, #tpu.memory_space<hbm>> -> memref<64xi32, #tpu.memory_space<hbm>>
      %dma_wait3A_122 = tpu.memref_slice %arg6[%add3A_4] : memref<4096xi32, #tpu.memory_space<hbm>> -> memref<64xi32, #tpu.memory_space<hbm>>
      tpu.wait_dma2 semaphore(%run_scoped3A : memref<!tpu.dma_semaphore, #tpu.memory_space<semaphore_mem>>) src(%dma_wait3A_122 : memref<64xi32, #tpu.memory_space<hbm>>) dst(%arg11 : memref<64xi32, #tpu.memory_space<vmem>>)
      tpu.yield
    }) : () -> ()
    %dma_start3A = arith.constant 0 : i32
    %dma_start3A_5 = tpu.memref_slice %arg2[%add3A_4, %dma_start3A] : memref<4096x384xf32, #tpu.memory_space<hbm>> -> memref<64x384xf32, #tpu.memory_space<hbm>>
    %dma_start3A_6 = arith.constant 0 : i32
    %dma_start3A_7 = tpu.memref_slice %arg2[%add3A_4, %dma_start3A_6] : memref<4096x384xf32, #tpu.memory_space<hbm>> -> memref<64x384xf32, #tpu.memory_space<hbm>>
    tpu.enqueue_dma source(%dma_start3A_7 : memref<64x384xf32, #tpu.memory_space<hbm>>) target(%arg12 : memref<64x384xf32, #tpu.memory_space<vmem>>) target_semaphore(%arg16 : memref<!tpu.dma_semaphore, #tpu.memory_space<semaphore_mem>>)
    %dma_start3A_8 = arith.constant 0 : i32
    %dma_start3A_9 = tpu.memref_slice %arg3[%add3A_4, %dma_start3A_8] : memref<4096x384xf32, #tpu.memory_space<hbm>> -> memref<64x384xf32, #tpu.memory_space<hbm>>
    %dma_start3A_10 = arith.constant 0 : i32
    %dma_start3A_11 = tpu.memref_slice %arg3[%add3A_4, %dma_start3A_10] : memref<4096x384xf32, #tpu.memory_space<hbm>> -> memref<64x384xf32, #tpu.memory_space<hbm>>
    tpu.enqueue_dma source(%dma_start3A_11 : memref<64x384xf32, #tpu.memory_space<hbm>>) target(%arg13 : memref<64x384xf32, #tpu.memory_space<vmem>>) target_semaphore(%arg16 : memref<!tpu.dma_semaphore, #tpu.memory_space<semaphore_mem>>)
    %dma_start3A_12 = arith.constant 0 : i32
    %dma_start3A_13 = tpu.memref_slice %arg4[%add3A_4, %dma_start3A_12] : memref<4096x384xf32, #tpu.memory_space<hbm>> -> memref<64x384xf32, #tpu.memory_space<hbm>>
    %dma_start3A_14 = arith.constant 0 : i32
    %dma_start3A_15 = tpu.memref_slice %arg4[%add3A_4, %dma_start3A_14] : memref<4096x384xf32, #tpu.memory_space<hbm>> -> memref<64x384xf32, #tpu.memory_space<hbm>>
    tpu.enqueue_dma source(%dma_start3A_15 : memref<64x384xf32, #tpu.memory_space<hbm>>) target(%arg14 : memref<64x384xf32, #tpu.memory_space<vmem>>) target_semaphore(%arg16 : memref<!tpu.dma_semaphore, #tpu.memory_space<semaphore_mem>>)
    %dma_start3A_16 = arith.constant 0 : i32
    %dma_start3A_17 = tpu.memref_slice %arg5[%add3A_4, %dma_start3A_16] : memref<4096x384xf32, #tpu.memory_space<hbm>> -> memref<64x384xf32, #tpu.memory_space<hbm>>
    %dma_start3A_18 = arith.constant 0 : i32
    %dma_start3A_19 = tpu.memref_slice %arg5[%add3A_4, %dma_start3A_18] : memref<4096x384xf32, #tpu.memory_space<hbm>> -> memref<64x384xf32, #tpu.memory_space<hbm>>
    tpu.enqueue_dma source(%dma_start3A_19 : memref<64x384xf32, #tpu.memory_space<hbm>>) target(%arg15 : memref<64x384xf32, #tpu.memory_space<vmem>>) target_semaphore(%arg16 : memref<!tpu.dma_semaphore, #tpu.memory_space<semaphore_mem>>)
    %dma_wait3A = arith.constant 0 : i32
    %dma_wait3A_20 = tpu.memref_slice %arg2[%add3A_4, %dma_wait3A] : memref<4096x384xf32, #tpu.memory_space<hbm>> -> memref<64x384xf32, #tpu.memory_space<hbm>>
    %dma_wait3A_21 = arith.constant 0 : i32
    %dma_wait3A_22 = tpu.memref_slice %arg2[%add3A_4, %dma_wait3A_21] : memref<4096x384xf32, #tpu.memory_space<hbm>> -> memref<64x384xf32, #tpu.memory_space<hbm>>
    tpu.wait_dma2 semaphore(%arg16 : memref<!tpu.dma_semaphore, #tpu.memory_space<semaphore_mem>>) src(%dma_wait3A_22 : memref<64x384xf32, #tpu.memory_space<hbm>>) dst(%arg12 : memref<64x384xf32, #tpu.memory_space<vmem>>)
    %dma_start3A_23 = arith.constant 0 : i32
    %dma_start3A_24 = arith.constant 0 : i32
    %dma_start3A_25 = tpu.memref_slice %arg7[%dma_start3A_23, %dma_start3A_24] : memref<4096x384xf32, #tpu.memory_space<hbm>> -> memref<4096x384xf32, #tpu.memory_space<hbm>>
    tpu.enqueue_indirect_dma source(%arg12 : memref<64x384xf32, #tpu.memory_space<vmem>>) target(%dma_start3A_25 : memref<4096x384xf32, #tpu.memory_space<hbm>>) offsets(%arg11 : memref<64xi32, #tpu.memory_space<vmem>>) semaphore(%arg17 : memref<!tpu.dma_semaphore, #tpu.memory_space<semaphore_mem>>)
    %dma_wait3A_26 = arith.constant 0 : i32
    %dma_wait3A_27 = tpu.memref_slice %arg3[%add3A_4, %dma_wait3A_26] : memref<4096x384xf32, #tpu.memory_space<hbm>> -> memref<64x384xf32, #tpu.memory_space<hbm>>
    %dma_wait3A_28 = arith.constant 0 : i32
    %dma_wait3A_29 = tpu.memref_slice %arg3[%add3A_4, %dma_wait3A_28] : memref<4096x384xf32, #tpu.memory_space<hbm>> -> memref<64x384xf32, #tpu.memory_space<hbm>>
    tpu.wait_dma2 semaphore(%arg16 : memref<!tpu.dma_semaphore, #tpu.memory_space<semaphore_mem>>) src(%dma_wait3A_29 : memref<64x384xf32, #tpu.memory_space<hbm>>) dst(%arg13 : memref<64x384xf32, #tpu.memory_space<vmem>>)
    %dma_start3A_30 = arith.constant 0 : i32
    %dma_start3A_31 = arith.constant 0 : i32
    %dma_start3A_32 = tpu.memref_slice %arg8[%dma_start3A_30, %dma_start3A_31] : memref<4096x384xf32, #tpu.memory_space<hbm>> -> memref<4096x384xf32, #tpu.memory_space<hbm>>
    tpu.enqueue_indirect_dma source(%arg13 : memref<64x384xf32, #tpu.memory_space<vmem>>) target(%dma_start3A_32 : memref<4096x384xf32, #tpu.memory_space<hbm>>) offsets(%arg11 : memref<64xi32, #tpu.memory_space<vmem>>) semaphore(%arg17 : memref<!tpu.dma_semaphore, #tpu.memory_space<semaphore_mem>>)
    %dma_wait3A_33 = arith.constant 0 : i32
    %dma_wait3A_34 = tpu.memref_slice %arg4[%add3A_4, %dma_wait3A_33] : memref<4096x384xf32, #tpu.memory_space<hbm>> -> memref<64x384xf32, #tpu.memory_space<hbm>>
    %dma_wait3A_35 = arith.constant 0 : i32
    %dma_wait3A_36 = tpu.memref_slice %arg4[%add3A_4, %dma_wait3A_35] : memref<4096x384xf32, #tpu.memory_space<hbm>> -> memref<64x384xf32, #tpu.memory_space<hbm>>
    tpu.wait_dma2 semaphore(%arg16 : memref<!tpu.dma_semaphore, #tpu.memory_space<semaphore_mem>>) src(%dma_wait3A_36 : memref<64x384xf32, #tpu.memory_space<hbm>>) dst(%arg14 : memref<64x384xf32, #tpu.memory_space<vmem>>)
    %dma_start3A_37 = arith.constant 0 : i32
    %dma_start3A_38 = arith.constant 0 : i32
    %dma_start3A_39 = tpu.memref_slice %arg9[%dma_start3A_37, %dma_start3A_38] : memref<4096x384xf32, #tpu.memory_space<hbm>> -> memref<4096x384xf32, #tpu.memory_space<hbm>>
    tpu.enqueue_indirect_dma source(%arg14 : memref<64x384xf32, #tpu.memory_space<vmem>>) target(%dma_start3A_39 : memref<4096x384xf32, #tpu.memory_space<hbm>>) offsets(%arg11 : memref<64xi32, #tpu.memory_space<vmem>>) semaphore(%arg17 : memref<!tpu.dma_semaphore, #tpu.memory_space<semaphore_mem>>)
    %dma_wait3A_40 = arith.constant 0 : i32
    %dma_wait3A_41 = tpu.memref_slice %arg5[%add3A_4, %dma_wait3A_40] : memref<4096x384xf32, #tpu.memory_space<hbm>> -> memref<64x384xf32, #tpu.memory_space<hbm>>
    %dma_wait3A_42 = arith.constant 0 : i32
    %dma_wait3A_43 = tpu.memref_slice %arg5[%add3A_4, %dma_wait3A_42] : memref<4096x384xf32, #tpu.memory_space<hbm>> -> memref<64x384xf32, #tpu.memory_space<hbm>>
    tpu.wait_dma2 semaphore(%arg16 : memref<!tpu.dma_semaphore, #tpu.memory_space<semaphore_mem>>) src(%dma_wait3A_43 : memref<64x384xf32, #tpu.memory_space<hbm>>) dst(%arg15 : memref<64x384xf32, #tpu.memory_space<vmem>>)
    %dma_start3A_44 = arith.constant 0 : i32
    %dma_start3A_45 = arith.constant 0 : i32
    %dma_start3A_46 = tpu.memref_slice %arg10[%dma_start3A_44, %dma_start3A_45] : memref<4096x384xf32, #tpu.memory_space<hbm>> -> memref<4096x384xf32, #tpu.memory_space<hbm>>
    tpu.enqueue_indirect_dma source(%arg15 : memref<64x384xf32, #tpu.memory_space<vmem>>) target(%dma_start3A_46 : memref<4096x384xf32, #tpu.memory_space<hbm>>) offsets(%arg11 : memref<64xi32, #tpu.memory_space<vmem>>) semaphore(%arg17 : memref<!tpu.dma_semaphore, #tpu.memory_space<semaphore_mem>>)
    %dma_wait3A_47 = arith.constant 0 : i32
    %dma_wait3A_48 = arith.constant 0 : i32
    %dma_wait3A_49 = tpu.memref_slice %arg7[%dma_wait3A_47, %dma_wait3A_48] : memref<4096x384xf32, #tpu.memory_space<hbm>> -> memref<4096x384xf32, #tpu.memory_space<hbm>>
    tpu.wait_indirect_dma semaphore(%arg17 : memref<!tpu.dma_semaphore, #tpu.memory_space<semaphore_mem>>) src(%arg12 : memref<64x384xf32, #tpu.memory_space<vmem>>) dst(%dma_wait3A_49 : memref<4096x384xf32, #tpu.memory_space<hbm>>)
    %dma_wait3A_50 = arith.constant 0 : i32
    %dma_wait3A_51 = arith.constant 0 : i32
    %dma_wait3A_52 = tpu.memref_slice %arg8[%dma_wait3A_50, %dma_wait3A_51] : memref<4096x384xf32, #tpu.memory_space<hbm>> -> memref<4096x384xf32, #tpu.memory_space<hbm>>
    tpu.wait_indirect_dma semaphore(%arg17 : memref<!tpu.dma_semaphore, #tpu.memory_space<semaphore_mem>>) src(%arg13 : memref<64x384xf32, #tpu.memory_space<vmem>>) dst(%dma_wait3A_52 : memref<4096x384xf32, #tpu.memory_space<hbm>>)
    %dma_wait3A_53 = arith.constant 0 : i32
    %dma_wait3A_54 = arith.constant 0 : i32
    %dma_wait3A_55 = tpu.memref_slice %arg9[%dma_wait3A_53, %dma_wait3A_54] : memref<4096x384xf32, #tpu.memory_space<hbm>> -> memref<4096x384xf32, #tpu.memory_space<hbm>>
    tpu.wait_indirect_dma semaphore(%arg17 : memref<!tpu.dma_semaphore, #tpu.memory_space<semaphore_mem>>) src(%arg14 : memref<64x384xf32, #tpu.memory_space<vmem>>) dst(%dma_wait3A_55 : memref<4096x384xf32, #tpu.memory_space<hbm>>)
    %dma_wait3A_56 = arith.constant 0 : i32
    %dma_wait3A_57 = arith.constant 0 : i32
    %dma_wait3A_58 = tpu.memref_slice %arg10[%dma_wait3A_56, %dma_wait3A_57] : memref<4096x384xf32, #tpu.memory_space<hbm>> -> memref<4096x384xf32, #tpu.memory_space<hbm>>
    tpu.wait_indirect_dma semaphore(%arg17 : memref<!tpu.dma_semaphore, #tpu.memory_space<semaphore_mem>>) src(%arg15 : memref<64x384xf32, #tpu.memory_space<vmem>>) dst(%dma_wait3A_58 : memref<4096x384xf32, #tpu.memory_space<hbm>>)
    %mul3A_59 = arith.constant 128 : i32
    %mul3A_60 = arith.muli %add3A, %mul3A_59 : i32
    %add3A_61 = arith.constant 64 : i32
    %add3A_62 = arith.addi %mul3A_60, %add3A_61 : i32
    "tpu.region"() ({
      %run_scoped3A = tpu.sem_alloc : memref<!tpu.dma_semaphore, #tpu.memory_space<semaphore_mem>>
      %dma_start3A_119 = tpu.memref_slice %arg6[%add3A_62] : memref<4096xi32, #tpu.memory_space<hbm>> -> memref<64xi32, #tpu.memory_space<hbm>>
      %dma_start3A_120 = tpu.memref_slice %arg6[%add3A_62] : memref<4096xi32, #tpu.memory_space<hbm>> -> memref<64xi32, #tpu.memory_space<hbm>>
      tpu.enqueue_dma source(%dma_start3A_120 : memref<64xi32, #tpu.memory_space<hbm>>) target(%arg11 : memref<64xi32, #tpu.memory_space<vmem>>) target_semaphore(%run_scoped3A : memref<!tpu.dma_semaphore, #tpu.memory_space<semaphore_mem>>)
      %dma_wait3A_121 = tpu.memref_slice %arg6[%add3A_62] : memref<4096xi32, #tpu.memory_space<hbm>> -> memref<64xi32, #tpu.memory_space<hbm>>
      %dma_wait3A_122 = tpu.memref_slice %arg6[%add3A_62] : memref<4096xi32, #tpu.memory_space<hbm>> -> memref<64xi32, #tpu.memory_space<hbm>>
      tpu.wait_dma2 semaphore(%run_scoped3A : memref<!tpu.dma_semaphore, #tpu.memory_space<semaphore_mem>>) src(%dma_wait3A_122 : memref<64xi32, #tpu.memory_space<hbm>>) dst(%arg11 : memref<64xi32, #tpu.memory_space<vmem>>)
      tpu.yield
    }) : () -> ()
    %dma_start3A_63 = arith.constant 0 : i32
    %dma_start3A_64 = tpu.memref_slice %arg2[%add3A_62, %dma_start3A_63] : memref<4096x384xf32, #tpu.memory_space<hbm>> -> memref<64x384xf32, #tpu.memory_space<hbm>>
    %dma_start3A_65 = arith.constant 0 : i32
    %dma_start3A_66 = tpu.memref_slice %arg2[%add3A_62, %dma_start3A_65] : memref<4096x384xf32, #tpu.memory_space<hbm>> -> memref<64x384xf32, #tpu.memory_space<hbm>>
    tpu.enqueue_dma source(%dma_start3A_66 : memref<64x384xf32, #tpu.memory_space<hbm>>) target(%arg12 : memref<64x384xf32, #tpu.memory_space<vmem>>) target_semaphore(%arg16 : memref<!tpu.dma_semaphore, #tpu.memory_space<semaphore_mem>>)
    %dma_start3A_67 = arith.constant 0 : i32
    %dma_start3A_68 = tpu.memref_slice %arg3[%add3A_62, %dma_start3A_67] : memref<4096x384xf32, #tpu.memory_space<hbm>> -> memref<64x384xf32, #tpu.memory_space<hbm>>
    %dma_start3A_69 = arith.constant 0 : i32
    %dma_start3A_70 = tpu.memref_slice %arg3[%add3A_62, %dma_start3A_69] : memref<4096x384xf32, #tpu.memory_space<hbm>> -> memref<64x384xf32, #tpu.memory_space<hbm>>
    tpu.enqueue_dma source(%dma_start3A_70 : memref<64x384xf32, #tpu.memory_space<hbm>>) target(%arg13 : memref<64x384xf32, #tpu.memory_space<vmem>>) target_semaphore(%arg16 : memref<!tpu.dma_semaphore, #tpu.memory_space<semaphore_mem>>)
    %dma_start3A_71 = arith.constant 0 : i32
    %dma_start3A_72 = tpu.memref_slice %arg4[%add3A_62, %dma_start3A_71] : memref<4096x384xf32, #tpu.memory_space<hbm>> -> memref<64x384xf32, #tpu.memory_space<hbm>>
    %dma_start3A_73 = arith.constant 0 : i32
    %dma_start3A_74 = tpu.memref_slice %arg4[%add3A_62, %dma_start3A_73] : memref<4096x384xf32, #tpu.memory_space<hbm>> -> memref<64x384xf32, #tpu.memory_space<hbm>>
    tpu.enqueue_dma source(%dma_start3A_74 : memref<64x384xf32, #tpu.memory_space<hbm>>) target(%arg14 : memref<64x384xf32, #tpu.memory_space<vmem>>) target_semaphore(%arg16 : memref<!tpu.dma_semaphore, #tpu.memory_space<semaphore_mem>>)
    %dma_start3A_75 = arith.constant 0 : i32
    %dma_start3A_76 = tpu.memref_slice %arg5[%add3A_62, %dma_start3A_75] : memref<4096x384xf32, #tpu.memory_space<hbm>> -> memref<64x384xf32, #tpu.memory_space<hbm>>
    %dma_start3A_77 = arith.constant 0 : i32
    %dma_start3A_78 = tpu.memref_slice %arg5[%add3A_62, %dma_start3A_77] : memref<4096x384xf32, #tpu.memory_space<hbm>> -> memref<64x384xf32, #tpu.memory_space<hbm>>
    tpu.enqueue_dma source(%dma_start3A_78 : memref<64x384xf32, #tpu.memory_space<hbm>>) target(%arg15 : memref<64x384xf32, #tpu.memory_space<vmem>>) target_semaphore(%arg16 : memref<!tpu.dma_semaphore, #tpu.memory_space<semaphore_mem>>)
    %dma_wait3A_79 = arith.constant 0 : i32
    %dma_wait3A_80 = tpu.memref_slice %arg2[%add3A_62, %dma_wait3A_79] : memref<4096x384xf32, #tpu.memory_space<hbm>> -> memref<64x384xf32, #tpu.memory_space<hbm>>
    %dma_wait3A_81 = arith.constant 0 : i32
    %dma_wait3A_82 = tpu.memref_slice %arg2[%add3A_62, %dma_wait3A_81] : memref<4096x384xf32, #tpu.memory_space<hbm>> -> memref<64x384xf32, #tpu.memory_space<hbm>>
    tpu.wait_dma2 semaphore(%arg16 : memref<!tpu.dma_semaphore, #tpu.memory_space<semaphore_mem>>) src(%dma_wait3A_82 : memref<64x384xf32, #tpu.memory_space<hbm>>) dst(%arg12 : memref<64x384xf32, #tpu.memory_space<vmem>>)
    %dma_start3A_83 = arith.constant 0 : i32
    %dma_start3A_84 = arith.constant 0 : i32
    %dma_start3A_85 = tpu.memref_slice %arg7[%dma_start3A_83, %dma_start3A_84] : memref<4096x384xf32, #tpu.memory_space<hbm>> -> memref<4096x384xf32, #tpu.memory_space<hbm>>
    tpu.enqueue_indirect_dma source(%arg12 : memref<64x384xf32, #tpu.memory_space<vmem>>) target(%dma_start3A_85 : memref<4096x384xf32, #tpu.memory_space<hbm>>) offsets(%arg11 : memref<64xi32, #tpu.memory_space<vmem>>) semaphore(%arg17 : memref<!tpu.dma_semaphore, #tpu.memory_space<semaphore_mem>>)
    %dma_wait3A_86 = arith.constant 0 : i32
    %dma_wait3A_87 = tpu.memref_slice %arg3[%add3A_62, %dma_wait3A_86] : memref<4096x384xf32, #tpu.memory_space<hbm>> -> memref<64x384xf32, #tpu.memory_space<hbm>>
    %dma_wait3A_88 = arith.constant 0 : i32
    %dma_wait3A_89 = tpu.memref_slice %arg3[%add3A_62, %dma_wait3A_88] : memref<4096x384xf32, #tpu.memory_space<hbm>> -> memref<64x384xf32, #tpu.memory_space<hbm>>
    tpu.wait_dma2 semaphore(%arg16 : memref<!tpu.dma_semaphore, #tpu.memory_space<semaphore_mem>>) src(%dma_wait3A_89 : memref<64x384xf32, #tpu.memory_space<hbm>>) dst(%arg13 : memref<64x384xf32, #tpu.memory_space<vmem>>)
    %dma_start3A_90 = arith.constant 0 : i32
    %dma_start3A_91 = arith.constant 0 : i32
    %dma_start3A_92 = tpu.memref_slice %arg8[%dma_start3A_90, %dma_start3A_91] : memref<4096x384xf32, #tpu.memory_space<hbm>> -> memref<4096x384xf32, #tpu.memory_space<hbm>>
    tpu.enqueue_indirect_dma source(%arg13 : memref<64x384xf32, #tpu.memory_space<vmem>>) target(%dma_start3A_92 : memref<4096x384xf32, #tpu.memory_space<hbm>>) offsets(%arg11 : memref<64xi32, #tpu.memory_space<vmem>>) semaphore(%arg17 : memref<!tpu.dma_semaphore, #tpu.memory_space<semaphore_mem>>)
    %dma_wait3A_93 = arith.constant 0 : i32
    %dma_wait3A_94 = tpu.memref_slice %arg4[%add3A_62, %dma_wait3A_93] : memref<4096x384xf32, #tpu.memory_space<hbm>> -> memref<64x384xf32, #tpu.memory_space<hbm>>
    %dma_wait3A_95 = arith.constant 0 : i32
    %dma_wait3A_96 = tpu.memref_slice %arg4[%add3A_62, %dma_wait3A_95] : memref<4096x384xf32, #tpu.memory_space<hbm>> -> memref<64x384xf32, #tpu.memory_space<hbm>>
    tpu.wait_dma2 semaphore(%arg16 : memref<!tpu.dma_semaphore, #tpu.memory_space<semaphore_mem>>) src(%dma_wait3A_96 : memref<64x384xf32, #tpu.memory_space<hbm>>) dst(%arg14 : memref<64x384xf32, #tpu.memory_space<vmem>>)
    %dma_start3A_97 = arith.constant 0 : i32
    %dma_start3A_98 = arith.constant 0 : i32
    %dma_start3A_99 = tpu.memref_slice %arg9[%dma_start3A_97, %dma_start3A_98] : memref<4096x384xf32, #tpu.memory_space<hbm>> -> memref<4096x384xf32, #tpu.memory_space<hbm>>
    tpu.enqueue_indirect_dma source(%arg14 : memref<64x384xf32, #tpu.memory_space<vmem>>) target(%dma_start3A_99 : memref<4096x384xf32, #tpu.memory_space<hbm>>) offsets(%arg11 : memref<64xi32, #tpu.memory_space<vmem>>) semaphore(%arg17 : memref<!tpu.dma_semaphore, #tpu.memory_space<semaphore_mem>>)
    %dma_wait3A_100 = arith.constant 0 : i32
    %dma_wait3A_101 = tpu.memref_slice %arg5[%add3A_62, %dma_wait3A_100] : memref<4096x384xf32, #tpu.memory_space<hbm>> -> memref<64x384xf32, #tpu.memory_space<hbm>>
    %dma_wait3A_102 = arith.constant 0 : i32
    %dma_wait3A_103 = tpu.memref_slice %arg5[%add3A_62, %dma_wait3A_102] : memref<4096x384xf32, #tpu.memory_space<hbm>> -> memref<64x384xf32, #tpu.memory_space<hbm>>
    tpu.wait_dma2 semaphore(%arg16 : memref<!tpu.dma_semaphore, #tpu.memory_space<semaphore_mem>>) src(%dma_wait3A_103 : memref<64x384xf32, #tpu.memory_space<hbm>>) dst(%arg15 : memref<64x384xf32, #tpu.memory_space<vmem>>)
    %dma_start3A_104 = arith.constant 0 : i32
    %dma_start3A_105 = arith.constant 0 : i32
    %dma_start3A_106 = tpu.memref_slice %arg10[%dma_start3A_104, %dma_start3A_105] : memref<4096x384xf32, #tpu.memory_space<hbm>> -> memref<4096x384xf32, #tpu.memory_space<hbm>>
    tpu.enqueue_indirect_dma source(%arg15 : memref<64x384xf32, #tpu.memory_space<vmem>>) target(%dma_start3A_106 : memref<4096x384xf32, #tpu.memory_space<hbm>>) offsets(%arg11 : memref<64xi32, #tpu.memory_space<vmem>>) semaphore(%arg17 : memref<!tpu.dma_semaphore, #tpu.memory_space<semaphore_mem>>)
    %dma_wait3A_107 = arith.constant 0 : i32
    %dma_wait3A_108 = arith.constant 0 : i32
    %dma_wait3A_109 = tpu.memref_slice %arg7[%dma_wait3A_107, %dma_wait3A_108] : memref<4096x384xf32, #tpu.memory_space<hbm>> -> memref<4096x384xf32, #tpu.memory_space<hbm>>
    tpu.wait_indirect_dma semaphore(%arg17 : memref<!tpu.dma_semaphore, #tpu.memory_space<semaphore_mem>>) src(%arg12 : memref<64x384xf32, #tpu.memory_space<vmem>>) dst(%dma_wait3A_109 : memref<4096x384xf32, #tpu.memory_space<hbm>>)
    %dma_wait3A_110 = arith.constant 0 : i32
    %dma_wait3A_111 = arith.constant 0 : i32
    %dma_wait3A_112 = tpu.memref_slice %arg8[%dma_wait3A_110, %dma_wait3A_111] : memref<4096x384xf32, #tpu.memory_space<hbm>> -> memref<4096x384xf32, #tpu.memory_space<hbm>>
    tpu.wait_indirect_dma semaphore(%arg17 : memref<!tpu.dma_semaphore, #tpu.memory_space<semaphore_mem>>) src(%arg13 : memref<64x384xf32, #tpu.memory_space<vmem>>) dst(%dma_wait3A_112 : memref<4096x384xf32, #tpu.memory_space<hbm>>)
    %dma_wait3A_113 = arith.constant 0 : i32
    %dma_wait3A_114 = arith.constant 0 : i32
    %dma_wait3A_115 = tpu.memref_slice %arg9[%dma_wait3A_113, %dma_wait3A_114] : memref<4096x384xf32, #tpu.memory_space<hbm>> -> memref<4096x384xf32, #tpu.memory_space<hbm>>
    tpu.wait_indirect_dma semaphore(%arg17 : memref<!tpu.dma_semaphore, #tpu.memory_space<semaphore_mem>>) src(%arg14 : memref<64x384xf32, #tpu.memory_space<vmem>>) dst(%dma_wait3A_115 : memref<4096x384xf32, #tpu.memory_space<hbm>>)
    %dma_wait3A_116 = arith.constant 0 : i32
    %dma_wait3A_117 = arith.constant 0 : i32
    %dma_wait3A_118 = tpu.memref_slice %arg10[%dma_wait3A_116, %dma_wait3A_117] : memref<4096x384xf32, #tpu.memory_space<hbm>> -> memref<4096x384xf32, #tpu.memory_space<hbm>>
    tpu.wait_indirect_dma semaphore(%arg17 : memref<!tpu.dma_semaphore, #tpu.memory_space<semaphore_mem>>) src(%arg15 : memref<64x384xf32, #tpu.memory_space<vmem>>) dst(%dma_wait3A_118 : memref<4096x384xf32, #tpu.memory_space<hbm>>)
    return
  }
}

module attributes {stable_mosaic.version = 14 : i64} {
  func.func @_rank_body(%arg0: i32, %arg1: memref<4096xf32, #tpu.memory_space<vmem>>, %arg2: memref<512xf32, #tpu.memory_space<vmem>>, %arg3: memref<512xi32, #tpu.memory_space<vmem>>) attributes {dimension_semantics = [#tpu.dimension_semantics<arbitrary>], iteration_bounds = array<i64: 8>, scalar_prefetch = 0 : i64, scratch_operands = 0 : i64, tpu.core_type = #tpu.core_type<tc>, window_params = [{pipeline_mode = #tpu.pipeline_mode<synchronous>, transform_indices = @transform_0, window_bounds = array<i64: 4096>}, {transform_indices = @transform_1, window_bounds = array<i64: 512>}, {transform_indices = @transform_2, window_bounds = array<i64: 512>}]} {
    %get3A = arith.constant 0 : index
    %get3A_0 = vector.load %arg1[%get3A] : memref<4096xf32, #tpu.memory_space<vmem>>, vector<4096xf32>
    %broadcast_in_dim3A = vector.shape_cast %get3A_0 : vector<4096xf32> to vector<1x4096xf32>
    %get3A_1 = arith.constant 0 : index
    %get3A_2 = vector.load %arg2[%get3A_1] : memref<512xf32, #tpu.memory_space<vmem>>, vector<512xf32>
    %broadcast_in_dim3A_3 = vector.shape_cast %get3A_2 : vector<512xf32> to vector<512x1xf32>
    %iota3A = tpu.iota {dimensions = array<i32: 1>} : vector<512x4096xi32>
    %mul3A = arith.constant 512 : i32
    %mul3A_4 = arith.muli %arg0, %mul3A : i32
    %iota3A_5 = tpu.iota {dimensions = array<i32: 0>} : vector<512x4096xi32>
    %add3A = vector.broadcast %mul3A_4 : i32 to vector<512x4096xi32>
    %add3A_6 = arith.addi %add3A, %iota3A_5 : vector<512x4096xi32>
    %lt3A = vector.broadcast %broadcast_in_dim3A : vector<1x4096xf32> to vector<512x4096xf32>
    %lt3A_7 = vector.broadcast %broadcast_in_dim3A_3 : vector<512x1xf32> to vector<512x4096xf32>
    %lt3A_8 = arith.cmpf olt, %lt3A, %lt3A_7 : vector<512x4096xf32>
    %eq3A = vector.broadcast %broadcast_in_dim3A : vector<1x4096xf32> to vector<512x4096xf32>
    %eq3A_9 = vector.broadcast %broadcast_in_dim3A_3 : vector<512x1xf32> to vector<512x4096xf32>
    %eq3A_10 = arith.cmpf oeq, %eq3A, %eq3A_9 : vector<512x4096xf32>
    %lt3A_11 = arith.cmpi slt, %iota3A, %add3A_6 : vector<512x4096xi32>
    %and3A = arith.andi %eq3A_10, %lt3A_11 : vector<512x4096xi1>
    %or3A = arith.ori %lt3A_8, %and3A : vector<512x4096xi1>
    %convert_element_type3A = arith.extui %or3A : vector<512x4096xi1> to vector<512x4096xi32>
    %reduce_sum3A = arith.constant dense<0> : vector<512xi32>
    %reduce_sum3A_12 = vector.multi_reduction <add>, %convert_element_type3A, %reduce_sum3A [1] : vector<512x4096xi32> to vector<512xi32>
    %swap3A = arith.constant 0 : index
    %swap3A_13 = vector.load %arg3[%swap3A] : memref<512xi32, #tpu.memory_space<vmem>>, vector<512xi32>
    tpu.vector_store %arg3[%swap3A], %reduce_sum3A_12 {strides = array<i32>} : memref<512xi32, #tpu.memory_space<vmem>>, vector<512xi32>,
    return
  }
  func.func @transform_0(%arg0: i32) -> i32 {
    %c0_i32 = arith.constant 0 : i32
    %c0_i32_0 = arith.constant 0 : i32
    return %c0_i32 : i32
  }
  func.func @transform_1(%arg0: i32) -> i32 {
    %c0_i32 = arith.constant 0 : i32
    return %arg0 : i32
  }
  func.func @transform_2(%arg0: i32) -> i32 {
    %c0_i32 = arith.constant 0 : i32
    return %arg0 : i32
  }
}

module attributes {stable_mosaic.version = 14 : i64} {
  func.func @_uv_body(%arg0: memref<64x2048xf32, #tpu.memory_space<vmem>>, %arg1: memref<64x1024xf32, #tpu.memory_space<vmem>>, %arg2: memref<64x5xf32, #tpu.memory_space<vmem>>, %arg3: memref<2048x512xf32, #tpu.memory_space<vmem>>, %arg4: memref<1024x512xf32, #tpu.memory_space<vmem>>, %arg5: memref<512xf32, #tpu.memory_space<vmem>>, %arg6: memref<15x512xf32, #tpu.memory_space<vmem>>, %arg7: memref<64x512xf32, #tpu.memory_space<vmem>>, %arg8: memref<64x512xf32, #tpu.memory_space<vmem>>) attributes {dimension_semantics = [], scalar_prefetch = 0 : i64, scratch_operands = 0 : i64, tpu.core_type = #tpu.core_type<tc>} {
    %get3A = arith.constant 0 : index
    %get3A_0 = arith.constant 0 : index
    %get3A_1 = vector.load %arg0[%get3A, %get3A_0] : memref<64x2048xf32, #tpu.memory_space<vmem>>, vector<64x2048xf32>
    %get3A_2 = arith.constant 0 : index
    %get3A_3 = arith.constant 0 : index
    %get3A_4 = vector.load %arg3[%get3A_2, %get3A_3] : memref<2048x512xf32, #tpu.memory_space<vmem>>, vector<2048x512xf32>
    %dot_general3A = arith.constant dense<0.000000e+00> : vector<64x512xf32>
    %dot_general3A_5 = tpu.matmul %get3A_1, %get3A_4, %dot_general3A {dimension_numbers = #tpu.dot_dimension_numbers<[1], [0], [0], [1], [0, 0, 1, 1], [], []>, precision = #tpu.contract_precision<fp32>, transpose_lhs_hint = false} : vector<64x2048xf32>, vector<2048x512xf32>, vector<64x512xf32> -> vector<64x512xf32>
    %get3A_6 = arith.constant 0 : index
    %get3A_7 = arith.constant 0 : index
    %get3A_8 = vector.load %arg1[%get3A_6, %get3A_7] : memref<64x1024xf32, #tpu.memory_space<vmem>>, vector<64x1024xf32>
    %get3A_9 = arith.constant 0 : index
    %get3A_10 = arith.constant 0 : index
    %get3A_11 = vector.load %arg4[%get3A_9, %get3A_10] : memref<1024x512xf32, #tpu.memory_space<vmem>>, vector<1024x512xf32>
    %dot_general3A_12 = arith.constant dense<0.000000e+00> : vector<64x512xf32>
    %dot_general3A_13 = tpu.matmul %get3A_8, %get3A_11, %dot_general3A_12 {dimension_numbers = #tpu.dot_dimension_numbers<[1], [0], [0], [1], [0, 0, 1, 1], [], []>, precision = #tpu.contract_precision<fp32>, transpose_lhs_hint = false} : vector<64x1024xf32>, vector<1024x512xf32>, vector<64x512xf32> -> vector<64x512xf32>
    %add3A = arith.addf %dot_general3A_5, %dot_general3A_13 : vector<64x512xf32>
    %get3A_14 = arith.constant 0 : index
    %get3A_15 = vector.load %arg5[%get3A_14] : memref<512xf32, #tpu.memory_space<vmem>>, vector<512xf32>
    %broadcast_in_dim3A = vector.shape_cast %get3A_15 : vector<512xf32> to vector<1x512xf32>
    %add3A_16 = vector.broadcast %broadcast_in_dim3A : vector<1x512xf32> to vector<64x512xf32>
    %add3A_17 = arith.addf %add3A, %add3A_16 : vector<64x512xf32>
    %max3A = arith.constant 0.000000e+00 : f32
    %max3A_18 = vector.broadcast %max3A : f32 to vector<64x512xf32>
    %max3A_19 = arith.maximumf %add3A_17, %max3A_18 : vector<64x512xf32>
    %get3A_20 = arith.constant 0 : index
    %get3A_21 = arith.constant 0 : index
    %get3A_22 = vector.load %arg6[%get3A_20, %get3A_21] : memref<15x512xf32, #tpu.memory_space<vmem>>, vector<15x512xf32>
    %get3A_23 = arith.constant 0 : index
    %get3A_24 = arith.constant 0 : index
    %get3A_25 = vector.load %arg2[%get3A_23, %get3A_24] : memref<64x5xf32, #tpu.memory_space<vmem>>, vector<64x5xf32>
    %slice3A = vector.extract_strided_slice %get3A_22 {offsets = [0, 0], sizes = [5, 512], strides = [1, 1]} : vector<15x512xf32> to vector<5x512xf32>
    %slice3A_26 = vector.extract_strided_slice %get3A_22 {offsets = [10, 0], sizes = [5, 512], strides = [1, 1]} : vector<15x512xf32> to vector<5x512xf32>
    %add3A_27 = arith.addf %slice3A, %slice3A_26 : vector<5x512xf32>
    %dot_general3A_28 = arith.constant dense<0.000000e+00> : vector<64x512xf32>
    %dot_general3A_29 = tpu.matmul %get3A_25, %add3A_27, %dot_general3A_28 {dimension_numbers = #tpu.dot_dimension_numbers<[1], [0], [0], [1], [0, 0, 1, 1], [], []>, precision = #tpu.contract_precision<fp32>, transpose_lhs_hint = false} : vector<64x5xf32>, vector<5x512xf32>, vector<64x512xf32> -> vector<64x512xf32>
    %add3A_30 = arith.addf %max3A_19, %dot_general3A_29 : vector<64x512xf32>
    %swap3A = arith.constant 0 : index
    %swap3A_31 = arith.constant 0 : index
    %swap3A_32 = vector.load %arg7[%swap3A, %swap3A_31] : memref<64x512xf32, #tpu.memory_space<vmem>>, vector<64x512xf32>
    tpu.vector_store %arg7[%swap3A, %swap3A_31], %add3A_30 {strides = array<i32>} : memref<64x512xf32, #tpu.memory_space<vmem>>, vector<64x512xf32>,
    %slice3A_33 = vector.extract_strided_slice %get3A_22 {offsets = [5, 0], sizes = [5, 512], strides = [1, 1]} : vector<15x512xf32> to vector<5x512xf32>
    %slice3A_34 = vector.extract_strided_slice %get3A_22 {offsets = [10, 0], sizes = [5, 512], strides = [1, 1]} : vector<15x512xf32> to vector<5x512xf32>
    %sub3A = arith.subf %slice3A_33, %slice3A_34 : vector<5x512xf32>
    %dot_general3A_35 = arith.constant dense<0.000000e+00> : vector<64x512xf32>
    %dot_general3A_36 = tpu.matmul %get3A_25, %sub3A, %dot_general3A_35 {dimension_numbers = #tpu.dot_dimension_numbers<[1], [0], [0], [1], [0, 0, 1, 1], [], []>, precision = #tpu.contract_precision<fp32>, transpose_lhs_hint = false} : vector<64x5xf32>, vector<5x512xf32>, vector<64x512xf32> -> vector<64x512xf32>
    %add3A_37 = arith.addf %max3A_19, %dot_general3A_36 : vector<64x512xf32>
    %swap3A_38 = arith.constant 0 : index
    %swap3A_39 = arith.constant 0 : index
    %swap3A_40 = vector.load %arg8[%swap3A_38, %swap3A_39] : memref<64x512xf32, #tpu.memory_space<vmem>>, vector<64x512xf32>
    tpu.vector_store %arg8[%swap3A_38, %swap3A_39], %add3A_37 {strides = array<i32>} : memref<64x512xf32, #tpu.memory_space<vmem>>, vector<64x512xf32>,
    return
  }
}

module attributes {stable_mosaic.version = 14 : i64} {
  func.func @_out_body(%arg0: i32, %arg1: memref<512x16xi32, #tpu.memory_space<vmem>>, %arg2: memref<64x512xf32, #tpu.memory_space<vmem>>, %arg3: memref<64x512xf32, #tpu.memory_space<vmem>>, %arg4: memref<512xf32, #tpu.memory_space<vmem>>, %arg5: memref<64x2048xf32, #tpu.memory_space<vmem>>, %arg6: memref<512x512xf32, #tpu.memory_space<vmem>>, %arg7: memref<512x2048xf32, #tpu.memory_space<vmem>>, %arg8: memref<512x2048xf32, #tpu.memory_space<vmem>>) attributes {dimension_semantics = [#tpu.dimension_semantics<arbitrary>], iteration_bounds = array<i64: 8>, scalar_prefetch = 0 : i64, scratch_operands = 0 : i64, tpu.core_type = #tpu.core_type<tc>, window_params = [{transform_indices = @transform_0, window_bounds = array<i64: 512, 16>}, {pipeline_mode = #tpu.pipeline_mode<synchronous>, transform_indices = @transform_1, window_bounds = array<i64: 64, 512>}, {pipeline_mode = #tpu.pipeline_mode<synchronous>, transform_indices = @transform_2, window_bounds = array<i64: 64, 512>}, {pipeline_mode = #tpu.pipeline_mode<synchronous>, transform_indices = @transform_3, window_bounds = array<i64: 512>}, {pipeline_mode = #tpu.pipeline_mode<synchronous>, transform_indices = @transform_4, window_bounds = array<i64: 64, 2048>}, {transform_indices = @transform_5, window_bounds = array<i64: 512, 512>}, {transform_indices = @transform_6, window_bounds = array<i64: 512, 2048>}, {transform_indices = @transform_7, window_bounds = array<i64: 512, 2048>}]} {
    %get3A = arith.constant 0 : index
    %get3A_0 = arith.constant 0 : index
    %get3A_1 = vector.load %arg1[%get3A, %get3A_0] : memref<512x16xi32, #tpu.memory_space<vmem>>, vector<512x16xi32>
    %slice3A = vector.extract_strided_slice %get3A_1 {offsets = [0, 0], sizes = [512, 1], strides = [1, 1]} : vector<512x16xi32> to vector<512x1xi32>
    %squeeze3A = vector.shape_cast %slice3A : vector<512x1xi32> to vector<512xi32>
    %jit3A = arith.constant 64 : i32
    %div3A = vector.broadcast %jit3A : i32 to vector<512xi32>
    %div3A_2 = arith.divsi %squeeze3A, %div3A : vector<512xi32>
    %sign3A = arith.constant 0 : i32
    %sign3A_3 = vector.broadcast %sign3A : i32 to vector<512xi32>
    %sign3A_4 = arith.cmpi sgt, %squeeze3A, %sign3A_3 : vector<512xi32>
    %sign3A_5 = arith.extui %sign3A_4 : vector<512xi1> to vector<512xi32>
    %sign3A_6 = arith.constant 0 : i32
    %sign3A_7 = vector.broadcast %sign3A_6 : i32 to vector<512xi32>
    %sign3A_8 = arith.cmpi slt, %squeeze3A, %sign3A_7 : vector<512xi32>
    %sign3A_9 = arith.extui %sign3A_8 : vector<512xi1> to vector<512xi32>
    %sign3A_10 = arith.subi %sign3A_5, %sign3A_9 : vector<512xi32>
    %sign3A_11 = arith.constant 0 : i32
    %sign3A_12 = arith.cmpi sgt, %jit3A, %sign3A_11 : i32
    %sign3A_13 = arith.extui %sign3A_12 : i1 to i32
    %sign3A_14 = arith.constant 0 : i32
    %sign3A_15 = arith.cmpi slt, %jit3A, %sign3A_14 : i32
    %sign3A_16 = arith.extui %sign3A_15 : i1 to i32
    %sign3A_17 = arith.subi %sign3A_13, %sign3A_16 : i32
    %ne3A = vector.broadcast %sign3A_17 : i32 to vector<512xi32>
    %ne3A_18 = arith.cmpi ne, %sign3A_10, %ne3A : vector<512xi32>
    %rem3A = vector.broadcast %jit3A : i32 to vector<512xi32>
    %rem3A_19 = arith.remsi %squeeze3A, %rem3A : vector<512xi32>
    %ne3A_20 = arith.constant 0 : i32
    %ne3A_21 = vector.broadcast %ne3A_20 : i32 to vector<512xi32>
    %ne3A_22 = arith.cmpi ne, %rem3A_19, %ne3A_21 : vector<512xi32>
    %and3A = arith.andi %ne3A_18, %ne3A_22 : vector<512xi1>
    %sub3A = arith.constant 1 : i32
    %sub3A_23 = vector.broadcast %sub3A : i32 to vector<512xi32>
    %sub3A_24 = arith.subi %div3A_2, %sub3A_23 : vector<512xi32>
    %select_n3A = arith.select %and3A, %sub3A_24, %div3A_2 : vector<512xi1>, vector<512xi32>
    %mul3A = arith.constant 64 : i32
    %mul3A_25 = vector.broadcast %mul3A : i32 to vector<512xi32>
    %mul3A_26 = arith.muli %select_n3A, %mul3A_25 : vector<512xi32>
    %sub3A_27 = arith.subi %squeeze3A, %mul3A_26 : vector<512xi32>
    %iota3A = tpu.iota {dimensions = array<i32: 1>} : vector<512x64xi32>
    %broadcast_in_dim3A = vector.shape_cast %select_n3A : vector<512xi32> to vector<512x1xi32>
    %eq3A = vector.broadcast %broadcast_in_dim3A : vector<512x1xi32> to vector<512x64xi32>
    %eq3A_28 = arith.cmpi eq, %eq3A, %iota3A : vector<512x64xi32>
    %convert_element_type3A = arith.extui %eq3A_28 : vector<512x64xi1> to vector<512x64xi32>
    %convert_element_type3A_29 = arith.sitofp %convert_element_type3A : vector<512x64xi32> to vector<512x64xf32>
    %broadcast_in_dim3A_30 = vector.shape_cast %sub3A_27 : vector<512xi32> to vector<512x1xi32>
    %eq3A_31 = vector.broadcast %broadcast_in_dim3A_30 : vector<512x1xi32> to vector<512x64xi32>
    %eq3A_32 = arith.cmpi eq, %eq3A_31, %iota3A : vector<512x64xi32>
    %convert_element_type3A_33 = arith.extui %eq3A_32 : vector<512x64xi1> to vector<512x64xi32>
    %convert_element_type3A_34 = arith.sitofp %convert_element_type3A_33 : vector<512x64xi32> to vector<512x64xf32>
    %get3A_35 = arith.constant 0 : index
    %get3A_36 = arith.constant 0 : index
    %get3A_37 = vector.load %arg2[%get3A_35, %get3A_36] : memref<64x512xf32, #tpu.memory_space<vmem>>, vector<64x512xf32>
    %dot_general3A = arith.constant dense<0.000000e+00> : vector<512x512xf32>
    %dot_general3A_38 = tpu.matmul %convert_element_type3A_29, %get3A_37, %dot_general3A {dimension_numbers = #tpu.dot_dimension_numbers<[1], [0], [0], [1], [0, 0, 1, 1], [], []>, precision = #tpu.contract_precision<fp32>, transpose_lhs_hint = false} : vector<512x64xf32>, vector<64x512xf32>, vector<512x512xf32> -> vector<512x512xf32>
    %get3A_39 = arith.constant 0 : index
    %get3A_40 = arith.constant 0 : index
    %get3A_41 = vector.load %arg3[%get3A_39, %get3A_40] : memref<64x512xf32, #tpu.memory_space<vmem>>, vector<64x512xf32>
    %dot_general3A_42 = arith.constant dense<0.000000e+00> : vector<512x512xf32>
    %dot_general3A_43 = tpu.matmul %convert_element_type3A_34, %get3A_41, %dot_general3A_42 {dimension_numbers = #tpu.dot_dimension_numbers<[1], [0], [0], [1], [0, 0, 1, 1], [], []>, precision = #tpu.contract_precision<fp32>, transpose_lhs_hint = false} : vector<512x64xf32>, vector<64x512xf32>, vector<512x512xf32> -> vector<512x512xf32>
    %add3A = arith.addf %dot_general3A_38, %dot_general3A_43 : vector<512x512xf32>
    %get3A_44 = arith.constant 0 : index
    %get3A_45 = vector.load %arg4[%get3A_44] : memref<512xf32, #tpu.memory_space<vmem>>, vector<512xf32>
    %broadcast_in_dim3A_46 = vector.shape_cast %get3A_45 : vector<512xf32> to vector<1x512xf32>
    %add3A_47 = vector.broadcast %broadcast_in_dim3A_46 : vector<1x512xf32> to vector<512x512xf32>
    %add3A_48 = arith.addf %add3A, %add3A_47 : vector<512x512xf32>
    %max3A = arith.constant 0.000000e+00 : f32
    %max3A_49 = vector.broadcast %max3A : f32 to vector<512x512xf32>
    %max3A_50 = arith.maximumf %add3A_48, %max3A_49 : vector<512x512xf32>
    %swap3A = arith.constant 0 : index
    %swap3A_51 = arith.constant 0 : index
    %swap3A_52 = vector.load %arg6[%swap3A, %swap3A_51] : memref<512x512xf32, #tpu.memory_space<vmem>>, vector<512x512xf32>
    tpu.vector_store %arg6[%swap3A, %swap3A_51], %max3A_50 {strides = array<i32>} : memref<512x512xf32, #tpu.memory_space<vmem>>, vector<512x512xf32>,
    %get3A_53 = arith.constant 0 : index
    %get3A_54 = arith.constant 0 : index
    %get3A_55 = vector.load %arg5[%get3A_53, %get3A_54] : memref<64x2048xf32, #tpu.memory_space<vmem>>, vector<64x2048xf32>
    %dot_general3A_56 = arith.constant dense<0.000000e+00> : vector<512x2048xf32>
    %dot_general3A_57 = tpu.matmul %convert_element_type3A_34, %get3A_55, %dot_general3A_56 {dimension_numbers = #tpu.dot_dimension_numbers<[1], [0], [0], [1], [0, 0, 1, 1], [], []>, transpose_lhs_hint = false} : vector<512x64xf32>, vector<64x2048xf32>, vector<512x2048xf32> -> vector<512x2048xf32>
    %swap3A_58 = arith.constant 0 : index
    %swap3A_59 = arith.constant 0 : index
    %swap3A_60 = vector.load %arg7[%swap3A_58, %swap3A_59] : memref<512x2048xf32, #tpu.memory_space<vmem>>, vector<512x2048xf32>
    tpu.vector_store %arg7[%swap3A_58, %swap3A_59], %dot_general3A_57 {strides = array<i32>} : memref<512x2048xf32, #tpu.memory_space<vmem>>, vector<512x2048xf32>,
    %dot_general3A_61 = arith.constant dense<0.000000e+00> : vector<512x2048xf32>
    %dot_general3A_62 = tpu.matmul %convert_element_type3A_29, %get3A_55, %dot_general3A_61 {dimension_numbers = #tpu.dot_dimension_numbers<[1], [0], [0], [1], [0, 0, 1, 1], [], []>, transpose_lhs_hint = false} : vector<512x64xf32>, vector<64x2048xf32>, vector<512x2048xf32> -> vector<512x2048xf32>
    %swap3A_63 = arith.constant 0 : index
    %swap3A_64 = arith.constant 0 : index
    %swap3A_65 = vector.load %arg8[%swap3A_63, %swap3A_64] : memref<512x2048xf32, #tpu.memory_space<vmem>>, vector<512x2048xf32>
    tpu.vector_store %arg8[%swap3A_63, %swap3A_64], %dot_general3A_62 {strides = array<i32>} : memref<512x2048xf32, #tpu.memory_space<vmem>>, vector<512x2048xf32>,
    return
  }
  func.func @transform_0(%arg0: i32) -> (i32, i32) {
    %c0_i32 = arith.constant 0 : i32
    %c0_i32_0 = arith.constant 0 : i32
    return %arg0, %c0_i32 : i32, i32
  }
  func.func @transform_1(%arg0: i32) -> (i32, i32) {
    %c0_i32 = arith.constant 0 : i32
    %c0_i32_0 = arith.constant 0 : i32
    %c0_i32_1 = arith.constant 0 : i32
    return %c0_i32, %c0_i32_0 : i32, i32
  }
  func.func @transform_2(%arg0: i32) -> (i32, i32) {
    %c0_i32 = arith.constant 0 : i32
    %c0_i32_0 = arith.constant 0 : i32
    %c0_i32_1 = arith.constant 0 : i32
    return %c0_i32, %c0_i32_0 : i32, i32
  }
  func.func @transform_3(%arg0: i32) -> i32 {
    %c0_i32 = arith.constant 0 : i32
    %c0_i32_0 = arith.constant 0 : i32
    return %c0_i32 : i32
  }
  func.func @transform_4(%arg0: i32) -> (i32, i32) {
    %c0_i32 = arith.constant 0 : i32
    %c0_i32_0 = arith.constant 0 : i32
    %c0_i32_1 = arith.constant 0 : i32
    return %c0_i32, %c0_i32_0 : i32, i32
  }
  func.func @transform_5(%arg0: i32) -> (i32, i32) {
    %c0_i32 = arith.constant 0 : i32
    %c0_i32_0 = arith.constant 0 : i32
    return %arg0, %c0_i32 : i32, i32
  }
  func.func @transform_6(%arg0: i32) -> (i32, i32) {
    %c0_i32 = arith.constant 0 : i32
    %c0_i32_0 = arith.constant 0 : i32
    return %arg0, %c0_i32 : i32, i32
  }
  func.func @transform_7(%arg0: i32) -> (i32, i32) {
    %c0_i32 = arith.constant 0 : i32
    %c0_i32_0 = arith.constant 0 : i32
    return %arg0, %c0_i32 : i32, i32
  }
}

</mosaic_0001>

<sc_bundles>
// kernel: kernel.10.cloned.1.call-start
scs
__scs_entry_jumppad:
0x0: {  	(pc) =	sbr.rel $0x88, $3  }
0x1: {  	(tag) =	ssettag $0x0;
	lr =	simm.s32 $0x1  }
0x2: {  	[smem:$0x3F94] =	sst lr;
	_ =	strace $0xD0000000  }
0x3: {  	_ = 	snop  }
0x4: {  	_ = 	snop  }
0x5: {  	_ = 	snop  }
0x6: {  	_ = 	snop  }
0x7: {  	_ = 	snop  }
__scs_overlays_trampoline_lowered:
0x8: {  	[smem:$0x3FA3] =	sst s0  }
0x9: {  	[smem:$0x3FA4] =	sst s1  }
0xa: {  	[smem:$0x3FA5] =	sst s2  }
0xb: {  	[smem:$0x3FA6] =	sst s3  }
0xc: {  	[smem:$0x3FA7] =	sst s4  }
0xd: {  	[smem:$0x3FA8] =	sst s5  }
0xe: {  	[smem:$0x3FA9] =	sst s6  }
0xf: {  	[smem:$0x3FAA] =	sst s7  }
0x10: {  	[smem:$0x3FAB] =	sst s8  }
0x11: {  	[smem:$0x3FAC] =	sst s9;
	s0 =	simm.s32 @!p0 $0x0  }
0x12: {  	s1 =	sld [smem:$0x3F92];
	s0 =	simm.s32 @p0 $0x1  }
0x13: {  	[smem:$0x3FAD] =	sst s0;
	s0 =	simm.s32 @!p1 $0x0  }
0x14: {  	s2 =	sld [smem:$0x3F91];
	s0 =	simm.s32 @p1 $0x1  }
0x15: {  	[smem:$0x3FAE] =	sst s0;
	s0 =	simm.s32 @!p2 $0x0  }
0x16: {  	s3 =	sld [smem:$0x3FDB];
	s0 =	simm.s32 @p2 $0x1  }
0x17: {  	s4 =	simm.s32 $0x1BF5;
	[smem:$0x3FB0] =	sst s0  }
0x18: {  	s0 =	sld [smem:$0x3F93];
	_ =	swait.ge [sflag:s4], $0x0  }
0x19: {  	s7 =	sld [smem:$0x3F94]  }
0x1a: {  	s8 =	sadd.s32 $0xFFFFE003, lr  }
0x1b: {  	s9 =	sadd.s32 $0xFFFFFEF7, lr;
	s5 =	simm.s32 $0xFFFFFFFF;
	p2 =	slt.u32 s8, $0xFFFFF086  }
0x1c: {  	p1 =	slt.u32 s9, $0xF7A;
	s5 =	simm.s32 @!p2 $0x0  }
0x1d: {  	s5 =	simm.s32 @p1 $0x1;
	p0 =	seq.s32 s7, s2  }
0x1e: {  	s7 =	smul.u32 @!p0 $0xF7A, s2;
	p2 =	seq.s32 @!p0 s5, $0x0  }
0x1f: {  	s9 =	smul.u32 $0xF7A, s1;
	s8 =	simm.s32 @!p0 $0x1BF5;
	p2 =	por !p2, p0  }
0x20: {  	[sflag:s8] =	ssyncset.s32 @!p0 $0xFFFFF086;
	s6 =	sadd.s32 @!p0 s3, s7;
	s7 =	simm.s32 @!p0 $0x108  }
0x21: {  	s3 =	sadd.s32 s3, s9;
	s6 =	sadd.s32 @!p0 $0x88, s6;
	s7 =	simm.s32 @p2 $0x1082  }
0x22: {  	[simem:s7], [sflag:s8] =	dma.local @!p0 [hbm:s6], $0xF7A  }
0x23: {  	s9 =	sor.u32 $0xD0000000, s2;
	s6 =	simm.s32 $0x108;
	_ =	swait.ge @!p0 [sflag:s8], $0x0  }
0x24: {  	s3 =	sadd.s32 $0x88, s3;
	s6 =	simm.s32 @!p1 $0x1082;
	[sflag:s4] =	ssyncset.s32 $0xFFFFF086  }
0x25: {  	[simem:s6], [sflag:s4] =	dma.local [hbm:s3], $0xF7A  }
0x26: {  	[smem:$0x3F94] =	sst s1;
	(tag) =	ssettag s2;
	_ =	strace s9  }
0x27: {  	s1 =	sld [smem:$0x3FA4]  }
0x28: {  	s2 =	sld [smem:$0x3FA5]  }
0x29: {  	s4 =	sld [smem:$0x3FA7]  }
0x2a: {  	p0 =	seq.s32 s5, $0x0;
	s5 =	sld [smem:$0x3FA8]  }
0x2b: {  	s6 =	sld [smem:$0x3FA9]  }
0x2c: {  	s7 =	sld [smem:$0x3FAA]  }
0x2d: {  	s3 =	simm.s32 $0x108;
	s8 =	sld [smem:$0x3FAB]  }
0x2e: {  	s3 =	simm.s32 @!p0 $0x1082;
	s9 =	sld [smem:$0x3FAC]  }
0x2f: {  	lr =	sadd.s32 s0, s3;
	s0 =	sld [smem:$0x3FA3]  }
0x30: {  	s3 =	sld [smem:$0x3FA6]  }
0x31: {  	[smem:$0x3FAF] =	sst s10  }
0x32: {  	s10 =	sld [smem:$0x3FAD];
	_ =	sdelay $0x3  }
0x33: {  	p0 =	seq.s32 s10, $0x1;
	s10 =	sld [smem:$0x3FAF];
	_ =	sdelay $0x3  }
0x34: {  	[smem:$0x3FAF] =	sst s10  }
0x35: {  	s10 =	sld [smem:$0x3FAE];
	_ =	sdelay $0x3  }
0x36: {  	p1 =	seq.s32 s10, $0x1;
	s10 =	sld [smem:$0x3FAF];
	_ =	sdelay $0x3  }
0x37: {  	[smem:$0x3FAF] =	sst s10  }
0x38: {  	s10 =	sld [smem:$0x3FB0]  }
0x39: {  	_ = 	snop;
	(pc) =	sbr.ind lr, $3  }
0x3a: {  	_ = 	snop  }
0x3b: {  	_ = 	snop  }
0x3c: {  	p2 =	seq.s32 s10, $0x1;
	s10 =	sld [smem:$0x3FAF]  }
0x3d: {  	_ =	shalt  }
0x3e: {  	_ =	shalt  }
0x3f: {  	_ =	shalt  }
0x40: {  	_ =	shalt  }
0x41: {  	_ =	shalt  }
0x42: {  	_ =	shalt  }
0x43: {  	_ =	shalt  }
0x44: {  	_ =	shalt  }
0x45: {  	_ =	shalt  }
0x46: {  	_ =	shalt  }
0x47: {  	_ =	shalt  }
0x48: {  	_ =	shalt  }
0x49: {  	_ =	shalt  }
0x4a: {  	_ =	shalt  }
0x4b: {  	_ =	shalt  }
0x4c: {  	_ =	shalt  }
0x4d: {  	_ =	shalt  }
0x4e: {  	_ =	shalt  }
0x4f: {  	_ =	shalt  }
0x50: {  	_ =	shalt  }
0x51: {  	_ =	shalt  }
0x52: {  	_ =	shalt  }
0x53: {  	_ =	shalt  }
0x54: {  	_ =	shalt  }
0x55: {  	_ =	shalt  }
0x56: {  	_ =	shalt  }
0x57: {  	_ =	shalt  }
0x58: {  	_ =	shalt  }
0x59: {  	_ =	shalt  }
0x5a: {  	_ =	shalt  }
0x5b: {  	_ =	shalt  }
0x5c: {  	_ =	shalt  }
0x5d: {  	_ =	shalt  }
0x5e: {  	_ =	shalt  }
0x5f: {  	_ =	shalt  }
0x60: {  	_ =	shalt  }
0x61: {  	_ =	shalt  }
0x62: {  	_ =	shalt  }
0x63: {  	_ =	shalt  }
0x64: {  	_ =	shalt  }
0x65: {  	_ =	shalt  }
0x66: {  	_ =	shalt  }
0x67: {  	_ =	shalt  }
0x68: {  	_ =	shalt  }
0x69: {  	_ =	shalt  }
0x6a: {  	_ =	shalt  }
0x6b: {  	_ =	shalt  }
0x6c: {  	_ =	shalt  }
0x6d: {  	_ =	shalt  }
0x6e: {  	_ =	shalt  }
0x6f: {  	_ =	shalt  }
0x70: {  	_ =	shalt  }
0x71: {  	_ =	shalt  }
0x72: {  	_ =	shalt  }
0x73: {  	_ =	shalt  }
0x74: {  	_ =	shalt  }
0x75: {  	_ =	shalt  }
0x76: {  	_ =	shalt  }
0x77: {  	_ =	shalt  }
0x78: {  	_ =	shalt  }
0x79: {  	_ =	shalt  }
0x7a: {  	_ =	shalt  }
0x7b: {  	_ =	shalt  }
0x7c: {  	_ =	shalt  }
0x7d: {  	_ =	shalt  }
0x7e: {  	_ =	shalt  }
0x7f: {  	_ =	shalt  }
0x80: {  	_ =	shalt  }
0x81: {  	_ =	shalt  }
0x82: {  	_ =	shalt  }
0x83: {  	_ =	shalt  }
0x84: {  	_ =	shalt  }
0x85: {  	_ =	shalt  }
0x86: {  	_ =	shalt  }
0x87: {  	_ =	shalt  }
.Lfunc_end0:
.L_simem_size_0:
called_computation.1_lowered:
.L_overlay_start_0:
0x88: {  	s2 =	sld [smem:$0x3FD9]  }
0x89: {  	s3 =	sld [smem:$0x3FFE];
	_ =	sdelay $0x1  }
0x8a: {  	s1 =	srdreg.scid  }
0x8b: {  	s0 =	sand.u32 $0x1, s1  }
0x8c: {  	s15 =	sshll.u32 s0, $0xA;
	s2 =	sadd.s32 s3, s2  }
0x8d: {  	s2 =	sadd.s32 s2, s15  }
0x8e: {  	[smem:$0x3FBB] =	sst s2  }
0x8f: {  	_ = 	snop  }
0x90: {  	s2 =	sld [smem:$0x3FD0];
	_ =	sdelay $0x2  }
0x91: {  	s16 =	simm.s32 $0xB;
	s4 =	simm.s32 $0x10  }
0x92: {  	[smem:s4], [sflag:s16] =	dma.local [hbm:s2], $0x1  }
0x93: {  	_ =	swait.eq [sflag:s16], $0x1  }
0x94: {  	s17 =	sld [smem:$0x12]  }
0x95: {  	s5 =	sld [smem:$0x14];
	[sflag:s16] =	ssyncset.done $0x0  }
0x96: {  	s18 =	sld [smem:$0x15];
	[sflag:s16] =	ssyncadd.s32 $0xFFFFFFFF  }
0x97: {  	s6 =	sld [smem:$0x16];
	(tm) =	ssettm $0x1  }
0x98: {  	s19 =	sld [smem:$0x3FFB];
	_ =	sdelay $0x3  }
0x99: {  	_ =	strace s19  }
0x9a: {  	s3 =	sld [smem:$0x3FFC];
	_ =	sdelay $0x3  }
0x9b: {  	_ =	strace s3  }
0x9c: {  	s3 =	sld [smem:$0x3FFD];
	_ =	sdelay $0x3  }
0x9d: {  	_ =	strace s3  }
0x9e: {  	_ =	strace $0x8FFFFFFF  }
0x9f: {  	s20 =	sld [smem:$0x3FDB];
	_ =	sdelay $0x1  }
0xa0: {  	s7 =	simm.s32 $_scs_section_size  }
0xa1: {  	s8 =	simm.s32 $_size__tile_overlayer_lowered;
	s9 =	simm.s32 $_tile_overlayer_lowered  }
0xa2: {  	s10 =	simm.s32 $0x1BFF;
	s21 =	sshll.u32 s9, $0x1;
	s7 =	sadd.s32 s7, s20  }
0xa3: {  	s22 =	simm.s32 $0x0;
	s8 =	sshll.u32 s8, $0x1;
	s9 =	sadd.s32 s21, s7  }
0xa4: {  	[timem:s22], [sflag:s10] =	dma.local [hbm:s9], s8  }
0xa5: {  	_ =	swait.ge [sflag:s10], s8  }
0xa6: {  	s8 =	ssub.s32 $0x0, s8;
	[sflag:s10] =	ssyncset.done $0x0  }
0xa7: {  	[sflag:s10] =	ssyncadd.s32 s8;
	_ =	sdelay $0x1  }
0xa8: {  	s23 =	simm.s32 $0x1B8B  }
0xa9: {  	_ =	swait.ge [sflag:s23], $0x1  }
0xaa: {  	[sflag:s23] =	ssyncset.done $0x0  }
0xab: {  	[sflag:s23] =	ssyncadd.s32 $0xFFFFFFFF  }
0xac: {  	s8 =	sld [smem:$0x0]  }
0xad: {  	s9 =	sand.u32 $0xFFFFFFFE, s1  }
0xae: {  	p0 =	sne.s32 s1, s9  }
0xaf: {  	s9 =	sshll.u32 @p0 s9, $0xE  }
0xb0: {  	s9 =	sadd.s32 @p0 $0x11B8D, s9;
	s10 =	sshll.u32 @p0 s8, $0x11  }
0xb1: {  	s9 =	sor.u32 @p0 s10, s9  }
0xb2: {  	[sflag:s9] =	ssyncadd.remote.s32 @p0 $0x1;
	_ =	sdelay $0x1  }
0xb3: {  	s9 =	simm.s32 @p0 $0x1B8D  }
0xb4: {  	_ =	swait.eq @p0 [sflag:s9], $0x1  }
0xb5: {  	[sflag:s9] =	ssyncadd.s32 @p0 $0xFFFFFFFF  }
0xb6: {  	s10 =	sshll.u32 @!p0 s1, $0xE  }
0xb7: {  	s10 =	sor.u32 @!p0 $0x4000, s10;
	s9 =	simm.s32 @!p0 $0x1B8D  }
0xb8: {  	s8 =	sshll.u32 @!p0 s8, $0x11;
	s10 =	sadd.s32 @!p0 $0x11B8D, s10;
	_ =	swait.eq @!p0 [sflag:s9], $0x1  }
0xb9: {  	s8 =	sor.u32 @!p0 s8, s10;
	[sflag:s9] =	ssyncadd.s32 @!p0 $0xFFFFFFFF  }
0xba: {  	s25 =	simm.s32 $0x1B8E;
	s24 =	sld [smem:$0x3FFE];
	[sflag:s8] =	ssyncadd.remote.s32 @!p0 $0x1  }
0xbb: {  	s26 =	simm.s32 $execute0_lowered;
	[smem:$0x3FD2] =	sst s25  }
0xbc: {  	s9 =	sshll.u32 s26, $0x1;
	_ =	strace $0x80000049;
	[dreg:$0x1] =	wrdreg $0xFFFFFFFF  }
0xbd: {  	s28 =	simm.s32 $_size_execute0_lowered;
	s7 =	sadd.s32 s7, s9;
	[dreg:$0x0] =	wrdreg $0x0  }
0xbe: {  	s9 =	sshll.u32 s28, $0x1;
	[dreg:$0x2] =	wrdreg s7  }
0xbf: {  	[dreg:$0x3] =	wrdreg s9  }
0xc0: {  	[dreg:$0x4] =	wrdreg $0xC0  }
0xc1: {  	_ =	task [dreg:s22], $0x5FFFF  }
0xc2: {  	[dreg:$0x1] =	wrdreg $0xFFFFFFFF  }
0xc3: {  	[dreg:$0x0] =	wrdreg $0x60  }
0xc4: {  	[dreg:$0x2] =	wrdreg s5  }
0xc5: {  	[dreg:$0x3] =	wrdreg s6  }
0xc6: {  	[dreg:$0x4] =	wrdreg s18  }
0xc7: {  	[dreg:$0x5] =	wrdreg s24  }
0xc8: {  	[dreg:$0x6] =	wrdreg s17  }
0xc9: {  	[dreg:$0x7] =	wrdreg $0xA  }
0xca: {  	_ =	task.clear_ibuf [dreg:s22], $0x8FFFF;
	_ =	strace $0x90000049  }
0xcb: {  	s29 =	simm.s32 $0xA;
	_ =	strace $0x8000004B  }
0xcc: {  	_ =	swait.ge [sflag:s29], $0x1  }
0xcd: {  	[sflag:s29] =	ssyncadd.s32 $0xFFFFFFFF  }
0xce: {  	_ =	strace $0x9000004B  }
0xcf: {  	_ =	sfence  }
0xd0: {  	s30 =	sld [smem:$0x0];
	_ =	sdelay $0x2  }
0xd1: {  	s31 =	sshll.u32 s1, $0xD;
	s1 =	sshrl.u32 s1, $0x2  }
0xd2: {  	s4 =	sand.u32 $0x4000, s31;
	s1 =	sadd.s32 s1, s30  }
0xd3: {  	s0 =	sor.u32 s4, s0;
	s1 =	sshll.u32 s1, $0x11  }
0xd4: {  	s0 =	sor.u32 s1, s0  }
0xd5: {  	s0 =	sadd.s32 $0x8F2B, s0  }
0xd6: {  	[sflag:s0] =	ssyncadd.remote.s32 $0x1  }
0xd7: {  	_ =	sfence.sel $0xFFFF  }
0xd8: {  	[dreg:$0x0] =	wrdreg $0xFFFFFFFF;
	(pc) =	sbr.abs _section_cstart, $3  }
0xd9: {  	[dreg:$0x1] =	wrdreg $0xFFFFFFFF  }
0xda: {  	_ =	task.clear_ibuf [dreg:s22], $0x2FFFF;
	_ =	strace $0x9FFFFFFF  }
0xdb: {  	(tm) =	ssettm $0x7FFFFFFF  }
tec
execute0_lowered:
.L_overlay_start_1:
0x0: {  	(tag) =	ssettag $0x1  }
0x1: {  	s0 =	rddreg [dreg:$0x0]  }
0x2: {  	s1 =	rddreg [dreg:$0x1]  }
0x3: {  	s10 =	rddreg [dreg:$0x2]  }
0x4: {  	s11 =	rddreg [dreg:$0x3]  }
0x5: {  	s7 =	rddreg [dreg:$0x4];
	s3 =	srdreg.scid;
	s2 =	simm.s32 $0x0  }
0x6: {  	s4 =	stileid.u32;
	s16 =	simm.s32 $0xC080;
	s28 =	simm.s32 $0x2C80  }
0x7: {  	s29 =	simm.s32 $0x3080;
	s30 =	simm.s32 $0x3880;
	s31 =	simm.s32 $0x3C80  }
0x8: {  	s8 =	sand.u32 $0x1, s3;
	[smem:$0x7FF] =	sst s2;
	s17 =	sshll.u32 s4, $0x5  }
0x9: {  	s12 =	sadd.s32 $0x4600, s11;
	s3 =	sadd.s32 $0x34600, s11;
	s4 =	sadd.s32 $0x64600, s11  }
0xa: {  	s5 =	sadd.s32 $0x94600, s11;
	s6 =	sadd.s32 $0xC4600, s11;
	s18 =	sshll.u32 s8, $0x4  }
0xb: {  	_ =	strace $0x8000004A;
	s8 =	ssub.s32 $0x2, s8;
	s9 =	sor.u32 s18, s17  }
0xc: {  	s15 =	sshrl.u32 s8, $0x1;
	s17 =	simm.s32 $0x1;
	s18 =	simm.s32 $0x2  }
0xd: {  	s13 =	smul.u32 $0x180, s9;
	s14 =	sadd.s32 s7, s9;
	s9 =	sor.u32 $0x8, s9  }
0xe: {  	s15 =	ssub.s32 s8, s15;
	[dreg:$0x6] =	wrdreg s14;
	s23 =	sadd.s32 s7, s9  }
0xf: {  	s8 =	sadd.s32 $0x64700, s11;
	s19 =	sadd.s32 s0, s13;
	[dreg:$0xb] =	wrdreg s23  }
0x10: {  	s22 =	smul.u32 $0x180, s9;
	s20 =	sadd.s32 s1, s13;
	[dreg:$0x7] =	wrdreg s19  }
0x11: {  	s7 =	sadd.s32 $0x34700, s11;
	s21 =	sadd.s32 s10, s13;
	[dreg:$0x8] =	wrdreg s20  }
0x12: {  	s9 =	sadd.s32 $0x94700, s11;
	s13 =	sadd.s32 s12, s13;
	[dreg:$0x9] =	wrdreg s21  }
0x13: {  	s14 =	simm.s32 $0x80;
	s23 =	simm.s32 $0x1480;
	[dreg:$0xa] =	wrdreg s13  }
0x14: {  	s0 =	sadd.s32 s0, s22;
	s24 =	sadd.s32 s1, s22;
	s25 =	sadd.s32 s10, s22  }
0x15: {  	s10 =	sadd.s32 $0xC4700, s11;
	s26 =	sadd.s32 s12, s22;
	[dreg:$0xc] =	wrdreg s0  }
0x16: {  	s11 =	smax.u32 s15, $0x1;
	s15 =	simm.s32 $0x6080;
	[dreg:$0xd] =	wrdreg s24  }
0x17: {  	v2 =	vlaneseq.u32;
	s12 =	simm.s32 $0x12080;
	s21 =	simm.s32 $0x880;
	[dreg:$0xe] =	wrdreg s25  }
0x18: {  	vm0 =	vmmov $0xffff;
	vm1 =	vmmov $0xff;
	v1 =	vshrl.u32 v2, $0x3;
	s22 =	simm.s32 $0xC80;
	s13 =	simm.s32 $0x5080;
	[dreg:$0xf] =	wrdreg s26  }
0x19: {  	v0 =	vand.u32 $0x7, v2;
	v2 =	vor.u32 $0x8, v2;
	v1 =	vmul.u32 $0x8, v1;
	s24 =	simm.s32 $0x1880;
	s25 =	simm.s32 $0x2080;
	s26 =	simm.s32 $0x2480  }
.LBB2_1:
0x1a: {  	s19 =	rddreg [dreg:$0x6];
	s0 =	simm.s32 $0x3  }
0x1b: {  	[tilespmem:s2], [sflag:$0x3] =	stream.linear.gather [hbm4b:s19+s2], $0x40, $0x38;
	[tilespmem:$0x18080] =	vst v63  }
0x1c: {  	_ =	swait.ge [sflag:s0], $0x40  }
0x1d: {  	[sflag:s0] =	ssyncset.done $0x0  }
0x1e: {  	s1 =	rddreg [dreg:$0x7];
	[sflag:s0] =	ssyncadd.s32 $0xFFFFFFC0  }
0x1f: {  	[tilespmem:s14], [sflag:$0x1] =	stream.linear.gather [hbm4b:s1+s2], $0x6000, $0x38;
	[tilespmem:$0x18080] =	vst v63  }
0x20: {  	s20 =	rddreg [dreg:$0x8]  }
0x21: {  	[tilespmem:s15], [sflag:$0x1] =	stream.linear.gather [hbm4b:s20+s2], $0x6000, $0x38;
	[tilespmem:$0x18080] =	vst v63  }
0x22: {  	s19 =	rddreg [dreg:$0x9]  }
0x23: {  	[tilespmem:s16], [sflag:$0x1] =	stream.linear.gather [hbm4b:s19+s2], $0x6000, $0x38;
	[tilespmem:$0x18080] =	vst v63  }
0x24: {  	s1 =	rddreg [dreg:$0xa]  }
0x25: {  	[tilespmem:s12], [sflag:$0x1] =	stream.linear.gather [hbm4b:s1+s2], $0x6000, $0x38;
	[tilespmem:$0x18080] =	vst v63  }
0x26: {  	_ =	swait.ge [sflag:s17], $0x6000  }
0x27: {  	[sflag:s17] =	ssyncset.done $0x0  }
0x28: {  	[sflag:s17] =	ssyncadd.s32 $0xFFFFA000  }
0x29: {  	v3 =	vld [tilespmem:$0x0];
	_ =	sdelay $0x4  }
0x2a: {  	v4 =	vshrl.u32 v3, $0x3  }
0x2b: {  	v4 =	vmul.u32 $0x18, v4  }
0x2c: {  	v3 =	vand.u32 $0x7, v3  }
0x2d: {  	v3 =	vor.u32 v3, v4  }
0x2e: {  	v4 =	vperm.xlane v3, v0;
	_ =	sdelay $0x1  }
0x2f: {  	v4 =	vadd.s32 v1, v4;
	_ =	sdelay $0x1  }
0x30: {  	v3 =	vperm.xlane v3, v2;
	_ =	sdelay $0x1  }
0x31: {  	v3 =	vadd.s32 v1, v3  }
0x32: {  	[hbm4b:s3+s2] =	stream.indirect_vreg.scatter [tilespmem:s14], [sflag:$0x2], $0x80, v4, vm0, $0xb8;
	[tilespmem:$0x18080] =	vst v63  }
0x33: {  	_ = 	snop  }
0x34: {  	[hbm4b:s7+s2] =	stream.indirect_vreg.scatter [tilespmem:s21], [sflag:$0x2], $0x80, v4, vm1, $0xb8;
	[tilespmem:$0x18080] =	vst v63  }
0x35: {  	_ = 	snop  }
0x36: {  	[hbm4b:s3+s2] =	stream.indirect_vreg.scatter [tilespmem:s22], [sflag:$0x2], $0x80, v3, vm0, $0xb8;
	[tilespmem:$0x18080] =	vst v63  }
0x37: {  	_ = 	snop  }
0x38: {  	[hbm4b:s7+s2] =	stream.indirect_vreg.scatter [tilespmem:s23], [sflag:$0x2], $0x80, v3, vm1, $0xb8;
	[tilespmem:$0x18080] =	vst v63  }
0x39: {  	v3 =	vld [tilespmem:$0x10];
	_ =	sdelay $0x4  }
0x3a: {  	v33 =	vshrl.u32 v3, $0x3  }
0x3b: {  	v4 =	vmul.u32 $0x18, v33  }
0x3c: {  	v3 =	vand.u32 $0x7, v3  }
0x3d: {  	v3 =	vor.u32 v3, v4  }
0x3e: {  	v4 =	vperm.xlane v3, v0;
	_ =	sdelay $0x1  }
0x3f: {  	v4 =	vadd.s32 v1, v4;
	_ =	sdelay $0x1  }
0x40: {  	v3 =	vperm.xlane v3, v2;
	_ =	sdelay $0x1  }
0x41: {  	v3 =	vadd.s32 v1, v3  }
0x42: {  	[hbm4b:s3+s2] =	stream.indirect_vreg.scatter [tilespmem:s24], [sflag:$0x2], $0x80, v4, vm0, $0xb8;
	[tilespmem:$0x18080] =	vst v63  }
0x43: {  	_ = 	snop  }
0x44: {  	[hbm4b:s7+s2] =	stream.indirect_vreg.scatter [tilespmem:s25], [sflag:$0x2], $0x80, v4, vm1, $0xb8;
	[tilespmem:$0x18080] =	vst v63  }
0x45: {  	_ = 	snop  }
0x46: {  	[hbm4b:s3+s2] =	stream.indirect_vreg.scatter [tilespmem:s26], [sflag:$0x2], $0x80, v3, vm0, $0xb8;
	[tilespmem:$0x18080] =	vst v63  }
0x47: {  	_ = 	snop  }
0x48: {  	[hbm4b:s7+s2] =	stream.indirect_vreg.scatter [tilespmem:s28], [sflag:$0x2], $0x80, v3, vm1, $0xb8;
	[tilespmem:$0x18080] =	vst v63  }
0x49: {  	v3 =	vld [tilespmem:$0x20];
	_ =	sdelay $0x4  }
0x4a: {  	v34 =	vshrl.u32 v3, $0x3  }
0x4b: {  	v4 =	vmul.u32 $0x18, v34  }
0x4c: {  	v3 =	vand.u32 $0x7, v3  }
0x4d: {  	v3 =	vor.u32 v3, v4  }
0x4e: {  	v4 =	vperm.xlane v3, v0;
	_ =	sdelay $0x1  }
0x4f: {  	v4 =	vadd.s32 v1, v4;
	_ =	sdelay $0x1  }
0x50: {  	v3 =	vperm.xlane v3, v2;
	_ =	sdelay $0x1  }
0x51: {  	v3 =	vadd.s32 v1, v3  }
0x52: {  	[hbm4b:s3+s2] =	stream.indirect_vreg.scatter [tilespmem:s29], [sflag:$0x2], $0x80, v4, vm0, $0xb8;
	[tilespmem:$0x18080] =	vst v63  }
0x53: {  	_ = 	snop  }
0x54: {  	[hbm4b:s7+s2] =	stream.indirect_vreg.scatter [tilespmem:s30], [sflag:$0x2], $0x80, v4, vm1, $0xb8;
	[tilespmem:$0x18080] =	vst v63  }
0x55: {  	_ = 	snop  }
0x56: {  	[hbm4b:s3+s2] =	stream.indirect_vreg.scatter [tilespmem:s31], [sflag:$0x2], $0x80, v3, vm0, $0xb8;
	[tilespmem:$0x18080] =	vst v63  }
0x57: {  	s1 =	simm.s32 $0x4480  }
0x58: {  	[hbm4b:s7+s2] =	stream.indirect_vreg.scatter [tilespmem:s1], [sflag:$0x2], $0x80, v3, vm1, $0xb8;
	[tilespmem:$0x18080] =	vst v63  }
0x59: {  	v3 =	vld [tilespmem:$0x30];
	_ =	sdelay $0x4  }
0x5a: {  	v35 =	vshrl.u32 v3, $0x3  }
0x5b: {  	v4 =	vmul.u32 $0x18, v35  }
0x5c: {  	v3 =	vand.u32 $0x7, v3  }
0x5d: {  	v3 =	vor.u32 v3, v4  }
0x5e: {  	v4 =	vperm.xlane v3, v0;
	_ =	sdelay $0x1  }
0x5f: {  	v4 =	vadd.s32 v1, v4;
	_ =	sdelay $0x1  }
0x60: {  	v3 =	vperm.xlane v3, v2;
	_ =	sdelay $0x1  }
0x61: {  	s1 =	simm.s32 $0x4880;
	v3 =	vadd.s32 v1, v3  }
0x62: {  	[hbm4b:s3+s2] =	stream.indirect_vreg.scatter [tilespmem:s1], [sflag:$0x2], $0x80, v4, vm0, $0xb8;
	[tilespmem:$0x18080] =	vst v63  }
0x63: {  	_ = 	snop  }
0x64: {  	[hbm4b:s7+s2] =	stream.indirect_vreg.scatter [tilespmem:s13], [sflag:$0x2], $0x80, v4, vm1, $0xb8;
	[tilespmem:$0x18080] =	vst v63  }
0x65: {  	s20 =	simm.s32 $0x5480  }
0x66: {  	[hbm4b:s3+s2] =	stream.indirect_vreg.scatter [tilespmem:s20], [sflag:$0x2], $0x80, v3, vm0, $0xb8;
	[tilespmem:$0x18080] =	vst v63  }
0x67: {  	s20 =	simm.s32 $0x5C80  }
0x68: {  	[hbm4b:s7+s2] =	stream.indirect_vreg.scatter [tilespmem:s20], [sflag:$0x2], $0x80, v3, vm1, $0xb8;
	[tilespmem:$0x18080] =	vst v63  }
0x69: {  	_ =	swait.ge [sflag:s17], $0x6000  }
0x6a: {  	[sflag:s17] =	ssyncset.done $0x0  }
0x6b: {  	[sflag:s17] =	ssyncadd.s32 $0xFFFFA000  }
0x6c: {  	v3 =	vld [tilespmem:$0x0];
	_ =	sdelay $0x4  }
0x6d: {  	v36 =	vshrl.u32 v3, $0x3  }
0x6e: {  	v4 =	vmul.u32 $0x18, v36  }
0x6f: {  	v3 =	vand.u32 $0x7, v3  }
0x70: {  	v3 =	vor.u32 v3, v4  }
0x71: {  	v4 =	vperm.xlane v3, v0;
	_ =	sdelay $0x1  }
0x72: {  	v4 =	vadd.s32 v1, v4;
	_ =	sdelay $0x1  }
0x73: {  	v3 =	vperm.xlane v3, v2;
	_ =	sdelay $0x1  }
0x74: {  	v3 =	vadd.s32 v1, v3  }
0x75: {  	[hbm4b:s4+s2] =	stream.indirect_vreg.scatter [tilespmem:s15], [sflag:$0x2], $0x80, v4, vm0, $0xb8;
	[tilespmem:$0x18080] =	vst v63  }
0x76: {  	s20 =	simm.s32 $0x6880  }
0x77: {  	[hbm4b:s8+s2] =	stream.indirect_vreg.scatter [tilespmem:s20], [sflag:$0x2], $0x80, v4, vm1, $0xb8;
	[tilespmem:$0x18080] =	vst v63  }
0x78: {  	s20 =	simm.s32 $0x6C80  }
0x79: {  	[hbm4b:s4+s2] =	stream.indirect_vreg.scatter [tilespmem:s20], [sflag:$0x2], $0x80, v3, vm0, $0xb8;
	[tilespmem:$0x18080] =	vst v63  }
0x7a: {  	s20 =	simm.s32 $0x7480  }
0x7b: {  	[hbm4b:s8+s2] =	stream.indirect_vreg.scatter [tilespmem:s20], [sflag:$0x2], $0x80, v3, vm1, $0xb8;
	[tilespmem:$0x18080] =	vst v63  }
0x7c: {  	v3 =	vld [tilespmem:$0x10];
	_ =	sdelay $0x4  }
0x7d: {  	v37 =	vshrl.u32 v3, $0x3  }
0x7e: {  	v4 =	vmul.u32 $0x18, v37  }
0x7f: {  	v3 =	vand.u32 $0x7, v3  }
0x80: {  	v3 =	vor.u32 v3, v4  }
0x81: {  	v4 =	vperm.xlane v3, v0;
	_ =	sdelay $0x1  }
0x82: {  	v4 =	vadd.s32 v1, v4;
	_ =	sdelay $0x1  }
0x83: {  	v3 =	vperm.xlane v3, v2;
	_ =	sdelay $0x1  }
0x84: {  	s20 =	simm.s32 $0x7880;
	v3 =	vadd.s32 v1, v3  }
0x85: {  	[hbm4b:s4+s2] =	stream.indirect_vreg.scatter [tilespmem:s20], [sflag:$0x2], $0x80, v4, vm0, $0xb8;
	[tilespmem:$0x18080] =	vst v63  }
0x86: {  	s20 =	simm.s32 $0x8080  }
0x87: {  	[hbm4b:s8+s2] =	stream.indirect_vreg.scatter [tilespmem:s20], [sflag:$0x2], $0x80, v4, vm1, $0xb8;
	[tilespmem:$0x18080] =	vst v63  }
0x88: {  	s20 =	simm.s32 $0x8480  }
0x89: {  	[hbm4b:s4+s2] =	stream.indirect_vreg.scatter [tilespmem:s20], [sflag:$0x2], $0x80, v3, vm0, $0xb8;
	[tilespmem:$0x18080] =	vst v63  }
0x8a: {  	s20 =	simm.s32 $0x8C80  }
0x8b: {  	[hbm4b:s8+s2] =	stream.indirect_vreg.scatter [tilespmem:s20], [sflag:$0x2], $0x80, v3, vm1, $0xb8;
	[tilespmem:$0x18080] =	vst v63  }
0x8c: {  	v3 =	vld [tilespmem:$0x20];
	_ =	sdelay $0x4  }
0x8d: {  	v38 =	vshrl.u32 v3, $0x3  }
0x8e: {  	v4 =	vmul.u32 $0x18, v38  }
0x8f: {  	v3 =	vand.u32 $0x7, v3  }
0x90: {  	v3 =	vor.u32 v3, v4  }
0x91: {  	v4 =	vperm.xlane v3, v0;
	_ =	sdelay $0x1  }
0x92: {  	v4 =	vadd.s32 v1, v4;
	_ =	sdelay $0x1  }
0x93: {  	v3 =	vperm.xlane v3, v2;
	_ =	sdelay $0x1  }
0x94: {  	s20 =	simm.s32 $0x9080;
	v3 =	vadd.s32 v1, v3  }
0x95: {  	[hbm4b:s4+s2] =	stream.indirect_vreg.scatter [tilespmem:s20], [sflag:$0x2], $0x80, v4, vm0, $0xb8;
	[tilespmem:$0x18080] =	vst v63  }
0x96: {  	s20 =	simm.s32 $0x9880  }
0x97: {  	[hbm4b:s8+s2] =	stream.indirect_vreg.scatter [tilespmem:s20], [sflag:$0x2], $0x80, v4, vm1, $0xb8;
	[tilespmem:$0x18080] =	vst v63  }
0x98: {  	s20 =	simm.s32 $0x9C80  }
0x99: {  	[hbm4b:s4+s2] =	stream.indirect_vreg.scatter [tilespmem:s20], [sflag:$0x2], $0x80, v3, vm0, $0xb8;
	[tilespmem:$0x18080] =	vst v63  }
0x9a: {  	s20 =	simm.s32 $0xA480  }
0x9b: {  	[hbm4b:s8+s2] =	stream.indirect_vreg.scatter [tilespmem:s20], [sflag:$0x2], $0x80, v3, vm1, $0xb8;
	[tilespmem:$0x18080] =	vst v63  }
0x9c: {  	v3 =	vld [tilespmem:$0x30];
	_ =	sdelay $0x4  }
0x9d: {  	v39 =	vshrl.u32 v3, $0x3  }
0x9e: {  	v4 =	vmul.u32 $0x18, v39  }
0x9f: {  	v3 =	vand.u32 $0x7, v3  }
0xa0: {  	v3 =	vor.u32 v3, v4  }
0xa1: {  	v4 =	vperm.xlane v3, v0;
	_ =	sdelay $0x1  }
0xa2: {  	v4 =	vadd.s32 v1, v4;
	_ =	sdelay $0x1  }
0xa3: {  	v3 =	vperm.xlane v3, v2;
	_ =	sdelay $0x1  }
0xa4: {  	s20 =	simm.s32 $0xA880;
	v3 =	vadd.s32 v1, v3  }
0xa5: {  	[hbm4b:s4+s2] =	stream.indirect_vreg.scatter [tilespmem:s20], [sflag:$0x2], $0x80, v4, vm0, $0xb8;
	[tilespmem:$0x18080] =	vst v63  }
0xa6: {  	s20 =	simm.s32 $0xB080  }
0xa7: {  	[hbm4b:s8+s2] =	stream.indirect_vreg.scatter [tilespmem:s20], [sflag:$0x2], $0x80, v4, vm1, $0xb8;
	[tilespmem:$0x18080] =	vst v63  }
0xa8: {  	s20 =	simm.s32 $0xB480  }
0xa9: {  	[hbm4b:s4+s2] =	stream.indirect_vreg.scatter [tilespmem:s20], [sflag:$0x2], $0x80, v3, vm0, $0xb8;
	[tilespmem:$0x18080] =	vst v63  }
0xaa: {  	s20 =	simm.s32 $0xBC80  }
0xab: {  	[hbm4b:s8+s2] =	stream.indirect_vreg.scatter [tilespmem:s20], [sflag:$0x2], $0x80, v3, vm1, $0xb8;
	[tilespmem:$0x18080] =	vst v63  }
0xac: {  	_ =	swait.ge [sflag:s17], $0x6000  }
0xad: {  	[sflag:s17] =	ssyncset.done $0x0  }
0xae: {  	[sflag:s17] =	ssyncadd.s32 $0xFFFFA000  }
0xaf: {  	v3 =	vld [tilespmem:$0x0];
	_ =	sdelay $0x4  }
0xb0: {  	v40 =	vshrl.u32 v3, $0x3  }
0xb1: {  	v4 =	vmul.u32 $0x18, v40  }
0xb2: {  	v3 =	vand.u32 $0x7, v3  }
0xb3: {  	v3 =	vor.u32 v3, v4  }
0xb4: {  	v4 =	vperm.xlane v3, v0;
	_ =	sdelay $0x1  }
0xb5: {  	v4 =	vadd.s32 v1, v4;
	_ =	sdelay $0x1  }
0xb6: {  	v3 =	vperm.xlane v3, v2;
	_ =	sdelay $0x1  }
0xb7: {  	v3 =	vadd.s32 v1, v3  }
0xb8: {  	[hbm4b:s5+s2] =	stream.indirect_vreg.scatter [tilespmem:s16], [sflag:$0x2], $0x80, v4, vm0, $0xb8;
	[tilespmem:$0x18080] =	vst v63  }
0xb9: {  	s20 =	simm.s32 $0xC880  }
0xba: {  	[hbm4b:s9+s2] =	stream.indirect_vreg.scatter [tilespmem:s20], [sflag:$0x2], $0x80, v4, vm1, $0xb8;
	[tilespmem:$0x18080] =	vst v63  }
0xbb: {  	s20 =	simm.s32 $0xCC80  }
0xbc: {  	[hbm4b:s5+s2] =	stream.indirect_vreg.scatter [tilespmem:s20], [sflag:$0x2], $0x80, v3, vm0, $0xb8;
	[tilespmem:$0x18080] =	vst v63  }
0xbd: {  	s20 =	simm.s32 $0xD480  }
0xbe: {  	[hbm4b:s9+s2] =	stream.indirect_vreg.scatter [tilespmem:s20], [sflag:$0x2], $0x80, v3, vm1, $0xb8;
	[tilespmem:$0x18080] =	vst v63  }
0xbf: {  	v3 =	vld [tilespmem:$0x10];
	_ =	sdelay $0x4  }
0xc0: {  	v41 =	vshrl.u32 v3, $0x3  }
0xc1: {  	v4 =	vmul.u32 $0x18, v41  }
0xc2: {  	v3 =	vand.u32 $0x7, v3  }
0xc3: {  	v3 =	vor.u32 v3, v4  }
0xc4: {  	v4 =	vperm.xlane v3, v0;
	_ =	sdelay $0x1  }
0xc5: {  	v4 =	vadd.s32 v1, v4;
	_ =	sdelay $0x1  }
0xc6: {  	v3 =	vperm.xlane v3, v2;
	_ =	sdelay $0x1  }
0xc7: {  	s20 =	simm.s32 $0xD880;
	v3 =	vadd.s32 v1, v3  }
0xc8: {  	[hbm4b:s5+s2] =	stream.indirect_vreg.scatter [tilespmem:s20], [sflag:$0x2], $0x80, v4, vm0, $0xb8;
	[tilespmem:$0x18080] =	vst v63  }
0xc9: {  	s20 =	simm.s32 $0xE080  }
0xca: {  	[hbm4b:s9+s2] =	stream.indirect_vreg.scatter [tilespmem:s20], [sflag:$0x2], $0x80, v4, vm1, $0xb8;
	[tilespmem:$0x18080] =	vst v63  }
0xcb: {  	s20 =	simm.s32 $0xE480  }
0xcc: {  	[hbm4b:s5+s2] =	stream.indirect_vreg.scatter [tilespmem:s20], [sflag:$0x2], $0x80, v3, vm0, $0xb8;
	[tilespmem:$0x18080] =	vst v63  }
0xcd: {  	s20 =	simm.s32 $0xEC80  }
0xce: {  	[hbm4b:s9+s2] =	stream.indirect_vreg.scatter [tilespmem:s20], [sflag:$0x2], $0x80, v3, vm1, $0xb8;
	[tilespmem:$0x18080] =	vst v63  }
0xcf: {  	v3 =	vld [tilespmem:$0x20];
	_ =	sdelay $0x4  }
0xd0: {  	v42 =	vshrl.u32 v3, $0x3  }
0xd1: {  	v4 =	vmul.u32 $0x18, v42  }
0xd2: {  	v3 =	vand.u32 $0x7, v3  }
0xd3: {  	v3 =	vor.u32 v3, v4  }
0xd4: {  	v4 =	vperm.xlane v3, v0;
	_ =	sdelay $0x1  }
0xd5: {  	v4 =	vadd.s32 v1, v4;
	_ =	sdelay $0x1  }
0xd6: {  	v3 =	vperm.xlane v3, v2;
	_ =	sdelay $0x1  }
0xd7: {  	s20 =	simm.s32 $0xF080;
	v3 =	vadd.s32 v1, v3  }
0xd8: {  	[hbm4b:s5+s2] =	stream.indirect_vreg.scatter [tilespmem:s20], [sflag:$0x2], $0x80, v4, vm0, $0xb8;
	[tilespmem:$0x18080] =	vst v63  }
0xd9: {  	s20 =	simm.s32 $0xF880  }
0xda: {  	[hbm4b:s9+s2] =	stream.indirect_vreg.scatter [tilespmem:s20], [sflag:$0x2], $0x80, v4, vm1, $0xb8;
	[tilespmem:$0x18080] =	vst v63  }
0xdb: {  	s20 =	simm.s32 $0xFC80  }
0xdc: {  	[hbm4b:s5+s2] =	stream.indirect_vreg.scatter [tilespmem:s20], [sflag:$0x2], $0x80, v3, vm0, $0xb8;
	[tilespmem:$0x18080] =	vst v63  }
0xdd: {  	s20 =	simm.s32 $0x10480  }
0xde: {  	[hbm4b:s9+s2] =	stream.indirect_vreg.scatter [tilespmem:s20], [sflag:$0x2], $0x80, v3, vm1, $0xb8;
	[tilespmem:$0x18080] =	vst v63  }
0xdf: {  	v3 =	vld [tilespmem:$0x30];
	_ =	sdelay $0x4  }
0xe0: {  	v43 =	vshrl.u32 v3, $0x3  }
0xe1: {  	v4 =	vmul.u32 $0x18, v43  }
0xe2: {  	v3 =	vand.u32 $0x7, v3  }
0xe3: {  	v3 =	vor.u32 v3, v4  }
0xe4: {  	v4 =	vperm.xlane v3, v0;
	_ =	sdelay $0x1  }
0xe5: {  	v4 =	vadd.s32 v1, v4;
	_ =	sdelay $0x1  }
0xe6: {  	v3 =	vperm.xlane v3, v2;
	_ =	sdelay $0x1  }
0xe7: {  	s20 =	simm.s32 $0x10880;
	v3 =	vadd.s32 v1, v3  }
0xe8: {  	[hbm4b:s5+s2] =	stream.indirect_vreg.scatter [tilespmem:s20], [sflag:$0x2], $0x80, v4, vm0, $0xb8;
	[tilespmem:$0x18080] =	vst v63  }
0xe9: {  	s20 =	simm.s32 $0x11080  }
0xea: {  	[hbm4b:s9+s2] =	stream.indirect_vreg.scatter [tilespmem:s20], [sflag:$0x2], $0x80, v4, vm1, $0xb8;
	[tilespmem:$0x18080] =	vst v63  }
0xeb: {  	s20 =	simm.s32 $0x11480  }
0xec: {  	[hbm4b:s5+s2] =	stream.indirect_vreg.scatter [tilespmem:s20], [sflag:$0x2], $0x80, v3, vm0, $0xb8;
	[tilespmem:$0x18080] =	vst v63  }
0xed: {  	s20 =	simm.s32 $0x11C80  }
0xee: {  	[hbm4b:s9+s2] =	stream.indirect_vreg.scatter [tilespmem:s20], [sflag:$0x2], $0x80, v3, vm1, $0xb8;
	[tilespmem:$0x18080] =	vst v63  }
0xef: {  	_ =	swait.ge [sflag:s17], $0x6000  }
0xf0: {  	[sflag:s17] =	ssyncset.done $0x0  }
0xf1: {  	[sflag:s17] =	ssyncadd.s32 $0xFFFFA000  }
0xf2: {  	v3 =	vld [tilespmem:$0x0];
	_ =	sdelay $0x4  }
0xf3: {  	v44 =	vshrl.u32 v3, $0x3  }
0xf4: {  	v4 =	vmul.u32 $0x18, v44  }
0xf5: {  	v3 =	vand.u32 $0x7, v3  }
0xf6: {  	v3 =	vor.u32 v3, v4  }
0xf7: {  	v4 =	vperm.xlane v3, v0;
	_ =	sdelay $0x1  }
0xf8: {  	v4 =	vadd.s32 v1, v4;
	_ =	sdelay $0x1  }
0xf9: {  	v3 =	vperm.xlane v3, v2;
	_ =	sdelay $0x1  }
0xfa: {  	v3 =	vadd.s32 v1, v3  }
0xfb: {  	[hbm4b:s6+s2] =	stream.indirect_vreg.scatter [tilespmem:s12], [sflag:$0x2], $0x80, v4, vm0, $0xb8;
	[tilespmem:$0x18080] =	vst v63  }
0xfc: {  	s20 =	simm.s32 $0x12880  }
0xfd: {  	[hbm4b:s10+s2] =	stream.indirect_vreg.scatter [tilespmem:s20], [sflag:$0x2], $0x80, v4, vm1, $0xb8;
	[tilespmem:$0x18080] =	vst v63  }
0xfe: {  	s20 =	simm.s32 $0x12C80  }
0xff: {  	[hbm4b:s6+s2] =	stream.indirect_vreg.scatter [tilespmem:s20], [sflag:$0x2], $0x80, v3, vm0, $0xb8;
	[tilespmem:$0x18080] =	vst v63  }
0x100: {  	s20 =	simm.s32 $0x13480  }
0x101: {  	[hbm4b:s10+s2] =	stream.indirect_vreg.scatter [tilespmem:s20], [sflag:$0x2], $0x80, v3, vm1, $0xb8;
	[tilespmem:$0x18080] =	vst v63  }
0x102: {  	v3 =	vld [tilespmem:$0x10];
	_ =	sdelay $0x4  }
0x103: {  	v45 =	vshrl.u32 v3, $0x3  }
0x104: {  	v4 =	vmul.u32 $0x18, v45  }
0x105: {  	v3 =	vand.u32 $0x7, v3  }
0x106: {  	v3 =	vor.u32 v3, v4  }
0x107: {  	v4 =	vperm.xlane v3, v0;
	_ =	sdelay $0x1  }
0x108: {  	v4 =	vadd.s32 v1, v4;
	_ =	sdelay $0x1  }
0x109: {  	v3 =	vperm.xlane v3, v2;
	_ =	sdelay $0x1  }
0x10a: {  	s20 =	simm.s32 $0x13880;
	v3 =	vadd.s32 v1, v3  }
0x10b: {  	[hbm4b:s6+s2] =	stream.indirect_vreg.scatter [tilespmem:s20], [sflag:$0x2], $0x80, v4, vm0, $0xb8;
	[tilespmem:$0x18080] =	vst v63  }
0x10c: {  	s20 =	simm.s32 $0x14080  }
0x10d: {  	[hbm4b:s10+s2] =	stream.indirect_vreg.scatter [tilespmem:s20], [sflag:$0x2], $0x80, v4, vm1, $0xb8;
	[tilespmem:$0x18080] =	vst v63  }
0x10e: {  	s20 =	simm.s32 $0x14480  }
0x10f: {  	[hbm4b:s6+s2] =	stream.indirect_vreg.scatter [tilespmem:s20], [sflag:$0x2], $0x80, v3, vm0, $0xb8;
	[tilespmem:$0x18080] =	vst v63  }
0x110: {  	s20 =	simm.s32 $0x14C80  }
0x111: {  	[hbm4b:s10+s2] =	stream.indirect_vreg.scatter [tilespmem:s20], [sflag:$0x2], $0x80, v3, vm1, $0xb8;
	[tilespmem:$0x18080] =	vst v63  }
0x112: {  	v3 =	vld [tilespmem:$0x20];
	_ =	sdelay $0x4  }
0x113: {  	v46 =	vshrl.u32 v3, $0x3  }
0x114: {  	v4 =	vmul.u32 $0x18, v46  }
0x115: {  	v3 =	vand.u32 $0x7, v3  }
0x116: {  	v3 =	vor.u32 v3, v4  }
0x117: {  	v4 =	vperm.xlane v3, v0;
	_ =	sdelay $0x1  }
0x118: {  	v4 =	vadd.s32 v1, v4;
	_ =	sdelay $0x1  }
0x119: {  	v3 =	vperm.xlane v3, v2;
	_ =	sdelay $0x1  }
0x11a: {  	s20 =	simm.s32 $0x15080;
	v3 =	vadd.s32 v1, v3  }
0x11b: {  	[hbm4b:s6+s2] =	stream.indirect_vreg.scatter [tilespmem:s20], [sflag:$0x2], $0x80, v4, vm0, $0xb8;
	[tilespmem:$0x18080] =	vst v63  }
0x11c: {  	s20 =	simm.s32 $0x15880  }
0x11d: {  	[hbm4b:s10+s2] =	stream.indirect_vreg.scatter [tilespmem:s20], [sflag:$0x2], $0x80, v4, vm1, $0xb8;
	[tilespmem:$0x18080] =	vst v63  }
0x11e: {  	s20 =	simm.s32 $0x15C80  }
0x11f: {  	[hbm4b:s6+s2] =	stream.indirect_vreg.scatter [tilespmem:s20], [sflag:$0x2], $0x80, v3, vm0, $0xb8;
	[tilespmem:$0x18080] =	vst v63  }
0x120: {  	s20 =	simm.s32 $0x16480  }
0x121: {  	[hbm4b:s10+s2] =	stream.indirect_vreg.scatter [tilespmem:s20], [sflag:$0x2], $0x80, v3, vm1, $0xb8;
	[tilespmem:$0x18080] =	vst v63  }
0x122: {  	v3 =	vld [tilespmem:$0x30];
	_ =	sdelay $0x4  }
0x123: {  	v47 =	vshrl.u32 v3, $0x3  }
0x124: {  	v4 =	vmul.u32 $0x18, v47  }
0x125: {  	v3 =	vand.u32 $0x7, v3  }
0x126: {  	v3 =	vor.u32 v3, v4  }
0x127: {  	v4 =	vperm.xlane v3, v0;
	_ =	sdelay $0x1  }
0x128: {  	v4 =	vadd.s32 v1, v4;
	_ =	sdelay $0x1  }
0x129: {  	v3 =	vperm.xlane v3, v2;
	_ =	sdelay $0x1  }
0x12a: {  	s20 =	simm.s32 $0x16880;
	v3 =	vadd.s32 v1, v3  }
0x12b: {  	[hbm4b:s6+s2] =	stream.indirect_vreg.scatter [tilespmem:s20], [sflag:$0x2], $0x80, v4, vm0, $0xb8;
	[tilespmem:$0x18080] =	vst v63  }
0x12c: {  	s20 =	simm.s32 $0x17080  }
0x12d: {  	[hbm4b:s10+s2] =	stream.indirect_vreg.scatter [tilespmem:s20], [sflag:$0x2], $0x80, v4, vm1, $0xb8;
	[tilespmem:$0x18080] =	vst v63  }
0x12e: {  	s20 =	simm.s32 $0x17480  }
0x12f: {  	[hbm4b:s6+s2] =	stream.indirect_vreg.scatter [tilespmem:s20], [sflag:$0x2], $0x80, v3, vm0, $0xb8;
	[tilespmem:$0x18080] =	vst v63  }
0x130: {  	s20 =	simm.s32 $0x17C80  }
0x131: {  	[hbm4b:s10+s2] =	stream.indirect_vreg.scatter [tilespmem:s20], [sflag:$0x2], $0x80, v3, vm1, $0xb8;
	[tilespmem:$0x18080] =	vst v63  }
0x132: {  	_ =	swait.ge [sflag:s18], $0x6000  }
0x133: {  	[sflag:s18] =	ssyncset.done $0x0  }
0x134: {  	[sflag:s18] =	ssyncadd.s32 $0xFFFFA000  }
0x135: {  	_ =	swait.ge [sflag:s18], $0x6000  }
0x136: {  	[sflag:s18] =	ssyncset.done $0x0  }
0x137: {  	[sflag:s18] =	ssyncadd.s32 $0xFFFFA000  }
0x138: {  	_ =	swait.ge [sflag:s18], $0x6000  }
0x139: {  	[sflag:s18] =	ssyncset.done $0x0  }
0x13a: {  	[sflag:s18] =	ssyncadd.s32 $0xFFFFA000  }
0x13b: {  	_ =	swait.ge [sflag:s18], $0x6000  }
0x13c: {  	[sflag:s18] =	ssyncset.done $0x0  }
0x13d: {  	s20 =	rddreg [dreg:$0xb];
	[sflag:s18] =	ssyncadd.s32 $0xFFFFA000  }
0x13e: {  	[tilespmem:s2], [sflag:$0x3] =	stream.linear.gather [hbm4b:s20+s2], $0x40, $0x38;
	[tilespmem:$0x18080] =	vst v63  }
0x13f: {  	_ =	swait.ge [sflag:s0], $0x40  }
0x140: {  	[sflag:s0] =	ssyncset.done $0x0  }
0x141: {  	s20 =	rddreg [dreg:$0xc];
	[sflag:s0] =	ssyncadd.s32 $0xFFFFFFC0  }
0x142: {  	[tilespmem:s14], [sflag:$0x1] =	stream.linear.gather [hbm4b:s20+s2], $0x6000, $0x38;
	[tilespmem:$0x18080] =	vst v63  }
0x143: {  	s0 =	rddreg [dreg:$0xd]  }
0x144: {  	[tilespmem:s15], [sflag:$0x1] =	stream.linear.gather [hbm4b:s0+s2], $0x6000, $0x38;
	[tilespmem:$0x18080] =	vst v63  }
0x145: {  	s19 =	rddreg [dreg:$0xe]  }
0x146: {  	[tilespmem:s16], [sflag:$0x1] =	stream.linear.gather [hbm4b:s19+s2], $0x6000, $0x38;
	[tilespmem:$0x18080] =	vst v63  }
0x147: {  	s0 =	rddreg [dreg:$0xf]  }
0x148: {  	[tilespmem:s12], [sflag:$0x1] =	stream.linear.gather [hbm4b:s0+s2], $0x6000, $0x38;
	[tilespmem:$0x18080] =	vst v63  }
0x149: {  	_ =	swait.ge [sflag:s17], $0x6000  }
0x14a: {  	[sflag:s17] =	ssyncset.done $0x0  }
0x14b: {  	[sflag:s17] =	ssyncadd.s32 $0xFFFFA000  }
0x14c: {  	v3 =	vld [tilespmem:$0x0];
	_ =	sdelay $0x4  }
0x14d: {  	v48 =	vshrl.u32 v3, $0x3  }
0x14e: {  	v4 =	vmul.u32 $0x18, v48  }
0x14f: {  	v3 =	vand.u32 $0x7, v3  }
0x150: {  	v3 =	vor.u32 v3, v4  }
0x151: {  	v4 =	vperm.xlane v3, v0;
	_ =	sdelay $0x1  }
0x152: {  	v4 =	vadd.s32 v1, v4;
	_ =	sdelay $0x1  }
0x153: {  	v3 =	vperm.xlane v3, v2;
	_ =	sdelay $0x1  }
0x154: {  	v3 =	vadd.s32 v1, v3  }
0x155: {  	[hbm4b:s3+s2] =	stream.indirect_vreg.scatter [tilespmem:s14], [sflag:$0x2], $0x80, v4, vm0, $0xb8;
	[tilespmem:$0x18080] =	vst v63  }
0x156: {  	_ = 	snop  }
0x157: {  	[hbm4b:s7+s2] =	stream.indirect_vreg.scatter [tilespmem:s21], [sflag:$0x2], $0x80, v4, vm1, $0xb8;
	[tilespmem:$0x18080] =	vst v63  }
0x158: {  	_ = 	snop  }
0x159: {  	[hbm4b:s3+s2] =	stream.indirect_vreg.scatter [tilespmem:s22], [sflag:$0x2], $0x80, v3, vm0, $0xb8;
	[tilespmem:$0x18080] =	vst v63  }
0x15a: {  	_ = 	snop  }
0x15b: {  	[hbm4b:s7+s2] =	stream.indirect_vreg.scatter [tilespmem:s23], [sflag:$0x2], $0x80, v3, vm1, $0xb8;
	[tilespmem:$0x18080] =	vst v63  }
0x15c: {  	v3 =	vld [tilespmem:$0x10];
	_ =	sdelay $0x4  }
0x15d: {  	v49 =	vshrl.u32 v3, $0x3  }
0x15e: {  	v4 =	vmul.u32 $0x18, v49  }
0x15f: {  	v3 =	vand.u32 $0x7, v3  }
0x160: {  	v3 =	vor.u32 v3, v4  }
0x161: {  	v4 =	vperm.xlane v3, v0;
	_ =	sdelay $0x1  }
0x162: {  	v4 =	vadd.s32 v1, v4;
	_ =	sdelay $0x1  }
0x163: {  	v3 =	vperm.xlane v3, v2;
	_ =	sdelay $0x1  }
0x164: {  	v3 =	vadd.s32 v1, v3  }
0x165: {  	[hbm4b:s3+s2] =	stream.indirect_vreg.scatter [tilespmem:s24], [sflag:$0x2], $0x80, v4, vm0, $0xb8;
	[tilespmem:$0x18080] =	vst v63  }
0x166: {  	_ = 	snop  }
0x167: {  	[hbm4b:s7+s2] =	stream.indirect_vreg.scatter [tilespmem:s25], [sflag:$0x2], $0x80, v4, vm1, $0xb8;
	[tilespmem:$0x18080] =	vst v63  }
0x168: {  	_ = 	snop  }
0x169: {  	[hbm4b:s3+s2] =	stream.indirect_vreg.scatter [tilespmem:s26], [sflag:$0x2], $0x80, v3, vm0, $0xb8;
	[tilespmem:$0x18080] =	vst v63  }
0x16a: {  	_ = 	snop  }
0x16b: {  	[hbm4b:s7+s2] =	stream.indirect_vreg.scatter [tilespmem:s28], [sflag:$0x2], $0x80, v3, vm1, $0xb8;
	[tilespmem:$0x18080] =	vst v63  }
0x16c: {  	v3 =	vld [tilespmem:$0x20];
	_ =	sdelay $0x4  }
0x16d: {  	v50 =	vshrl.u32 v3, $0x3  }
0x16e: {  	v4 =	vmul.u32 $0x18, v50  }
0x16f: {  	v3 =	vand.u32 $0x7, v3  }
0x170: {  	v3 =	vor.u32 v3, v4  }
0x171: {  	v4 =	vperm.xlane v3, v0;
	_ =	sdelay $0x1  }
0x172: {  	v4 =	vadd.s32 v1, v4;
	_ =	sdelay $0x1  }
0x173: {  	v3 =	vperm.xlane v3, v2;
	_ =	sdelay $0x1  }
0x174: {  	v3 =	vadd.s32 v1, v3  }
0x175: {  	[hbm4b:s3+s2] =	stream.indirect_vreg.scatter [tilespmem:s29], [sflag:$0x2], $0x80, v4, vm0, $0xb8;
	[tilespmem:$0x18080] =	vst v63  }
0x176: {  	_ = 	snop  }
0x177: {  	[hbm4b:s7+s2] =	stream.indirect_vreg.scatter [tilespmem:s30], [sflag:$0x2], $0x80, v4, vm1, $0xb8;
	[tilespmem:$0x18080] =	vst v63  }
0x178: {  	_ = 	snop  }
0x179: {  	[hbm4b:s3+s2] =	stream.indirect_vreg.scatter [tilespmem:s31], [sflag:$0x2], $0x80, v3, vm0, $0xb8;
	[tilespmem:$0x18080] =	vst v63  }
0x17a: {  	s20 =	simm.s32 $0x4480  }
0x17b: {  	[hbm4b:s7+s2] =	stream.indirect_vreg.scatter [tilespmem:s20], [sflag:$0x2], $0x80, v3, vm1, $0xb8;
	[tilespmem:$0x18080] =	vst v63  }
0x17c: {  	v3 =	vld [tilespmem:$0x30];
	_ =	sdelay $0x4  }
0x17d: {  	v51 =	vshrl.u32 v3, $0x3  }
0x17e: {  	v4 =	vmul.u32 $0x18, v51  }
0x17f: {  	v3 =	vand.u32 $0x7, v3  }
0x180: {  	v3 =	vor.u32 v3, v4  }
0x181: {  	v4 =	vperm.xlane v3, v0;
	_ =	sdelay $0x1  }
0x182: {  	v4 =	vadd.s32 v1, v4;
	_ =	sdelay $0x1  }
0x183: {  	v3 =	vperm.xlane v3, v2;
	_ =	sdelay $0x1  }
0x184: {  	v3 =	vadd.s32 v1, v3  }
0x185: {  	[hbm4b:s3+s2] =	stream.indirect_vreg.scatter [tilespmem:s1], [sflag:$0x2], $0x80, v4, vm0, $0xb8;
	[tilespmem:$0x18080] =	vst v63  }
0x186: {  	_ = 	snop  }
0x187: {  	[hbm4b:s7+s2] =	stream.indirect_vreg.scatter [tilespmem:s13], [sflag:$0x2], $0x80, v4, vm1, $0xb8;
	[tilespmem:$0x18080] =	vst v63  }
0x188: {  	s19 =	simm.s32 $0x5480  }
0x189: {  	[hbm4b:s3+s2] =	stream.indirect_vreg.scatter [tilespmem:s19], [sflag:$0x2], $0x80, v3, vm0, $0xb8;
	[tilespmem:$0x18080] =	vst v63  }
0x18a: {  	s20 =	simm.s32 $0x5C80  }
0x18b: {  	[hbm4b:s7+s2] =	stream.indirect_vreg.scatter [tilespmem:s20], [sflag:$0x2], $0x80, v3, vm1, $0xb8;
	[tilespmem:$0x18080] =	vst v63  }
0x18c: {  	_ =	swait.ge [sflag:s17], $0x6000  }
0x18d: {  	[sflag:s17] =	ssyncset.done $0x0  }
0x18e: {  	[sflag:s17] =	ssyncadd.s32 $0xFFFFA000  }
0x18f: {  	v3 =	vld [tilespmem:$0x0];
	_ =	sdelay $0x4  }
0x190: {  	v52 =	vshrl.u32 v3, $0x3  }
0x191: {  	v4 =	vmul.u32 $0x18, v52  }
0x192: {  	v3 =	vand.u32 $0x7, v3  }
0x193: {  	v3 =	vor.u32 v3, v4  }
0x194: {  	v4 =	vperm.xlane v3, v0;
	_ =	sdelay $0x1  }
0x195: {  	v4 =	vadd.s32 v1, v4;
	_ =	sdelay $0x1  }
0x196: {  	v3 =	vperm.xlane v3, v2;
	_ =	sdelay $0x1  }
0x197: {  	v3 =	vadd.s32 v1, v3  }
0x198: {  	[hbm4b:s4+s2] =	stream.indirect_vreg.scatter [tilespmem:s15], [sflag:$0x2], $0x80, v4, vm0, $0xb8;
	[tilespmem:$0x18080] =	vst v63  }
0x199: {  	s1 =	simm.s32 $0x6880  }
0x19a: {  	[hbm4b:s8+s2] =	stream.indirect_vreg.scatter [tilespmem:s1], [sflag:$0x2], $0x80, v4, vm1, $0xb8;
	[tilespmem:$0x18080] =	vst v63  }
0x19b: {  	s19 =	simm.s32 $0x6C80  }
0x19c: {  	[hbm4b:s4+s2] =	stream.indirect_vreg.scatter [tilespmem:s19], [sflag:$0x2], $0x80, v3, vm0, $0xb8;
	[tilespmem:$0x18080] =	vst v63  }
0x19d: {  	s20 =	simm.s32 $0x7480  }
0x19e: {  	[hbm4b:s8+s2] =	stream.indirect_vreg.scatter [tilespmem:s20], [sflag:$0x2], $0x80, v3, vm1, $0xb8;
	[tilespmem:$0x18080] =	vst v63  }
0x19f: {  	v3 =	vld [tilespmem:$0x10];
	_ =	sdelay $0x4  }
0x1a0: {  	v53 =	vshrl.u32 v3, $0x3  }
0x1a1: {  	v4 =	vmul.u32 $0x18, v53  }
0x1a2: {  	v3 =	vand.u32 $0x7, v3  }
0x1a3: {  	v3 =	vor.u32 v3, v4  }
0x1a4: {  	v4 =	vperm.xlane v3, v0;
	_ =	sdelay $0x1  }
0x1a5: {  	v4 =	vadd.s32 v1, v4;
	_ =	sdelay $0x1  }
0x1a6: {  	v3 =	vperm.xlane v3, v2;
	_ =	sdelay $0x1  }
0x1a7: {  	s1 =	simm.s32 $0x7880;
	v3 =	vadd.s32 v1, v3  }
0x1a8: {  	[hbm4b:s4+s2] =	stream.indirect_vreg.scatter [tilespmem:s1], [sflag:$0x2], $0x80, v4, vm0, $0xb8;
	[tilespmem:$0x18080] =	vst v63  }
0x1a9: {  	s19 =	simm.s32 $0x8080  }
0x1aa: {  	[hbm4b:s8+s2] =	stream.indirect_vreg.scatter [tilespmem:s19], [sflag:$0x2], $0x80, v4, vm1, $0xb8;
	[tilespmem:$0x18080] =	vst v63  }
0x1ab: {  	s20 =	simm.s32 $0x8480  }
0x1ac: {  	[hbm4b:s4+s2] =	stream.indirect_vreg.scatter [tilespmem:s20], [sflag:$0x2], $0x80, v3, vm0, $0xb8;
	[tilespmem:$0x18080] =	vst v63  }
0x1ad: {  	s1 =	simm.s32 $0x8C80  }
0x1ae: {  	[hbm4b:s8+s2] =	stream.indirect_vreg.scatter [tilespmem:s1], [sflag:$0x2], $0x80, v3, vm1, $0xb8;
	[tilespmem:$0x18080] =	vst v63  }
0x1af: {  	v3 =	vld [tilespmem:$0x20];
	_ =	sdelay $0x4  }
0x1b0: {  	v54 =	vshrl.u32 v3, $0x3  }
0x1b1: {  	v4 =	vmul.u32 $0x18, v54  }
0x1b2: {  	v3 =	vand.u32 $0x7, v3  }
0x1b3: {  	v3 =	vor.u32 v3, v4  }
0x1b4: {  	v4 =	vperm.xlane v3, v0;
	_ =	sdelay $0x1  }
0x1b5: {  	v4 =	vadd.s32 v1, v4;
	_ =	sdelay $0x1  }
0x1b6: {  	v3 =	vperm.xlane v3, v2;
	_ =	sdelay $0x1  }
0x1b7: {  	s19 =	simm.s32 $0x9080;
	v3 =	vadd.s32 v1, v3  }
0x1b8: {  	[hbm4b:s4+s2] =	stream.indirect_vreg.scatter [tilespmem:s19], [sflag:$0x2], $0x80, v4, vm0, $0xb8;
	[tilespmem:$0x18080] =	vst v63  }
0x1b9: {  	s20 =	simm.s32 $0x9880  }
0x1ba: {  	[hbm4b:s8+s2] =	stream.indirect_vreg.scatter [tilespmem:s20], [sflag:$0x2], $0x80, v4, vm1, $0xb8;
	[tilespmem:$0x18080] =	vst v63  }
0x1bb: {  	s1 =	simm.s32 $0x9C80  }
0x1bc: {  	[hbm4b:s4+s2] =	stream.indirect_vreg.scatter [tilespmem:s1], [sflag:$0x2], $0x80, v3, vm0, $0xb8;
	[tilespmem:$0x18080] =	vst v63  }
0x1bd: {  	s19 =	simm.s32 $0xA480  }
0x1be: {  	[hbm4b:s8+s2] =	stream.indirect_vreg.scatter [tilespmem:s19], [sflag:$0x2], $0x80, v3, vm1, $0xb8;
	[tilespmem:$0x18080] =	vst v63  }
0x1bf: {  	v3 =	vld [tilespmem:$0x30];
	_ =	sdelay $0x4  }
0x1c0: {  	v55 =	vshrl.u32 v3, $0x3  }
0x1c1: {  	v4 =	vmul.u32 $0x18, v55  }
0x1c2: {  	v3 =	vand.u32 $0x7, v3  }
0x1c3: {  	v3 =	vor.u32 v3, v4  }
0x1c4: {  	v4 =	vperm.xlane v3, v0;
	_ =	sdelay $0x1  }
0x1c5: {  	v4 =	vadd.s32 v1, v4;
	_ =	sdelay $0x1  }
0x1c6: {  	v3 =	vperm.xlane v3, v2;
	_ =	sdelay $0x1  }
0x1c7: {  	s20 =	simm.s32 $0xA880;
	v3 =	vadd.s32 v1, v3  }
0x1c8: {  	[hbm4b:s4+s2] =	stream.indirect_vreg.scatter [tilespmem:s20], [sflag:$0x2], $0x80, v4, vm0, $0xb8;
	[tilespmem:$0x18080] =	vst v63  }
0x1c9: {  	s1 =	simm.s32 $0xB080  }
0x1ca: {  	[hbm4b:s8+s2] =	stream.indirect_vreg.scatter [tilespmem:s1], [sflag:$0x2], $0x80, v4, vm1, $0xb8;
	[tilespmem:$0x18080] =	vst v63  }
0x1cb: {  	s19 =	simm.s32 $0xB480  }
0x1cc: {  	[hbm4b:s4+s2] =	stream.indirect_vreg.scatter [tilespmem:s19], [sflag:$0x2], $0x80, v3, vm0, $0xb8;
	[tilespmem:$0x18080] =	vst v63  }
0x1cd: {  	s20 =	simm.s32 $0xBC80  }
0x1ce: {  	[hbm4b:s8+s2] =	stream.indirect_vreg.scatter [tilespmem:s20], [sflag:$0x2], $0x80, v3, vm1, $0xb8;
	[tilespmem:$0x18080] =	vst v63  }
0x1cf: {  	_ =	swait.ge [sflag:s17], $0x6000  }
0x1d0: {  	[sflag:s17] =	ssyncset.done $0x0  }
0x1d1: {  	[sflag:s17] =	ssyncadd.s32 $0xFFFFA000  }
0x1d2: {  	v3 =	vld [tilespmem:$0x0];
	_ =	sdelay $0x4  }
0x1d3: {  	v56 =	vshrl.u32 v3, $0x3  }
0x1d4: {  	v4 =	vmul.u32 $0x18, v56  }
0x1d5: {  	v3 =	vand.u32 $0x7, v3  }
0x1d6: {  	v3 =	vor.u32 v3, v4  }
0x1d7: {  	v4 =	vperm.xlane v3, v0;
	_ =	sdelay $0x1  }
0x1d8: {  	v4 =	vadd.s32 v1, v4;
	_ =	sdelay $0x1  }
0x1d9: {  	v3 =	vperm.xlane v3, v2;
	_ =	sdelay $0x1  }
0x1da: {  	v3 =	vadd.s32 v1, v3  }
0x1db: {  	[hbm4b:s5+s2] =	stream.indirect_vreg.scatter [tilespmem:s16], [sflag:$0x2], $0x80, v4, vm0, $0xb8;
	[tilespmem:$0x18080] =	vst v63  }
0x1dc: {  	s1 =	simm.s32 $0xC880  }
0x1dd: {  	[hbm4b:s9+s2] =	stream.indirect_vreg.scatter [tilespmem:s1], [sflag:$0x2], $0x80, v4, vm1, $0xb8;
	[tilespmem:$0x18080] =	vst v63  }
0x1de: {  	s19 =	simm.s32 $0xCC80  }
0x1df: {  	[hbm4b:s5+s2] =	stream.indirect_vreg.scatter [tilespmem:s19], [sflag:$0x2], $0x80, v3, vm0, $0xb8;
	[tilespmem:$0x18080] =	vst v63  }
0x1e0: {  	s20 =	simm.s32 $0xD480  }
0x1e1: {  	[hbm4b:s9+s2] =	stream.indirect_vreg.scatter [tilespmem:s20], [sflag:$0x2], $0x80, v3, vm1, $0xb8;
	[tilespmem:$0x18080] =	vst v63  }
0x1e2: {  	v3 =	vld [tilespmem:$0x10];
	_ =	sdelay $0x4  }
0x1e3: {  	v57 =	vshrl.u32 v3, $0x3  }
0x1e4: {  	v4 =	vmul.u32 $0x18, v57  }
0x1e5: {  	v3 =	vand.u32 $0x7, v3  }
0x1e6: {  	v3 =	vor.u32 v3, v4  }
0x1e7: {  	v4 =	vperm.xlane v3, v0;
	_ =	sdelay $0x1  }
0x1e8: {  	v4 =	vadd.s32 v1, v4;
	_ =	sdelay $0x1  }
0x1e9: {  	v3 =	vperm.xlane v3, v2;
	_ =	sdelay $0x1  }
0x1ea: {  	s1 =	simm.s32 $0xD880;
	v3 =	vadd.s32 v1, v3  }
0x1eb: {  	[hbm4b:s5+s2] =	stream.indirect_vreg.scatter [tilespmem:s1], [sflag:$0x2], $0x80, v4, vm0, $0xb8;
	[tilespmem:$0x18080] =	vst v63  }
0x1ec: {  	s19 =	simm.s32 $0xE080  }
0x1ed: {  	[hbm4b:s9+s2] =	stream.indirect_vreg.scatter [tilespmem:s19], [sflag:$0x2], $0x80, v4, vm1, $0xb8;
	[tilespmem:$0x18080] =	vst v63  }
0x1ee: {  	s20 =	simm.s32 $0xE480  }
0x1ef: {  	[hbm4b:s5+s2] =	stream.indirect_vreg.scatter [tilespmem:s20], [sflag:$0x2], $0x80, v3, vm0, $0xb8;
	[tilespmem:$0x18080] =	vst v63  }
0x1f0: {  	s1 =	simm.s32 $0xEC80  }
0x1f1: {  	[hbm4b:s9+s2] =	stream.indirect_vreg.scatter [tilespmem:s1], [sflag:$0x2], $0x80, v3, vm1, $0xb8;
	[tilespmem:$0x18080] =	vst v63  }
0x1f2: {  	v3 =	vld [tilespmem:$0x20];
	_ =	sdelay $0x4  }
0x1f3: {  	v58 =	vshrl.u32 v3, $0x3  }
0x1f4: {  	v4 =	vmul.u32 $0x18, v58  }
0x1f5: {  	v3 =	vand.u32 $0x7, v3  }
0x1f6: {  	v3 =	vor.u32 v3, v4  }
0x1f7: {  	v4 =	vperm.xlane v3, v0;
	_ =	sdelay $0x1  }
0x1f8: {  	v4 =	vadd.s32 v1, v4;
	_ =	sdelay $0x1  }
0x1f9: {  	v3 =	vperm.xlane v3, v2;
	_ =	sdelay $0x1  }
0x1fa: {  	s19 =	simm.s32 $0xF080;
	v3 =	vadd.s32 v1, v3  }
0x1fb: {  	[hbm4b:s5+s2] =	stream.indirect_vreg.scatter [tilespmem:s19], [sflag:$0x2], $0x80, v4, vm0, $0xb8;
	[tilespmem:$0x18080] =	vst v63  }
0x1fc: {  	s20 =	simm.s32 $0xF880  }
0x1fd: {  	[hbm4b:s9+s2] =	stream.indirect_vreg.scatter [tilespmem:s20], [sflag:$0x2], $0x80, v4, vm1, $0xb8;
	[tilespmem:$0x18080] =	vst v63  }
0x1fe: {  	s1 =	simm.s32 $0xFC80  }
0x1ff: {  	[hbm4b:s5+s2] =	stream.indirect_vreg.scatter [tilespmem:s1], [sflag:$0x2], $0x80, v3, vm0, $0xb8;
	[tilespmem:$0x18080] =	vst v63  }
0x200: {  	s19 =	simm.s32 $0x10480  }
0x201: {  	[hbm4b:s9+s2] =	stream.indirect_vreg.scatter [tilespmem:s19], [sflag:$0x2], $0x80, v3, vm1, $0xb8;
	[tilespmem:$0x18080] =	vst v63  }
0x202: {  	v3 =	vld [tilespmem:$0x30];
	_ =	sdelay $0x4  }
0x203: {  	v59 =	vshrl.u32 v3, $0x3  }
0x204: {  	v4 =	vmul.u32 $0x18, v59  }
0x205: {  	v3 =	vand.u32 $0x7, v3  }
0x206: {  	v3 =	vor.u32 v3, v4  }
0x207: {  	v4 =	vperm.xlane v3, v0;
	_ =	sdelay $0x1  }
0x208: {  	v4 =	vadd.s32 v1, v4;
	_ =	sdelay $0x1  }
0x209: {  	v3 =	vperm.xlane v3, v2;
	_ =	sdelay $0x1  }
0x20a: {  	s20 =	simm.s32 $0x10880;
	v3 =	vadd.s32 v1, v3  }
0x20b: {  	[hbm4b:s5+s2] =	stream.indirect_vreg.scatter [tilespmem:s20], [sflag:$0x2], $0x80, v4, vm0, $0xb8;
	[tilespmem:$0x18080] =	vst v63  }
0x20c: {  	s1 =	simm.s32 $0x11080  }
0x20d: {  	[hbm4b:s9+s2] =	stream.indirect_vreg.scatter [tilespmem:s1], [sflag:$0x2], $0x80, v4, vm1, $0xb8;
	[tilespmem:$0x18080] =	vst v63  }
0x20e: {  	s19 =	simm.s32 $0x11480  }
0x20f: {  	[hbm4b:s5+s2] =	stream.indirect_vreg.scatter [tilespmem:s19], [sflag:$0x2], $0x80, v3, vm0, $0xb8;
	[tilespmem:$0x18080] =	vst v63  }
0x210: {  	s20 =	simm.s32 $0x11C80  }
0x211: {  	[hbm4b:s9+s2] =	stream.indirect_vreg.scatter [tilespmem:s20], [sflag:$0x2], $0x80, v3, vm1, $0xb8;
	[tilespmem:$0x18080] =	vst v63  }
0x212: {  	_ =	swait.ge [sflag:s17], $0x6000  }
0x213: {  	[sflag:s17] =	ssyncset.done $0x0  }
0x214: {  	[sflag:s17] =	ssyncadd.s32 $0xFFFFA000  }
0x215: {  	v3 =	vld [tilespmem:$0x0];
	_ =	sdelay $0x4  }
0x216: {  	v60 =	vshrl.u32 v3, $0x3  }
0x217: {  	v4 =	vmul.u32 $0x18, v60  }
0x218: {  	v3 =	vand.u32 $0x7, v3  }
0x219: {  	v3 =	vor.u32 v3, v4  }
0x21a: {  	v4 =	vperm.xlane v3, v0;
	_ =	sdelay $0x1  }
0x21b: {  	v4 =	vadd.s32 v1, v4;
	_ =	sdelay $0x1  }
0x21c: {  	v3 =	vperm.xlane v3, v2;
	_ =	sdelay $0x1  }
0x21d: {  	v3 =	vadd.s32 v1, v3  }
0x21e: {  	[hbm4b:s6+s2] =	stream.indirect_vreg.scatter [tilespmem:s12], [sflag:$0x2], $0x80, v4, vm0, $0xb8;
	[tilespmem:$0x18080] =	vst v63  }
0x21f: {  	s1 =	simm.s32 $0x12880  }
0x220: {  	[hbm4b:s10+s2] =	stream.indirect_vreg.scatter [tilespmem:s1], [sflag:$0x2], $0x80, v4, vm1, $0xb8;
	[tilespmem:$0x18080] =	vst v63  }
0x221: {  	s19 =	simm.s32 $0x12C80  }
0x222: {  	[hbm4b:s6+s2] =	stream.indirect_vreg.scatter [tilespmem:s19], [sflag:$0x2], $0x80, v3, vm0, $0xb8;
	[tilespmem:$0x18080] =	vst v63  }
0x223: {  	s20 =	simm.s32 $0x13480  }
0x224: {  	[hbm4b:s10+s2] =	stream.indirect_vreg.scatter [tilespmem:s20], [sflag:$0x2], $0x80, v3, vm1, $0xb8;
	[tilespmem:$0x18080] =	vst v63  }
0x225: {  	v3 =	vld [tilespmem:$0x10];
	_ =	sdelay $0x4  }
0x226: {  	v61 =	vshrl.u32 v3, $0x3  }
0x227: {  	v4 =	vmul.u32 $0x18, v61  }
0x228: {  	v3 =	vand.u32 $0x7, v3  }
0x229: {  	v3 =	vor.u32 v3, v4  }
0x22a: {  	v4 =	vperm.xlane v3, v0;
	_ =	sdelay $0x1  }
0x22b: {  	v4 =	vadd.s32 v1, v4;
	_ =	sdelay $0x1  }
0x22c: {  	v3 =	vperm.xlane v3, v2;
	_ =	sdelay $0x1  }
0x22d: {  	s1 =	simm.s32 $0x13880;
	v3 =	vadd.s32 v1, v3  }
0x22e: {  	[hbm4b:s6+s2] =	stream.indirect_vreg.scatter [tilespmem:s1], [sflag:$0x2], $0x80, v4, vm0, $0xb8;
	[tilespmem:$0x18080] =	vst v63  }
0x22f: {  	s19 =	simm.s32 $0x14080  }
0x230: {  	[hbm4b:s10+s2] =	stream.indirect_vreg.scatter [tilespmem:s19], [sflag:$0x2], $0x80, v4, vm1, $0xb8;
	[tilespmem:$0x18080] =	vst v63  }
0x231: {  	s20 =	simm.s32 $0x14480  }
0x232: {  	[hbm4b:s6+s2] =	stream.indirect_vreg.scatter [tilespmem:s20], [sflag:$0x2], $0x80, v3, vm0, $0xb8;
	[tilespmem:$0x18080] =	vst v63  }
0x233: {  	s1 =	simm.s32 $0x14C80  }
0x234: {  	[hbm4b:s10+s2] =	stream.indirect_vreg.scatter [tilespmem:s1], [sflag:$0x2], $0x80, v3, vm1, $0xb8;
	[tilespmem:$0x18080] =	vst v63  }
0x235: {  	v3 =	vld [tilespmem:$0x20];
	_ =	sdelay $0x4  }
0x236: {  	v62 =	vshrl.u32 v3, $0x3  }
0x237: {  	v4 =	vmul.u32 $0x18, v62  }
0x238: {  	v3 =	vand.u32 $0x7, v3  }
0x239: {  	v3 =	vor.u32 v3, v4  }
0x23a: {  	v4 =	vperm.xlane v3, v0;
	_ =	sdelay $0x1  }
0x23b: {  	v4 =	vadd.s32 v1, v4;
	_ =	sdelay $0x1  }
0x23c: {  	v3 =	vperm.xlane v3, v2;
	_ =	sdelay $0x1  }
0x23d: {  	s19 =	simm.s32 $0x15080;
	v3 =	vadd.s32 v1, v3  }
0x23e: {  	[hbm4b:s6+s2] =	stream.indirect_vreg.scatter [tilespmem:s19], [sflag:$0x2], $0x80, v4, vm0, $0xb8;
	[tilespmem:$0x18080] =	vst v63  }
0x23f: {  	s20 =	simm.s32 $0x15880  }
0x240: {  	[hbm4b:s10+s2] =	stream.indirect_vreg.scatter [tilespmem:s20], [sflag:$0x2], $0x80, v4, vm1, $0xb8;
	[tilespmem:$0x18080] =	vst v63  }
0x241: {  	s1 =	simm.s32 $0x15C80  }
0x242: {  	[hbm4b:s6+s2] =	stream.indirect_vreg.scatter [tilespmem:s1], [sflag:$0x2], $0x80, v3, vm0, $0xb8;
	[tilespmem:$0x18080] =	vst v63  }
0x243: {  	s19 =	simm.s32 $0x16480  }
0x244: {  	[hbm4b:s10+s2] =	stream.indirect_vreg.scatter [tilespmem:s19], [sflag:$0x2], $0x80, v3, vm1, $0xb8;
	[tilespmem:$0x18080] =	vst v63  }
0x245: {  	v3 =	vld [tilespmem:$0x30];
	_ =	sdelay $0x4  }
0x246: {  	v63 =	vshrl.u32 v3, $0x3  }
0x247: {  	v4 =	vmul.u32 $0x18, v63  }
0x248: {  	v3 =	vand.u32 $0x7, v3  }
0x249: {  	v3 =	vor.u32 v3, v4  }
0x24a: {  	v4 =	vperm.xlane v3, v0;
	_ =	sdelay $0x1  }
0x24b: {  	v4 =	vadd.s32 v1, v4;
	_ =	sdelay $0x1  }
0x24c: {  	v3 =	vperm.xlane v3, v2;
	_ =	sdelay $0x1  }
0x24d: {  	s20 =	simm.s32 $0x16880;
	v3 =	vadd.s32 v1, v3  }
0x24e: {  	[hbm4b:s6+s2] =	stream.indirect_vreg.scatter [tilespmem:s20], [sflag:$0x2], $0x80, v4, vm0, $0xb8;
	[tilespmem:$0x18080] =	vst v63  }
0x24f: {  	s1 =	simm.s32 $0x17080  }
0x250: {  	[hbm4b:s10+s2] =	stream.indirect_vreg.scatter [tilespmem:s1], [sflag:$0x2], $0x80, v4, vm1, $0xb8;
	[tilespmem:$0x18080] =	vst v63  }
0x251: {  	s19 =	simm.s32 $0x17480  }
0x252: {  	[hbm4b:s6+s2] =	stream.indirect_vreg.scatter [tilespmem:s19], [sflag:$0x2], $0x80, v3, vm0, $0xb8;
	[tilespmem:$0x18080] =	vst v63  }
0x253: {  	s20 =	simm.s32 $0x17C80  }
0x254: {  	[hbm4b:s10+s2] =	stream.indirect_vreg.scatter [tilespmem:s20], [sflag:$0x2], $0x80, v3, vm1, $0xb8;
	[tilespmem:$0x18080] =	vst v63  }
0x255: {  	_ =	swait.ge [sflag:s18], $0x6000  }
0x256: {  	[sflag:s18] =	ssyncset.done $0x0  }
0x257: {  	[sflag:s18] =	ssyncadd.s32 $0xFFFFA000  }
0x258: {  	_ =	swait.ge [sflag:s18], $0x6000  }
0x259: {  	[sflag:s18] =	ssyncset.done $0x0  }
0x25a: {  	[sflag:s18] =	ssyncadd.s32 $0xFFFFA000  }
0x25b: {  	p0 =	sne.s32 s11, $0x1;
	_ =	swait.ge [sflag:s18], $0x6000  }
.Ltmp0:
0x25c: {  	[sflag:s18] =	ssyncset.done $0x0;
	(pc) =	sbr.rel @p0 .LBB2_1-.Ltmp0, $4  }
0x25d: {  	[sflag:s18] =	ssyncadd.s32 $0xFFFFA000  }
0x25e: {  	_ =	swait.ge [sflag:s18], $0x6000  }
0x25f: {  	[sflag:s18] =	ssyncset.done $0x0  }
0x260: {  	s11 =	sadd.s32 $0xFFFFFFFF, s11;
	[sflag:s18] =	ssyncadd.s32 $0xFFFFA000  }
0x261: {  	_ =	sfence.sel $0x180000  }
0x262: {  	[bflag:$0x0] =	sbarrier.arrive $0xFFFF  }
0x263: {  	_ =	strace $0x9000004A  }
0x264: {  	s0 =	stileid.u32;
	[bflag:$0x2] =	sbarrier.arrive $0xFFFF  }
0x265: {  	p0 =	sne.s32 s0, $0x0;
	s0 =	rddreg [dreg:$0x5]  }
0x266: {  	s0 =	sadd.s32 @!p0 $0x100000, s0  }
0x267: {  	[sflag:s0] =	ssyncadd.tile.s32 @!p0 $0x1;
	_ =	shalt  }
.Lfunc_end2:
_tile_overlayer_lowered:
.L_overlay_start_2:
0x268: {  	(tag) =	ssettag $0x2  }
0x269: {  	s0 =	rddreg [dreg:$0x0];
	s2 =	stileid.u32  }
0x26a: {  	s1 =	rddreg [dreg:$0x1];
	p0 =	sne.s32 s2, $0x0  }
0x26b: {  	s3 =	rddreg [dreg:$0x2];
	[bflag:$0x3] =	sbarrier.arrive $0xFFFF;
	s2 =	simm.s32 @!p0 $0x1C03  }
0x26c: {  	[timem:s3], [sflag:s2] =	dma.local @!p0 [hbm:s0], s1  }
0x26d: {  	s0 =	simm.s32 @!p0 $0x3  }
0x26e: {  	_ =	swait.ge @!p0 [sflag:s0], s1  }
0x26f: {  	s1 =	ssub.s32 @!p0 $0x0, s1;
	[sflag:s0] =	ssyncset.done @!p0 $0x0  }
0x270: {  	[sflag:s0] =	ssyncadd.s32 @!p0 s1  }
0x271: {  	[bflag:$0x3] =	sbarrier.arrive $0xFFFF  }
0x272: {  	_ =	shalt  }

// kernel: kernel.7.cloned.1.call-start
scs
__scs_entry_jumppad:
0x0: {  	(pc) =	sbr.rel $0x88, $3  }
0x1: {  	(tag) =	ssettag $0x0;
	lr =	simm.s32 $0x1  }
0x2: {  	[smem:$0x3F94] =	sst lr;
	_ =	strace $0xD0000000  }
0x3: {  	_ = 	snop  }
0x4: {  	_ = 	snop  }
0x5: {  	_ = 	snop  }
0x6: {  	_ = 	snop  }
0x7: {  	_ = 	snop  }
__scs_overlays_trampoline_lowered:
0x8: {  	[smem:$0x3FA3] =	sst s0  }
0x9: {  	[smem:$0x3FA4] =	sst s1  }
0xa: {  	[smem:$0x3FA5] =	sst s2  }
0xb: {  	[smem:$0x3FA6] =	sst s3  }
0xc: {  	[smem:$0x3FA7] =	sst s4  }
0xd: {  	[smem:$0x3FA8] =	sst s5  }
0xe: {  	[smem:$0x3FA9] =	sst s6  }
0xf: {  	[smem:$0x3FAA] =	sst s7  }
0x10: {  	[smem:$0x3FAB] =	sst s8  }
0x11: {  	[smem:$0x3FAC] =	sst s9;
	s0 =	simm.s32 @!p0 $0x0  }
0x12: {  	s1 =	sld [smem:$0x3F92];
	s0 =	simm.s32 @p0 $0x1  }
0x13: {  	[smem:$0x3FAD] =	sst s0;
	s0 =	simm.s32 @!p1 $0x0  }
0x14: {  	s2 =	sld [smem:$0x3F91];
	s0 =	simm.s32 @p1 $0x1  }
0x15: {  	[smem:$0x3FAE] =	sst s0;
	s0 =	simm.s32 @!p2 $0x0  }
0x16: {  	s3 =	sld [smem:$0x3FDB];
	s0 =	simm.s32 @p2 $0x1  }
0x17: {  	s4 =	simm.s32 $0x1BF5;
	[smem:$0x3FB0] =	sst s0  }
0x18: {  	s0 =	sld [smem:$0x3F93];
	_ =	swait.ge [sflag:s4], $0x0  }
0x19: {  	s7 =	sld [smem:$0x3F94]  }
0x1a: {  	s8 =	sadd.s32 $0xFFFFE003, lr  }
0x1b: {  	s9 =	sadd.s32 $0xFFFFFEF7, lr;
	s5 =	simm.s32 $0xFFFFFFFF;
	p2 =	slt.u32 s8, $0xFFFFF086  }
0x1c: {  	p1 =	slt.u32 s9, $0xF7A;
	s5 =	simm.s32 @!p2 $0x0  }
0x1d: {  	s5 =	simm.s32 @p1 $0x1;
	p0 =	seq.s32 s7, s2  }
0x1e: {  	s7 =	smul.u32 @!p0 $0xF7A, s2;
	p2 =	seq.s32 @!p0 s5, $0x0  }
0x1f: {  	s9 =	smul.u32 $0xF7A, s1;
	s8 =	simm.s32 @!p0 $0x1BF5;
	p2 =	por !p2, p0  }
0x20: {  	[sflag:s8] =	ssyncset.s32 @!p0 $0xFFFFF086;
	s6 =	sadd.s32 @!p0 s3, s7;
	s7 =	simm.s32 @!p0 $0x108  }
0x21: {  	s3 =	sadd.s32 s3, s9;
	s6 =	sadd.s32 @!p0 $0x88, s6;
	s7 =	simm.s32 @p2 $0x1082  }
0x22: {  	[simem:s7], [sflag:s8] =	dma.local @!p0 [hbm:s6], $0xF7A  }
0x23: {  	s9 =	sor.u32 $0xD0000000, s2;
	s6 =	simm.s32 $0x108;
	_ =	swait.ge @!p0 [sflag:s8], $0x0  }
0x24: {  	s3 =	sadd.s32 $0x88, s3;
	s6 =	simm.s32 @!p1 $0x1082;
	[sflag:s4] =	ssyncset.s32 $0xFFFFF086  }
0x25: {  	[simem:s6], [sflag:s4] =	dma.local [hbm:s3], $0xF7A  }
0x26: {  	[smem:$0x3F94] =	sst s1;
	(tag) =	ssettag s2;
	_ =	strace s9  }
0x27: {  	s1 =	sld [smem:$0x3FA4]  }
0x28: {  	s2 =	sld [smem:$0x3FA5]  }
0x29: {  	s4 =	sld [smem:$0x3FA7]  }
0x2a: {  	p0 =	seq.s32 s5, $0x0;
	s5 =	sld [smem:$0x3FA8]  }
0x2b: {  	s6 =	sld [smem:$0x3FA9]  }
0x2c: {  	s7 =	sld [smem:$0x3FAA]  }
0x2d: {  	s3 =	simm.s32 $0x108;
	s8 =	sld [smem:$0x3FAB]  }
0x2e: {  	s3 =	simm.s32 @!p0 $0x1082;
	s9 =	sld [smem:$0x3FAC]  }
0x2f: {  	lr =	sadd.s32 s0, s3;
	s0 =	sld [smem:$0x3FA3]  }
0x30: {  	s3 =	sld [smem:$0x3FA6]  }
0x31: {  	[smem:$0x3FAF] =	sst s10  }
0x32: {  	s10 =	sld [smem:$0x3FAD];
	_ =	sdelay $0x3  }
0x33: {  	p0 =	seq.s32 s10, $0x1;
	s10 =	sld [smem:$0x3FAF];
	_ =	sdelay $0x3  }
0x34: {  	[smem:$0x3FAF] =	sst s10  }
0x35: {  	s10 =	sld [smem:$0x3FAE];
	_ =	sdelay $0x3  }
0x36: {  	p1 =	seq.s32 s10, $0x1;
	s10 =	sld [smem:$0x3FAF];
	_ =	sdelay $0x3  }
0x37: {  	[smem:$0x3FAF] =	sst s10  }
0x38: {  	s10 =	sld [smem:$0x3FB0]  }
0x39: {  	_ = 	snop;
	(pc) =	sbr.ind lr, $3  }
0x3a: {  	_ = 	snop  }
0x3b: {  	_ = 	snop  }
0x3c: {  	p2 =	seq.s32 s10, $0x1;
	s10 =	sld [smem:$0x3FAF]  }
0x3d: {  	_ =	shalt  }
0x3e: {  	_ =	shalt  }
0x3f: {  	_ =	shalt  }
0x40: {  	_ =	shalt  }
0x41: {  	_ =	shalt  }
0x42: {  	_ =	shalt  }
0x43: {  	_ =	shalt  }
0x44: {  	_ =	shalt  }
0x45: {  	_ =	shalt  }
0x46: {  	_ =	shalt  }
0x47: {  	_ =	shalt  }
0x48: {  	_ =	shalt  }
0x49: {  	_ =	shalt  }
0x4a: {  	_ =	shalt  }
0x4b: {  	_ =	shalt  }
0x4c: {  	_ =	shalt  }
0x4d: {  	_ =	shalt  }
0x4e: {  	_ =	shalt  }
0x4f: {  	_ =	shalt  }
0x50: {  	_ =	shalt  }
0x51: {  	_ =	shalt  }
0x52: {  	_ =	shalt  }
0x53: {  	_ =	shalt  }
0x54: {  	_ =	shalt  }
0x55: {  	_ =	shalt  }
0x56: {  	_ =	shalt  }
0x57: {  	_ =	shalt  }
0x58: {  	_ =	shalt  }
0x59: {  	_ =	shalt  }
0x5a: {  	_ =	shalt  }
0x5b: {  	_ =	shalt  }
0x5c: {  	_ =	shalt  }
0x5d: {  	_ =	shalt  }
0x5e: {  	_ =	shalt  }
0x5f: {  	_ =	shalt  }
0x60: {  	_ =	shalt  }
0x61: {  	_ =	shalt  }
0x62: {  	_ =	shalt  }
0x63: {  	_ =	shalt  }
0x64: {  	_ =	shalt  }
0x65: {  	_ =	shalt  }
0x66: {  	_ =	shalt  }
0x67: {  	_ =	shalt  }
0x68: {  	_ =	shalt  }
0x69: {  	_ =	shalt  }
0x6a: {  	_ =	shalt  }
0x6b: {  	_ =	shalt  }
0x6c: {  	_ =	shalt  }
0x6d: {  	_ =	shalt  }
0x6e: {  	_ =	shalt  }
0x6f: {  	_ =	shalt  }
0x70: {  	_ =	shalt  }
0x71: {  	_ =	shalt  }
0x72: {  	_ =	shalt  }
0x73: {  	_ =	shalt  }
0x74: {  	_ =	shalt  }
0x75: {  	_ =	shalt  }
0x76: {  	_ =	shalt  }
0x77: {  	_ =	shalt  }
0x78: {  	_ =	shalt  }
0x79: {  	_ =	shalt  }
0x7a: {  	_ =	shalt  }
0x7b: {  	_ =	shalt  }
0x7c: {  	_ =	shalt  }
0x7d: {  	_ =	shalt  }
0x7e: {  	_ =	shalt  }
0x7f: {  	_ =	shalt  }
0x80: {  	_ =	shalt  }
0x81: {  	_ =	shalt  }
0x82: {  	_ =	shalt  }
0x83: {  	_ =	shalt  }
0x84: {  	_ =	shalt  }
0x85: {  	_ =	shalt  }
0x86: {  	_ =	shalt  }
0x87: {  	_ =	shalt  }
.Lfunc_end0:
.L_simem_size_0:
called_computation_lowered:
.L_overlay_start_0:
0x88: {  	s2 =	sld [smem:$0x3FD9]  }
0x89: {  	s3 =	sld [smem:$0x3FFE];
	_ =	sdelay $0x1  }
0x8a: {  	s1 =	srdreg.scid  }
0x8b: {  	s0 =	sand.u32 $0x1, s1  }
0x8c: {  	s15 =	sshll.u32 s0, $0xA;
	s2 =	sadd.s32 s3, s2  }
0x8d: {  	s2 =	sadd.s32 s2, s15  }
0x8e: {  	[smem:$0x3FBB] =	sst s2  }
0x8f: {  	_ = 	snop  }
0x90: {  	s2 =	sld [smem:$0x3FD0];
	_ =	sdelay $0x2  }
0x91: {  	s16 =	simm.s32 $0xB;
	s4 =	simm.s32 $0x10  }
0x92: {  	[smem:s4], [sflag:s16] =	dma.local [hbm:s2], $0x1  }
0x93: {  	_ =	swait.eq [sflag:s16], $0x1  }
0x94: {  	[sflag:s16] =	ssyncset.done $0x0  }
0x95: {  	s17 =	sld [smem:$0x12];
	[sflag:s16] =	ssyncadd.s32 $0xFFFFFFFF  }
0x96: {  	s18 =	sld [smem:$0x13];
	(tm) =	ssettm $0x1  }
0x97: {  	s19 =	sld [smem:$0x3FFB];
	_ =	sdelay $0x3  }
0x98: {  	_ =	strace s19  }
0x99: {  	s4 =	sld [smem:$0x3FFC];
	_ =	sdelay $0x3  }
0x9a: {  	_ =	strace s4  }
0x9b: {  	s4 =	sld [smem:$0x3FFD];
	_ =	sdelay $0x3  }
0x9c: {  	_ =	strace s4  }
0x9d: {  	_ =	strace $0x8FFFFFFF  }
0x9e: {  	s20 =	sld [smem:$0x3FDB];
	_ =	sdelay $0x1  }
0x9f: {  	s5 =	simm.s32 $_scs_section_size  }
0xa0: {  	s6 =	simm.s32 $_size__tile_overlayer_lowered;
	s7 =	simm.s32 $_tile_overlayer_lowered  }
0xa1: {  	s23 =	simm.s32 $0x1BFF;
	s22 =	sshll.u32 s7, $0x1;
	s4 =	sadd.s32 s5, s20  }
0xa2: {  	s8 =	simm.s32 $0x0;
	s21 =	sshll.u32 s6, $0x1;
	s6 =	sadd.s32 s22, s4  }
0xa3: {  	[timem:s8], [sflag:s23] =	dma.local [hbm:s6], s21  }
0xa4: {  	_ =	swait.ge [sflag:s23], s21  }
0xa5: {  	s5 =	ssub.s32 $0x0, s21;
	[sflag:s23] =	ssyncset.done $0x0  }
0xa6: {  	[sflag:s23] =	ssyncadd.s32 s5;
	_ =	sdelay $0x1  }
0xa7: {  	s24 =	simm.s32 $0x1B8B  }
0xa8: {  	_ =	swait.ge [sflag:s24], $0x1  }
0xa9: {  	[sflag:s24] =	ssyncset.done $0x0  }
0xaa: {  	s25 =	simm.s32 $0x1B8E;
	[sflag:s24] =	ssyncadd.s32 $0xFFFFFFFF  }
0xab: {  	s26 =	simm.s32 $execute0_lowered;
	[smem:$0x3FD2] =	sst s25  }
0xac: {  	s5 =	sshll.u32 s26, $0x1;
	_ =	strace $0x80000046;
	[dreg:$0x1] =	wrdreg $0xFFFFFFFF  }
0xad: {  	s28 =	simm.s32 $_size_execute0_lowered;
	s4 =	sadd.s32 s4, s5;
	[dreg:$0x0] =	wrdreg $0x0  }
0xae: {  	s5 =	sshll.u32 s28, $0x1;
	[dreg:$0x2] =	wrdreg s4  }
0xaf: {  	[dreg:$0x3] =	wrdreg s5  }
0xb0: {  	[dreg:$0x4] =	wrdreg $0xC0  }
0xb1: {  	_ =	task [dreg:s8], $0x5FFFF  }
0xb2: {  	[dreg:$0x1] =	wrdreg $0xFFFFFFFF  }
0xb3: {  	[dreg:$0x0] =	wrdreg $0x60  }
0xb4: {  	[dreg:$0x2] =	wrdreg s17  }
0xb5: {  	[dreg:$0x3] =	wrdreg s18  }
0xb6: {  	[dreg:$0x4] =	wrdreg $0x9  }
0xb7: {  	_ =	task.clear_ibuf [dreg:s8], $0x5FFFF;
	_ =	strace $0x90000046  }
0xb8: {  	s29 =	simm.s32 $0x9;
	_ =	strace $0x80000048  }
0xb9: {  	_ =	swait.ge [sflag:s29], $0x1  }
0xba: {  	[sflag:s29] =	ssyncadd.s32 $0xFFFFFFFF  }
0xbb: {  	_ =	strace $0x90000048  }
0xbc: {  	_ =	sfence  }
0xbd: {  	s30 =	sld [smem:$0x0];
	_ =	sdelay $0x2  }
0xbe: {  	s31 =	sshll.u32 s1, $0xD;
	s1 =	sshrl.u32 s1, $0x2  }
0xbf: {  	s3 =	sand.u32 $0x4000, s31;
	s1 =	sadd.s32 s1, s30  }
0xc0: {  	s0 =	sor.u32 s3, s0;
	s1 =	sshll.u32 s1, $0x11  }
0xc1: {  	s0 =	sor.u32 s1, s0  }
0xc2: {  	s0 =	sadd.s32 $0x8F2B, s0  }
0xc3: {  	[sflag:s0] =	ssyncadd.remote.s32 $0x1  }
0xc4: {  	_ =	sfence.sel $0xFFFF  }
0xc5: {  	[dreg:$0x0] =	wrdreg $0xFFFFFFFF;
	(pc) =	sbr.abs _section_cstart, $3  }
0xc6: {  	[dreg:$0x1] =	wrdreg $0xFFFFFFFF  }
0xc7: {  	_ =	task.clear_ibuf [dreg:s8], $0x2FFFF;
	_ =	strace $0x9FFFFFFF  }
0xc8: {  	(tm) =	ssettm $0x7FFFFFFF  }
0xc9: {  	_ =	shalt  }
tec
execute0_lowered:
.L_overlay_start_1:
0x0: {  	(tag) =	ssettag $0x1  }
0x1: {  	s5 =	srdreg.scid  }
0x2: {  	s1 =	stileid.u32;
	s5 =	sand.u32 $0x1, s5  }
0x3: {  	s7 =	sshll.u32 s1, $0x8;
	s6 =	ssub.s32 $0x2, s5;
	s5 =	sshll.u32 s5, $0x7  }
0x4: {  	s4 =	rddreg [dreg:$0x0];
	s5 =	sor.u32 s5, s7  }
0x5: {  	s2 =	rddreg [dreg:$0x1];
	s3 =	simm.s32 $0x0;
	s28 =	sor.u32 $0x1, s5  }
0x6: {  	[smem:$0x7FF] =	sst s3;
	s29 =	sor.u32 $0x2, s5;
	v0 =	vmov s28  }
0x7: {  	s0 =	rddreg [dreg:$0x2];
	_ =	strace $0x80000047;
	s30 =	sor.u32 $0x3, s5;
	[tilespmem:$0x1FBF0] =	vst v0;
	v0 =	vmov s29  }
0x8: {  	s31 =	sor.u32 $0x4, s5;
	[tilespmem:$0x1FC00] =	vst v0;
	v0 =	vmov s30  }
0x9: {  	s9 =	sor.u32 $0x5, s5;
	[tilespmem:$0x1FC10] =	vst v0;
	v0 =	vmov s31  }
0xa: {  	s10 =	sor.u32 $0x6, s5;
	[tilespmem:$0x1FC20] =	vst v0;
	v0 =	vmov s9  }
0xb: {  	s11 =	sor.u32 $0x7, s5;
	[tilespmem:$0x1FC30] =	vst v0;
	v0 =	vmov s10  }
0xc: {  	s12 =	sor.u32 $0x8, s5;
	[tilespmem:$0x1FC40] =	vst v0;
	v0 =	vmov s11  }
0xd: {  	s13 =	sor.u32 $0x9, s5;
	[tilespmem:$0x1FC50] =	vst v0;
	v0 =	vmov s12  }
0xe: {  	s14 =	sor.u32 $0xA, s5;
	[tilespmem:$0x1FC60] =	vst v0;
	v0 =	vmov s13  }
0xf: {  	s15 =	sor.u32 $0xB, s5;
	[tilespmem:$0x1FC70] =	vst v0;
	v0 =	vmov s14  }
0x10: {  	s16 =	sor.u32 $0xC, s5;
	[tilespmem:$0x1FC80] =	vst v0;
	v0 =	vmov s15  }
0x11: {  	s17 =	sor.u32 $0xD, s5;
	[tilespmem:$0x1FC90] =	vst v0;
	v0 =	vmov s16  }
0x12: {  	s18 =	sor.u32 $0xE, s5;
	[tilespmem:$0x1FCA0] =	vst v0;
	v0 =	vmov s17  }
0x13: {  	s19 =	sor.u32 $0xF, s5;
	[tilespmem:$0x1FCB0] =	vst v0;
	v0 =	vmov s18  }
0x14: {  	s20 =	sor.u32 $0x10, s5;
	[tilespmem:$0x1FCC0] =	vst v0;
	v0 =	vmov s19  }
0x15: {  	s21 =	sor.u32 $0x11, s5;
	[tilespmem:$0x1FCD0] =	vst v0;
	v0 =	vmov s20  }
0x16: {  	s22 =	sor.u32 $0x12, s5;
	[tilespmem:$0x1FCE0] =	vst v0;
	v0 =	vmov s21  }
0x17: {  	s23 =	sor.u32 $0x13, s5;
	[tilespmem:$0x1FCF0] =	vst v0;
	v0 =	vmov s22  }
0x18: {  	s24 =	sor.u32 $0x14, s5;
	[tilespmem:$0x1FD00] =	vst v0;
	v0 =	vmov s23  }
0x19: {  	s25 =	sor.u32 $0x15, s5;
	[tilespmem:$0x1FD10] =	vst v0;
	v0 =	vmov s24  }
0x1a: {  	s26 =	sor.u32 $0x16, s5;
	[tilespmem:$0x1FD20] =	vst v0;
	v0 =	vmov s25  }
0x1b: {  	s28 =	sor.u32 $0x17, s5;
	[tilespmem:$0x1FD30] =	vst v0;
	v0 =	vmov s26  }
0x1c: {  	s29 =	sor.u32 $0x18, s5;
	[tilespmem:$0x1FD40] =	vst v0;
	v0 =	vmov s28  }
0x1d: {  	s30 =	sor.u32 $0x19, s5;
	[tilespmem:$0x1FD50] =	vst v0;
	v0 =	vmov s29  }
0x1e: {  	s31 =	sor.u32 $0x1A, s5;
	[tilespmem:$0x1FD60] =	vst v0;
	v0 =	vmov s30  }
0x1f: {  	s10 =	sor.u32 $0x1B, s5;
	[tilespmem:$0x1FD70] =	vst v0;
	v0 =	vmov s31  }
0x20: {  	s11 =	sor.u32 $0x1C, s5;
	[tilespmem:$0x1FD80] =	vst v0;
	v0 =	vmov s10  }
0x21: {  	s12 =	sor.u32 $0x1D, s5;
	[tilespmem:$0x1FD90] =	vst v0;
	v0 =	vmov s11  }
0x22: {  	s13 =	sor.u32 $0x1E, s5;
	[tilespmem:$0x1FDA0] =	vst v0;
	v0 =	vmov s12  }
0x23: {  	s14 =	sor.u32 $0x1F, s5;
	[tilespmem:$0x1FDB0] =	vst v0;
	v0 =	vmov s13  }
0x24: {  	s15 =	sor.u32 $0x20, s5;
	[tilespmem:$0x1FDC0] =	vst v0;
	v0 =	vmov s14  }
0x25: {  	s16 =	sor.u32 $0x21, s5;
	[tilespmem:$0x1FDD0] =	vst v0;
	v0 =	vmov s15  }
0x26: {  	s17 =	sor.u32 $0x22, s5;
	[tilespmem:$0x1FDE0] =	vst v0;
	v0 =	vmov s16  }
0x27: {  	s18 =	sor.u32 $0x23, s5;
	[tilespmem:$0x1FDF0] =	vst v0;
	v0 =	vmov s17  }
0x28: {  	s19 =	sor.u32 $0x24, s5;
	[tilespmem:$0x1FE00] =	vst v0;
	v0 =	vmov s18  }
0x29: {  	s20 =	sor.u32 $0x25, s5;
	[tilespmem:$0x1FE10] =	vst v0;
	v0 =	vmov s19  }
0x2a: {  	s21 =	sor.u32 $0x26, s5;
	[tilespmem:$0x1FE20] =	vst v0;
	v0 =	vmov s20  }
0x2b: {  	s22 =	sor.u32 $0x27, s5;
	[tilespmem:$0x1FE30] =	vst v0;
	v0 =	vmov s21  }
0x2c: {  	s23 =	sor.u32 $0x28, s5;
	[tilespmem:$0x1FE40] =	vst v0;
	v0 =	vmov s22  }
0x2d: {  	s24 =	sor.u32 $0x29, s5;
	[tilespmem:$0x1FE50] =	vst v0;
	v0 =	vmov s23  }
0x2e: {  	s25 =	sor.u32 $0x2A, s5;
	[tilespmem:$0x1FE60] =	vst v0;
	v0 =	vmov s24  }
0x2f: {  	s26 =	sor.u32 $0x2B, s5;
	[tilespmem:$0x1FE70] =	vst v0;
	v0 =	vmov s25  }
0x30: {  	s8 =	sshrl.u32 s6, $0x1;
	s28 =	sor.u32 $0x2C, s5;
	[tilespmem:$0x1FE80] =	vst v0;
	v0 =	vmov s26  }
0x31: {  	s6 =	ssub.s32 s6, s8;
	s7 =	sshrl.u32 s5, $0x3;
	s29 =	sor.u32 $0x2D, s5;
	[tilespmem:$0x1FE90] =	vst v0;
	v0 =	vmov s28  }
0x32: {  	s8 =	simm.s32 $0x1;
	s4 =	sadd.s32 s4, s7;
	s30 =	sor.u32 $0x2E, s5;
	[tilespmem:$0x1FEA0] =	vst v0;
	v0 =	vmov s29  }
0x33: {  	v56 =	vmov s5;
	s31 =	sor.u32 $0x2F, s5;
	s29 =	sor.u32 $0x42, s5;
	[tilespmem:$0x1FEB0] =	vst v0;
	v0 =	vmov s30;
	s30 =	sor.u32 $0x43, s5  }
0x34: {  	s10 =	sor.u32 $0x30, s5;
	v1 =	vmov s29;
	s29 =	sor.u32 $0x57, s5;
	[tilespmem:$0x1FEC0] =	vst v0;
	v0 =	vmov s31;
	s31 =	sor.u32 $0x45, s5;
	v2 =	vmov s30  }
0x35: {  	s11 =	sor.u32 $0x31, s5;
	s30 =	sor.u32 $0x58, s5;
	v22 =	vmov s29;
	s29 =	sor.u32 $0x69, s5;
	[tilespmem:$0x1FED0] =	vst v0;
	v0 =	vmov s10;
	v4 =	vmov s31  }
0x36: {  	s10 =	sor.u32 $0x44, s5;
	s31 =	sor.u32 $0x59, s5;
	v23 =	vmov s30;
	s30 =	sor.u32 $0x6A, s5;
	v40 =	vmov s29;
	[tilespmem:$0x1FEE0] =	vst v0;
	v0 =	vmov s11  }
0x37: {  	s12 =	sor.u32 $0x32, s5;
	s29 =	sor.u32 $0x7B, s5;
	s11 =	sor.u32 $0x46, s5;
	v3 =	vmov s10;
	v24 =	vmov s31;
	v41 =	vmov s30  }
0x38: {  	s13 =	sor.u32 $0x33, s5;
	s31 =	sor.u32 $0x6B, s5;
	s30 =	sor.u32 $0x7C, s5;
	v59 =	vmov s29;
	[tilespmem:$0x1FEF0] =	vst v0;
	v0 =	vmov s12;
	v5 =	vmov s11  }
0x39: {  	s14 =	sor.u32 $0x34, s5;
	s12 =	sor.u32 $0x47, s5;
	v42 =	vmov s31;
	s31 =	sor.u32 $0x7D, s5;
	v60 =	vmov s30;
	[tilespmem:$0x1FF00] =	vst v0;
	v0 =	vmov s13  }
0x3a: {  	s15 =	sor.u32 $0x35, s5;
	s13 =	sor.u32 $0x48, s5;
	v6 =	vmov s12;
	v61 =	vmov s31;
	[tilespmem:$0x1FF10] =	vst v0;
	v0 =	vmov s14;
	s14 =	sor.u32 $0x49, s5  }
0x3b: {  	s16 =	sor.u32 $0x36, s5;
	v7 =	vmov s13;
	s13 =	sor.u32 $0x5A, s5;
	[tilespmem:$0x1FF20] =	vst v0;
	v0 =	vmov s15;
	s15 =	sor.u32 $0x4A, s5;
	v8 =	vmov s14  }
0x3c: {  	s17 =	sor.u32 $0x37, s5;
	s14 =	sor.u32 $0x5B, s5;
	v25 =	vmov s13;
	s13 =	sor.u32 $0x6C, s5;
	[tilespmem:$0x1FF30] =	vst v0;
	v0 =	vmov s16;
	v9 =	vmov s15  }
0x3d: {  	s16 =	sor.u32 $0x4B, s5;
	s15 =	sor.u32 $0x5C, s5;
	v26 =	vmov s14;
	s14 =	sor.u32 $0x6D, s5;
	v43 =	vmov s13;
	[tilespmem:$0x1FF40] =	vst v0;
	v0 =	vmov s17  }
0x3e: {  	s18 =	sor.u32 $0x38, s5;
	s13 =	sor.u32 $0x7E, s5;
	s17 =	sor.u32 $0x4C, s5;
	v10 =	vmov s16;
	v27 =	vmov s15;
	v44 =	vmov s14  }
0x3f: {  	s16 =	sor.u32 $0x5D, s5;
	s15 =	sor.u32 $0x6E, s5;
	s14 =	sor.u32 $0x7F, s5;
	v62 =	vmov s13;
	[tilespmem:$0x1FF50] =	vst v0;
	v0 =	vmov s18;
	v11 =	vmov s17  }
0x40: {  	s19 =	sor.u32 $0x39, s5;
	s18 =	sor.u32 $0x4D, s5;
	s17 =	sor.u32 $0x5E, s5;
	v28 =	vmov s16;
	v45 =	vmov s15;
	v63 =	vmov s14  }
0x41: {  	s20 =	sor.u32 $0x3A, s5;
	s16 =	sor.u32 $0x6F, s5;
	[tilespmem:$0x1FF60] =	vst v0;
	v0 =	vmov s19;
	s19 =	sor.u32 $0x4E, s5;
	v12 =	vmov s18;
	v29 =	vmov s17  }
0x42: {  	s21 =	sor.u32 $0x3B, s5;
	s18 =	sor.u32 $0x5F, s5;
	s17 =	sor.u32 $0x70, s5;
	v46 =	vmov s16;
	[tilespmem:$0x1FF70] =	vst v0;
	v0 =	vmov s20;
	v13 =	vmov s19  }
0x43: {  	s20 =	sor.u32 $0x4F, s5;
	s19 =	sor.u32 $0x60, s5;
	v30 =	vmov s18;
	s18 =	sor.u32 $0x71, s5;
	v47 =	vmov s17;
	[tilespmem:$0x1FF80] =	vst v0;
	v0 =	vmov s21  }
0x44: {  	s22 =	sor.u32 $0x3C, s5;
	s21 =	sor.u32 $0x50, s5;
	v14 =	vmov s20;
	s20 =	sor.u32 $0x61, s5;
	v31 =	vmov s19;
	v48 =	vmov s18  }
0x45: {  	s23 =	sor.u32 $0x3D, s5;
	s19 =	sor.u32 $0x72, s5;
	[tilespmem:$0x1FF90] =	vst v0;
	v0 =	vmov s22;
	s22 =	sor.u32 $0x51, s5;
	v15 =	vmov s21;
	v32 =	vmov s20  }
0x46: {  	s24 =	sor.u32 $0x3E, s5;
	s21 =	sor.u32 $0x62, s5;
	s20 =	sor.u32 $0x73, s5;
	v49 =	vmov s19;
	[tilespmem:$0x1FFA0] =	vst v0;
	v0 =	vmov s23;
	v16 =	vmov s22  }
0x47: {  	s23 =	sor.u32 $0x52, s5;
	s22 =	sor.u32 $0x63, s5;
	v33 =	vmov s21;
	s21 =	sor.u32 $0x74, s5;
	v50 =	vmov s20;
	[tilespmem:$0x1FFB0] =	vst v0;
	v0 =	vmov s24  }
0x48: {  	s25 =	sor.u32 $0x3F, s5;
	s24 =	sor.u32 $0x53, s5;
	v17 =	vmov s23;
	s23 =	sor.u32 $0x64, s5;
	v34 =	vmov s22;
	v51 =	vmov s21  }
0x49: {  	s26 =	sor.u32 $0x40, s5;
	s22 =	sor.u32 $0x75, s5;
	[tilespmem:$0x1FFC0] =	vst v0;
	v0 =	vmov s25;
	s25 =	sor.u32 $0x54, s5;
	v18 =	vmov s24;
	v35 =	vmov s23  }
0x4a: {  	s28 =	sor.u32 $0x41, s5;
	s24 =	sor.u32 $0x65, s5;
	s23 =	sor.u32 $0x76, s5;
	v52 =	vmov s22;
	[tilespmem:$0x1FFD0] =	vst v0;
	v0 =	vmov s26;
	v19 =	vmov s25  }
0x4b: {  	s26 =	sor.u32 $0x55, s5;
	s25 =	sor.u32 $0x66, s5;
	v36 =	vmov s24;
	v53 =	vmov s23;
	[tilespmem:$0x1FFE0] =	vst v0;
	v0 =	vmov s28;
	s28 =	sor.u32 $0x56, s5  }
0x4c: {  	s24 =	sor.u32 $0x77, s5;
	v20 =	vmov s26;
	s26 =	sor.u32 $0x67, s5;
	v37 =	vmov s25;
	v21 =	vmov s28;
	s28 =	sor.u32 $0x68, s5  }
0x4d: {  	s25 =	sor.u32 $0x78, s5;
	v54 =	vmov s24;
	v38 =	vmov s26;
	s26 =	sor.u32 $0x79, s5;
	v39 =	vmov s28;
	s28 =	sor.u32 $0x7A, s5  }
0x4e: {  	s7 =	simm.s32 $0x80;
	[tilespmem:$0x1FFF0] =	vst v0;
	v55 =	vmov s25;
	v57 =	vmov s26;
	s5 =	smax.u32 s6, $0x1;
	s6 =	simm.s32 $0x2;
	v58 =	vmov s28  }
.LBB2_1:
0x4f: {  	[tilespmem:s3], [sflag:$0x2] =	stream.linear.gather [hbm4b:s4+s3], $0x80, $0x38;
	[tilespmem:$0x880] =	vst v63  }
0x50: {  	_ =	swait.ge [sflag:s6], $0x80  }
0x51: {  	v0 =	vld [tilespmem:$0x1FBF0];
	_ =	sdelay $0x2  }
0x52: {  	[sflag:s6] =	ssyncset.done $0x0  }
0x53: {  	[sflag:s6] =	ssyncadd.s32 $0xFFFFFF80  }
0x54: {  	[tilespmem:$0x90] =	vst v0;
	v0 =	vld [tilespmem:$0x1FC00];
	_ =	sdelay $0x4  }
0x55: {  	[tilespmem:$0xA0] =	vst v0;
	v0 =	vld [tilespmem:$0x1FC10];
	_ =	sdelay $0x4  }
0x56: {  	[tilespmem:$0xB0] =	vst v0;
	v0 =	vld [tilespmem:$0x1FC20];
	_ =	sdelay $0x4  }
0x57: {  	[tilespmem:$0xC0] =	vst v0;
	v0 =	vld [tilespmem:$0x1FC30];
	_ =	sdelay $0x4  }
0x58: {  	[tilespmem:$0xD0] =	vst v0;
	v0 =	vld [tilespmem:$0x1FC40];
	_ =	sdelay $0x4  }
0x59: {  	[tilespmem:$0xE0] =	vst v0;
	v0 =	vld [tilespmem:$0x1FC50];
	_ =	sdelay $0x4  }
0x5a: {  	[tilespmem:$0xF0] =	vst v0;
	v0 =	vld [tilespmem:$0x1FC60];
	_ =	sdelay $0x4  }
0x5b: {  	[tilespmem:$0x100] =	vst v0;
	v0 =	vld [tilespmem:$0x1FC70];
	_ =	sdelay $0x4  }
0x5c: {  	[tilespmem:$0x110] =	vst v0;
	v0 =	vld [tilespmem:$0x1FC80];
	_ =	sdelay $0x4  }
0x5d: {  	[tilespmem:$0x120] =	vst v0;
	v0 =	vld [tilespmem:$0x1FC90];
	_ =	sdelay $0x4  }
0x5e: {  	[tilespmem:$0x130] =	vst v0;
	v0 =	vld [tilespmem:$0x1FCA0];
	_ =	sdelay $0x4  }
0x5f: {  	[tilespmem:$0x140] =	vst v0;
	v0 =	vld [tilespmem:$0x1FCB0];
	_ =	sdelay $0x4  }
0x60: {  	[tilespmem:$0x150] =	vst v0;
	v0 =	vld [tilespmem:$0x1FCC0];
	_ =	sdelay $0x4  }
0x61: {  	[tilespmem:$0x160] =	vst v0;
	v0 =	vld [tilespmem:$0x1FCD0];
	_ =	sdelay $0x4  }
0x62: {  	[tilespmem:$0x170] =	vst v0;
	v0 =	vld [tilespmem:$0x1FCE0];
	_ =	sdelay $0x4  }
0x63: {  	[tilespmem:$0x180] =	vst v0;
	v0 =	vld [tilespmem:$0x1FCF0];
	_ =	sdelay $0x4  }
0x64: {  	[tilespmem:$0x190] =	vst v0;
	v0 =	vld [tilespmem:$0x1FD00];
	_ =	sdelay $0x4  }
0x65: {  	[tilespmem:$0x1A0] =	vst v0;
	v0 =	vld [tilespmem:$0x1FD10];
	_ =	sdelay $0x4  }
0x66: {  	[tilespmem:$0x1B0] =	vst v0;
	v0 =	vld [tilespmem:$0x1FD20];
	_ =	sdelay $0x4  }
0x67: {  	[tilespmem:$0x1C0] =	vst v0;
	v0 =	vld [tilespmem:$0x1FD30];
	_ =	sdelay $0x4  }
0x68: {  	[tilespmem:$0x1D0] =	vst v0;
	v0 =	vld [tilespmem:$0x1FD40];
	_ =	sdelay $0x4  }
0x69: {  	[tilespmem:$0x1E0] =	vst v0;
	v0 =	vld [tilespmem:$0x1FD50];
	_ =	sdelay $0x4  }
0x6a: {  	[tilespmem:$0x1F0] =	vst v0;
	v0 =	vld [tilespmem:$0x1FD60];
	_ =	sdelay $0x4  }
0x6b: {  	[tilespmem:$0x200] =	vst v0;
	v0 =	vld [tilespmem:$0x1FD70];
	_ =	sdelay $0x4  }
0x6c: {  	[tilespmem:$0x210] =	vst v0;
	v0 =	vld [tilespmem:$0x1FD80];
	_ =	sdelay $0x4  }
0x6d: {  	[tilespmem:$0x220] =	vst v0;
	v0 =	vld [tilespmem:$0x1FD90];
	_ =	sdelay $0x4  }
0x6e: {  	[tilespmem:$0x230] =	vst v0;
	v0 =	vld [tilespmem:$0x1FDA0];
	_ =	sdelay $0x4  }
0x6f: {  	[tilespmem:$0x240] =	vst v0;
	v0 =	vld [tilespmem:$0x1FDB0];
	_ =	sdelay $0x4  }
0x70: {  	[tilespmem:$0x250] =	vst v0;
	v0 =	vld [tilespmem:$0x1FDC0];
	_ =	sdelay $0x4  }
0x71: {  	[tilespmem:$0x260] =	vst v0;
	v0 =	vld [tilespmem:$0x1FDD0];
	_ =	sdelay $0x4  }
0x72: {  	[tilespmem:$0x270] =	vst v0;
	v0 =	vld [tilespmem:$0x1FDE0];
	_ =	sdelay $0x4  }
0x73: {  	[tilespmem:$0x280] =	vst v0;
	v0 =	vld [tilespmem:$0x1FDF0];
	_ =	sdelay $0x4  }
0x74: {  	[tilespmem:$0x290] =	vst v0;
	v0 =	vld [tilespmem:$0x1FE00];
	_ =	sdelay $0x4  }
0x75: {  	[tilespmem:$0x2A0] =	vst v0;
	v0 =	vld [tilespmem:$0x1FE10];
	_ =	sdelay $0x4  }
0x76: {  	[tilespmem:$0x2B0] =	vst v0;
	v0 =	vld [tilespmem:$0x1FE20];
	_ =	sdelay $0x4  }
0x77: {  	[tilespmem:$0x2C0] =	vst v0;
	v0 =	vld [tilespmem:$0x1FE30];
	_ =	sdelay $0x4  }
0x78: {  	[tilespmem:$0x2D0] =	vst v0;
	v0 =	vld [tilespmem:$0x1FE40];
	_ =	sdelay $0x4  }
0x79: {  	[tilespmem:$0x2E0] =	vst v0;
	v0 =	vld [tilespmem:$0x1FE50];
	_ =	sdelay $0x4  }
0x7a: {  	[tilespmem:$0x2F0] =	vst v0;
	v0 =	vld [tilespmem:$0x1FE60];
	_ =	sdelay $0x4  }
0x7b: {  	[tilespmem:$0x300] =	vst v0;
	v0 =	vld [tilespmem:$0x1FE70];
	_ =	sdelay $0x4  }
0x7c: {  	[tilespmem:$0x310] =	vst v0;
	v0 =	vld [tilespmem:$0x1FE80];
	_ =	sdelay $0x4  }
0x7d: {  	[tilespmem:$0x320] =	vst v0;
	v0 =	vld [tilespmem:$0x1FE90];
	_ =	sdelay $0x4  }
0x7e: {  	[tilespmem:$0x330] =	vst v0;
	v0 =	vld [tilespmem:$0x1FEA0];
	_ =	sdelay $0x4  }
0x7f: {  	[tilespmem:$0x340] =	vst v0;
	v0 =	vld [tilespmem:$0x1FEB0];
	_ =	sdelay $0x4  }
0x80: {  	[tilespmem:$0x350] =	vst v0;
	v0 =	vld [tilespmem:$0x1FEC0];
	_ =	sdelay $0x4  }
0x81: {  	[tilespmem:$0x360] =	vst v0;
	v0 =	vld [tilespmem:$0x1FED0];
	_ =	sdelay $0x4  }
0x82: {  	[tilespmem:$0x370] =	vst v0;
	v0 =	vld [tilespmem:$0x1FEE0];
	_ =	sdelay $0x4  }
0x83: {  	[tilespmem:$0x380] =	vst v0;
	v0 =	vld [tilespmem:$0x1FEF0];
	_ =	sdelay $0x4  }
0x84: {  	[tilespmem:$0x390] =	vst v0;
	v0 =	vld [tilespmem:$0x1FF00];
	_ =	sdelay $0x1  }
0x85: {  	[tilespmem:$0x80] =	vst v56  }
0x86: {  	[tilespmem:$0x4A0] =	vst v1  }
0x87: {  	[tilespmem:$0x4B0] =	vst v2  }
0x88: {  	[tilespmem:$0x3A0] =	vst v0;
	v0 =	vld [tilespmem:$0x1FF10]  }
0x89: {  	[tilespmem:$0x4C0] =	vst v3  }
0x8a: {  	[tilespmem:$0x4D0] =	vst v4  }
0x8b: {  	[tilespmem:$0x4E0] =	vst v5  }
0x8c: {  	[tilespmem:$0x4F0] =	vst v6  }
0x8d: {  	[tilespmem:$0x3B0] =	vst v0;
	v0 =	vld [tilespmem:$0x1FF20]  }
0x8e: {  	[tilespmem:$0x500] =	vst v7  }
0x8f: {  	[tilespmem:$0x510] =	vst v8  }
0x90: {  	[tilespmem:$0x520] =	vst v9  }
0x91: {  	[tilespmem:$0x530] =	vst v10  }
0x92: {  	[tilespmem:$0x3C0] =	vst v0;
	v0 =	vld [tilespmem:$0x1FF30]  }
0x93: {  	[tilespmem:$0x540] =	vst v11  }
0x94: {  	[tilespmem:$0x550] =	vst v12  }
0x95: {  	[tilespmem:$0x560] =	vst v13  }
0x96: {  	[tilespmem:$0x570] =	vst v14  }
0x97: {  	[tilespmem:$0x3D0] =	vst v0;
	v0 =	vld [tilespmem:$0x1FF40]  }
0x98: {  	[tilespmem:$0x580] =	vst v15  }
0x99: {  	[tilespmem:$0x590] =	vst v16  }
0x9a: {  	[tilespmem:$0x5A0] =	vst v17  }
0x9b: {  	[tilespmem:$0x5B0] =	vst v18  }
0x9c: {  	[tilespmem:$0x3E0] =	vst v0;
	v0 =	vld [tilespmem:$0x1FF50]  }
0x9d: {  	[tilespmem:$0x5C0] =	vst v19  }
0x9e: {  	[tilespmem:$0x5D0] =	vst v20  }
0x9f: {  	[tilespmem:$0x5E0] =	vst v21  }
0xa0: {  	[tilespmem:$0x5F0] =	vst v22  }
0xa1: {  	[tilespmem:$0x3F0] =	vst v0;
	v0 =	vld [tilespmem:$0x1FF60]  }
0xa2: {  	[tilespmem:$0x600] =	vst v23  }
0xa3: {  	[tilespmem:$0x610] =	vst v24  }
0xa4: {  	[tilespmem:$0x620] =	vst v25  }
0xa5: {  	[tilespmem:$0x630] =	vst v26  }
0xa6: {  	[tilespmem:$0x400] =	vst v0;
	v0 =	vld [tilespmem:$0x1FF70]  }
0xa7: {  	[tilespmem:$0x640] =	vst v27  }
0xa8: {  	[tilespmem:$0x650] =	vst v28  }
0xa9: {  	[tilespmem:$0x660] =	vst v29  }
0xaa: {  	[tilespmem:$0x670] =	vst v30  }
0xab: {  	[tilespmem:$0x410] =	vst v0;
	v0 =	vld [tilespmem:$0x1FF80]  }
0xac: {  	[tilespmem:$0x680] =	vst v31  }
0xad: {  	[tilespmem:$0x690] =	vst v32  }
0xae: {  	[tilespmem:$0x6A0] =	vst v33  }
0xaf: {  	[tilespmem:$0x6B0] =	vst v34  }
0xb0: {  	[tilespmem:$0x420] =	vst v0;
	v0 =	vld [tilespmem:$0x1FF90]  }
0xb1: {  	[tilespmem:$0x6C0] =	vst v35  }
0xb2: {  	[tilespmem:$0x6D0] =	vst v36  }
0xb3: {  	[tilespmem:$0x6E0] =	vst v37  }
0xb4: {  	[tilespmem:$0x6F0] =	vst v38  }
0xb5: {  	[tilespmem:$0x430] =	vst v0;
	v0 =	vld [tilespmem:$0x1FFA0]  }
0xb6: {  	[tilespmem:$0x700] =	vst v39  }
0xb7: {  	[tilespmem:$0x710] =	vst v40  }
0xb8: {  	[tilespmem:$0x720] =	vst v41  }
0xb9: {  	[tilespmem:$0x730] =	vst v42  }
0xba: {  	[tilespmem:$0x440] =	vst v0;
	v0 =	vld [tilespmem:$0x1FFB0]  }
0xbb: {  	[tilespmem:$0x740] =	vst v43  }
0xbc: {  	[tilespmem:$0x750] =	vst v44  }
0xbd: {  	[tilespmem:$0x760] =	vst v45  }
0xbe: {  	[tilespmem:$0x770] =	vst v46  }
0xbf: {  	[tilespmem:$0x450] =	vst v0;
	v0 =	vld [tilespmem:$0x1FFC0]  }
0xc0: {  	[tilespmem:$0x780] =	vst v47  }
0xc1: {  	[tilespmem:$0x790] =	vst v48  }
0xc2: {  	[tilespmem:$0x7A0] =	vst v49  }
0xc3: {  	[tilespmem:$0x7B0] =	vst v50  }
0xc4: {  	[tilespmem:$0x460] =	vst v0;
	v0 =	vld [tilespmem:$0x1FFD0]  }
0xc5: {  	[tilespmem:$0x7C0] =	vst v51  }
0xc6: {  	[tilespmem:$0x7D0] =	vst v52  }
0xc7: {  	[tilespmem:$0x7E0] =	vst v53  }
0xc8: {  	[tilespmem:$0x7F0] =	vst v54  }
0xc9: {  	[tilespmem:$0x470] =	vst v0;
	v0 =	vld [tilespmem:$0x1FFE0]  }
0xca: {  	[tilespmem:$0x800] =	vst v55  }
0xcb: {  	[tilespmem:$0x810] =	vst v57  }
0xcc: {  	[tilespmem:$0x820] =	vst v58  }
0xcd: {  	[tilespmem:$0x830] =	vst v59  }
0xce: {  	[tilespmem:$0x480] =	vst v0;
	v0 =	vld [tilespmem:$0x1FFF0]  }
0xcf: {  	[tilespmem:$0x840] =	vst v60  }
0xd0: {  	[tilespmem:$0x850] =	vst v61  }
0xd1: {  	[tilespmem:$0x860] =	vst v62  }
0xd2: {  	p0 =	sne.s32 s5, $0x1;
	[tilespmem:$0x870] =	vst v63  }
.Ltmp0:
0xd3: {  	[tilespmem:$0x490] =	vst v0;
	(pc) =	sbr.rel @p0 .LBB2_1-.Ltmp0, $4  }
0xd4: {  	[hbm4b:s2+s7] =	stream.indirect.scatter [tilespmem:s7], [sflag:$0x1], $0x10, s3, s7, $0xb8;
	[tilespmem:$0x880] =	vst v63  }
0xd5: {  	_ =	swait.ge [sflag:s8], $0x800  }
0xd6: {  	[sflag:s8] =	ssyncset.done $0x0  }
0xd7: {  	s5 =	sadd.s32 $0xFFFFFFFF, s5;
	[sflag:s8] =	ssyncadd.s32 $0xFFFFF800  }
0xd8: {  	_ =	sfence.sel $0x180000  }
0xd9: {  	[bflag:$0x0] =	sbarrier.arrive $0xFFFF  }
0xda: {  	p0 =	sne.s32 s1, $0x0;
	_ =	strace $0x90000047  }
0xdb: {  	s0 =	sadd.s32 @!p0 $0x100000, s0;
	[bflag:$0x2] =	sbarrier.arrive $0xFFFF  }
0xdc: {  	[sflag:s0] =	ssyncadd.tile.s32 @!p0 $0x1;
	_ =	shalt  }
.Lfunc_end2:
_tile_overlayer_lowered:
.L_overlay_start_2:
0xdd: {  	(tag) =	ssettag $0x2  }
0xde: {  	s0 =	rddreg [dreg:$0x0];
	s2 =	stileid.u32  }
0xdf: {  	s1 =	rddreg [dreg:$0x1];
	p0 =	sne.s32 s2, $0x0  }
0xe0: {  	s3 =	rddreg [dreg:$0x2];
	[bflag:$0x3] =	sbarrier.arrive $0xFFFF;
	s2 =	simm.s32 @!p0 $0x1C02  }
0xe1: {  	[timem:s3], [sflag:s2] =	dma.local @!p0 [hbm:s0], s1  }
0xe2: {  	s0 =	simm.s32 @!p0 $0x2  }
0xe3: {  	_ =	swait.ge @!p0 [sflag:s0], s1  }
0xe4: {  	s1 =	ssub.s32 @!p0 $0x0, s1;
	[sflag:s0] =	ssyncset.done @!p0 $0x0  }
0xe5: {  	[sflag:s0] =	ssyncadd.s32 @!p0 s1  }
0xe6: {  	[bflag:$0x3] =	sbarrier.arrive $0xFFFF  }
0xe7: {  	_ =	shalt  }

</sc_bundles>
